<compile_context>
chip_gen: v7x
topology: tpu7x:2x2x1
jax: 0.10.2.dev20260603
libtpu: 0.0.44.dev20260713+nightly
codegen_flags: <defaults>
</compile_context>

<pallas_src>
import jax
import jax.numpy as jnp
from jax import lax
from jax.experimental import pallas as pl
from jax.experimental.pallas import tpu as pltpu
from jax.experimental.pallas import tpu_sc as plsc

_VOCAB = 100000
_D = 2048
_B = 8192
_NC = 2
_NS = 16
_NW = _NC * _NS
_BPW = _B // _NW
_C = 8
_NCHUNK = _BPW // _C
_NBUF = 7
_LA = 5


def _body(idx_hbm, tab_hbm, out_hbm, idx_v, *rest):
    bufs = rest[:_NBUF]
    gsem = rest[_NBUF:2 * _NBUF]
    ssem = rest[2 * _NBUF:3 * _NBUF]
    wid = lax.axis_index("s") * _NC + lax.axis_index("c")
    base = wid * _BPW

    pltpu.sync_copy(idx_hbm.at[wid], idx_v)

    gh = [None] * _NBUF
    sh = [None] * _NBUF

    for c in range(_LA):
        gh[c % _NBUF] = pltpu.async_copy(
            tab_hbm.at[idx_v.at[c]], bufs[c % _NBUF], gsem[c % _NBUF])

    for j in range(_NCHUNK):
        s = j % _NBUF
        gh[s].wait()
        sh[s] = pltpu.async_copy(
            bufs[s], out_hbm.at[pl.ds(base + j * _C, _C)], ssem[s])
        c = j + _LA
        if c < _NCHUNK:
            cs = c % _NBUF
            if sh[cs] is not None:
                sh[cs].wait()
            gh[cs] = pltpu.async_copy(
                tab_hbm.at[idx_v.at[c]], bufs[cs], gsem[cs])

    for s in range(_NBUF):
        if sh[s] is not None:
            sh[s].wait()


@jax.jit
def _gather(idx, wte):
    run = pl.kernel(
        _body,
        out_type=jax.ShapeDtypeStruct((_B, _D), jnp.float32),
        mesh=plsc.VectorSubcoreMesh(core_axis_name="c", subcore_axis_name="s"),
        scratch_types=(
            [pltpu.VMEM((_NCHUNK, _C), jnp.int32)]
            + [pltpu.VMEM((_C, _D), jnp.float32) for _ in range(_NBUF)]
            + [pltpu.SemaphoreType.DMA for _ in range(2 * _NBUF)]
        ),
    )
    return run(idx, wte)


def kernel(ipt, wte):
    idx = ipt.astype(jnp.int32).reshape(_NW, _NCHUNK, _C)
    out = _gather(idx, wte)
    return out.reshape(ipt.shape[0], ipt.shape[1], _D)

# --- scband reference (transcript-rebuilt; emitter-appended) ---
"""Pipeline reference for scband-embedding-pipe-layer-27573690040673 (READ-ONLY COPY).

The authoritative reference and input builder live on the scoring server;
editing this copy changes nothing except your own understanding.
"""

import jax, jax.numpy as jnp
import numpy as np

VOCAB = 100000
D_MODEL = 2048
BATCH = 4
SEQ = 2048

def setup_inputs(seed: int = 0) -> dict:
    key = jax.random.key(seed)
    k_idx, k_tab = jax.random.split(key)
    ipt = jax.random.randint(k_idx, (BATCH, SEQ), 0, VOCAB, dtype=jnp.int64 if jax.config.jax_enable_x64 else jnp.int32)
    wte = jax.random.normal(k_tab, (VOCAB, D_MODEL), dtype=jnp.float32) * 0.02
    return {"ipt": ipt, "wte": wte}

def reference(ipt, wte):
    # forward: llm_tokens = ipt.long(); return word_embeddings(llm_tokens)
    llm_tokens = ipt.astype(jnp.int32)
    return jnp.take(wte, llm_tokens, axis=0)

if __name__ == "__main__":
    import jax
    _d = setup_inputs()
    print(jax.jit(kernel)(*tuple(_d.values())))

</pallas_src>

<mosaic_0001>
#map = affine_map<(d0, d1) -> (0, 0, 0)>
#map1 = affine_map<(d0, d1) -> (0, 0)>
module attributes {stable_mosaic.version = 14 : i64} {
  func.func @_body(%arg0: i32, %arg1: i32, %arg2: memref<32x32x8xi32, #tpu.memory_space<hbm>>, %arg3: memref<100000x2048xf32, #tpu.memory_space<hbm>>, %arg4: memref<8192x2048xf32, #tpu.memory_space<hbm>>, %arg5: memref<32x8xi32, #tpu.memory_space<vmem>>, %arg6: memref<8x2048xf32, #tpu.memory_space<vmem>>, %arg7: memref<8x2048xf32, #tpu.memory_space<vmem>>, %arg8: memref<8x2048xf32, #tpu.memory_space<vmem>>, %arg9: memref<8x2048xf32, #tpu.memory_space<vmem>>, %arg10: memref<8x2048xf32, #tpu.memory_space<vmem>>, %arg11: memref<8x2048xf32, #tpu.memory_space<vmem>>, %arg12: memref<8x2048xf32, #tpu.memory_space<vmem>>, %arg13: memref<!tpu.dma_semaphore, #tpu.memory_space<semaphore_mem>>, %arg14: memref<!tpu.dma_semaphore, #tpu.memory_space<semaphore_mem>>, %arg15: memref<!tpu.dma_semaphore, #tpu.memory_space<semaphore_mem>>, %arg16: memref<!tpu.dma_semaphore, #tpu.memory_space<semaphore_mem>>, %arg17: memref<!tpu.dma_semaphore, #tpu.memory_space<semaphore_mem>>, %arg18: memref<!tpu.dma_semaphore, #tpu.memory_space<semaphore_mem>>, %arg19: memref<!tpu.dma_semaphore, #tpu.memory_space<semaphore_mem>>, %arg20: memref<!tpu.dma_semaphore, #tpu.memory_space<semaphore_mem>>, %arg21: memref<!tpu.dma_semaphore, #tpu.memory_space<semaphore_mem>>, %arg22: memref<!tpu.dma_semaphore, #tpu.memory_space<semaphore_mem>>, %arg23: memref<!tpu.dma_semaphore, #tpu.memory_space<semaphore_mem>>, %arg24: memref<!tpu.dma_semaphore, #tpu.memory_space<semaphore_mem>>, %arg25: memref<!tpu.dma_semaphore, #tpu.memory_space<semaphore_mem>>, %arg26: memref<!tpu.dma_semaphore, #tpu.memory_space<semaphore_mem>>) attributes {dimension_semantics = [#tpu.dimension_semantics<core_parallel>, #tpu.dimension_semantics<subcore_parallel>], iteration_bounds = array<i64: 2, 16>, scalar_prefetch = 0 : i64, scratch_operands = 22 : i64, tpu.core_type = #tpu.core_type<sc_vector_subcore>, window_params = [{transform_indices = #map}, {transform_indices = #map1}, {transform_indices = #map1}]} {
    %mul3A = arith.constant 2 : i32
    %mul3A_0 = arith.muli %arg1, %mul3A : i32
    %add3A = arith.addi %mul3A_0, %arg0 : i32
    %mul3A_1 = arith.constant 256 : i32
    %mul3A_2 = arith.muli %add3A, %mul3A_1 : i32
    "tpu.region"() ({
      %run_scoped3A = tpu.sem_alloc : memref<!tpu.dma_semaphore, #tpu.memory_space<semaphore_mem>>
      %dma_start3A_769 = arith.constant 0 : i32
      %dma_start3A_770 = arith.constant 0 : i32
      %dma_start3A_771 = tpu.memref_slice %arg2[%add3A, %dma_start3A_769, %dma_start3A_770] : memref<32x32x8xi32, #tpu.memory_space<hbm>> -> memref<1x32x8xi32, #tpu.memory_space<hbm>>
      %dma_start3A_772 = tpu.memref_squeeze %dma_start3A_771 : memref<1x32x8xi32, #tpu.memory_space<hbm>> -> memref<32x8xi32, #tpu.memory_space<hbm>>
      %dma_start3A_773 = arith.constant 0 : i32
      %dma_start3A_774 = arith.constant 0 : i32
      %dma_start3A_775 = tpu.memref_slice %arg2[%add3A, %dma_start3A_773, %dma_start3A_774] : memref<32x32x8xi32, #tpu.memory_space<hbm>> -> memref<1x32x8xi32, #tpu.memory_space<hbm>>
      %dma_start3A_776 = tpu.memref_squeeze %dma_start3A_775 : memref<1x32x8xi32, #tpu.memory_space<hbm>> -> memref<32x8xi32, #tpu.memory_space<hbm>>
      tpu.enqueue_dma source(%dma_start3A_776 : memref<32x8xi32, #tpu.memory_space<hbm>>) target(%arg5 : memref<32x8xi32, #tpu.memory_space<vmem>>) target_semaphore(%run_scoped3A : memref<!tpu.dma_semaphore, #tpu.memory_space<semaphore_mem>>)
      %dma_wait3A_777 = arith.constant 0 : i32
      %dma_wait3A_778 = arith.constant 0 : i32
      %dma_wait3A_779 = tpu.memref_slice %arg2[%add3A, %dma_wait3A_777, %dma_wait3A_778] : memref<32x32x8xi32, #tpu.memory_space<hbm>> -> memref<1x32x8xi32, #tpu.memory_space<hbm>>
      %dma_wait3A_780 = tpu.memref_squeeze %dma_wait3A_779 : memref<1x32x8xi32, #tpu.memory_space<hbm>> -> memref<32x8xi32, #tpu.memory_space<hbm>>
      %dma_wait3A_781 = arith.constant 0 : i32
      %dma_wait3A_782 = arith.constant 0 : i32
      %dma_wait3A_783 = tpu.memref_slice %arg2[%add3A, %dma_wait3A_781, %dma_wait3A_782] : memref<32x32x8xi32, #tpu.memory_space<hbm>> -> memref<1x32x8xi32, #tpu.memory_space<hbm>>
      %dma_wait3A_784 = tpu.memref_squeeze %dma_wait3A_783 : memref<1x32x8xi32, #tpu.memory_space<hbm>> -> memref<32x8xi32, #tpu.memory_space<hbm>>
      tpu.wait_dma2 semaphore(%run_scoped3A : memref<!tpu.dma_semaphore, #tpu.memory_space<semaphore_mem>>) src(%dma_wait3A_784 : memref<32x8xi32, #tpu.memory_space<hbm>>) dst(%arg5 : memref<32x8xi32, #tpu.memory_space<vmem>>)
      tpu.yield
    }) : () -> ()
    %dma_start3A = arith.constant 0 : i32
    %dma_start3A_3 = arith.constant 0 : i32
    %dma_start3A_4 = tpu.memref_slice %arg5[%dma_start3A, %dma_start3A_3] : memref<32x8xi32, #tpu.memory_space<vmem>> -> memref<1x8xi32, #tpu.memory_space<vmem>>
    %dma_start3A_5 = tpu.memref_squeeze %dma_start3A_4 : memref<1x8xi32, #tpu.memory_space<vmem>> -> memref<8xi32, #tpu.memory_space<vmem>>
    %dma_start3A_6 = arith.constant 0 : i32
    %dma_start3A_7 = arith.constant 0 : i32
    %dma_start3A_8 = tpu.memref_slice %arg3[%dma_start3A_6, %dma_start3A_7] : memref<100000x2048xf32, #tpu.memory_space<hbm>> -> memref<100000x2048xf32, #tpu.memory_space<hbm>>
    tpu.enqueue_indirect_dma source(%dma_start3A_8 : memref<100000x2048xf32, #tpu.memory_space<hbm>>) target(%arg6 : memref<8x2048xf32, #tpu.memory_space<vmem>>) offsets(%dma_start3A_5 : memref<8xi32, #tpu.memory_space<vmem>>) semaphore(%arg13 : memref<!tpu.dma_semaphore, #tpu.memory_space<semaphore_mem>>)
    %dma_start3A_9 = arith.constant 1 : i32
    %dma_start3A_10 = arith.constant 0 : i32
    %dma_start3A_11 = tpu.memref_slice %arg5[%dma_start3A_9, %dma_start3A_10] : memref<32x8xi32, #tpu.memory_space<vmem>> -> memref<1x8xi32, #tpu.memory_space<vmem>>
    %dma_start3A_12 = tpu.memref_squeeze %dma_start3A_11 : memref<1x8xi32, #tpu.memory_space<vmem>> -> memref<8xi32, #tpu.memory_space<vmem>>
    %dma_start3A_13 = arith.constant 0 : i32
    %dma_start3A_14 = arith.constant 0 : i32
    %dma_start3A_15 = tpu.memref_slice %arg3[%dma_start3A_13, %dma_start3A_14] : memref<100000x2048xf32, #tpu.memory_space<hbm>> -> memref<100000x2048xf32, #tpu.memory_space<hbm>>
    tpu.enqueue_indirect_dma source(%dma_start3A_15 : memref<100000x2048xf32, #tpu.memory_space<hbm>>) target(%arg7 : memref<8x2048xf32, #tpu.memory_space<vmem>>) offsets(%dma_start3A_12 : memref<8xi32, #tpu.memory_space<vmem>>) semaphore(%arg14 : memref<!tpu.dma_semaphore, #tpu.memory_space<semaphore_mem>>)
    %dma_start3A_16 = arith.constant 2 : i32
    %dma_start3A_17 = arith.constant 0 : i32
    %dma_start3A_18 = tpu.memref_slice %arg5[%dma_start3A_16, %dma_start3A_17] : memref<32x8xi32, #tpu.memory_space<vmem>> -> memref<1x8xi32, #tpu.memory_space<vmem>>
    %dma_start3A_19 = tpu.memref_squeeze %dma_start3A_18 : memref<1x8xi32, #tpu.memory_space<vmem>> -> memref<8xi32, #tpu.memory_space<vmem>>
    %dma_start3A_20 = arith.constant 0 : i32
    %dma_start3A_21 = arith.constant 0 : i32
    %dma_start3A_22 = tpu.memref_slice %arg3[%dma_start3A_20, %dma_start3A_21] : memref<100000x2048xf32, #tpu.memory_space<hbm>> -> memref<100000x2048xf32, #tpu.memory_space<hbm>>
    tpu.enqueue_indirect_dma source(%dma_start3A_22 : memref<100000x2048xf32, #tpu.memory_space<hbm>>) target(%arg8 : memref<8x2048xf32, #tpu.memory_space<vmem>>) offsets(%dma_start3A_19 : memref<8xi32, #tpu.memory_space<vmem>>) semaphore(%arg15 : memref<!tpu.dma_semaphore, #tpu.memory_space<semaphore_mem>>)
    %dma_start3A_23 = arith.constant 3 : i32
    %dma_start3A_24 = arith.constant 0 : i32
    %dma_start3A_25 = tpu.memref_slice %arg5[%dma_start3A_23, %dma_start3A_24] : memref<32x8xi32, #tpu.memory_space<vmem>> -> memref<1x8xi32, #tpu.memory_space<vmem>>
    %dma_start3A_26 = tpu.memref_squeeze %dma_start3A_25 : memref<1x8xi32, #tpu.memory_space<vmem>> -> memref<8xi32, #tpu.memory_space<vmem>>
    %dma_start3A_27 = arith.constant 0 : i32
    %dma_start3A_28 = arith.constant 0 : i32
    %dma_start3A_29 = tpu.memref_slice %arg3[%dma_start3A_27, %dma_start3A_28] : memref<100000x2048xf32, #tpu.memory_space<hbm>> -> memref<100000x2048xf32, #tpu.memory_space<hbm>>
    tpu.enqueue_indirect_dma source(%dma_start3A_29 : memref<100000x2048xf32, #tpu.memory_space<hbm>>) target(%arg9 : memref<8x2048xf32, #tpu.memory_space<vmem>>) offsets(%dma_start3A_26 : memref<8xi32, #tpu.memory_space<vmem>>) semaphore(%arg16 : memref<!tpu.dma_semaphore, #tpu.memory_space<semaphore_mem>>)
    %dma_start3A_30 = arith.constant 4 : i32
    %dma_start3A_31 = arith.constant 0 : i32
    %dma_start3A_32 = tpu.memref_slice %arg5[%dma_start3A_30, %dma_start3A_31] : memref<32x8xi32, #tpu.memory_space<vmem>> -> memref<1x8xi32, #tpu.memory_space<vmem>>
    %dma_start3A_33 = tpu.memref_squeeze %dma_start3A_32 : memref<1x8xi32, #tpu.memory_space<vmem>> -> memref<8xi32, #tpu.memory_space<vmem>>
    %dma_start3A_34 = arith.constant 0 : i32
    %dma_start3A_35 = arith.constant 0 : i32
    %dma_start3A_36 = tpu.memref_slice %arg3[%dma_start3A_34, %dma_start3A_35] : memref<100000x2048xf32, #tpu.memory_space<hbm>> -> memref<100000x2048xf32, #tpu.memory_space<hbm>>
    tpu.enqueue_indirect_dma source(%dma_start3A_36 : memref<100000x2048xf32, #tpu.memory_space<hbm>>) target(%arg10 : memref<8x2048xf32, #tpu.memory_space<vmem>>) offsets(%dma_start3A_33 : memref<8xi32, #tpu.memory_space<vmem>>) semaphore(%arg17 : memref<!tpu.dma_semaphore, #tpu.memory_space<semaphore_mem>>)
    %dma_wait3A = arith.constant 0 : i32
    %dma_wait3A_37 = arith.constant 0 : i32
    %dma_wait3A_38 = tpu.memref_slice %arg5[%dma_wait3A, %dma_wait3A_37] : memref<32x8xi32, #tpu.memory_space<vmem>> -> memref<1x8xi32, #tpu.memory_space<vmem>>
    %dma_wait3A_39 = tpu.memref_squeeze %dma_wait3A_38 : memref<1x8xi32, #tpu.memory_space<vmem>> -> memref<8xi32, #tpu.memory_space<vmem>>
    %dma_wait3A_40 = arith.constant 0 : i32
    %dma_wait3A_41 = arith.constant 0 : i32
    %dma_wait3A_42 = tpu.memref_slice %arg3[%dma_wait3A_40, %dma_wait3A_41] : memref<100000x2048xf32, #tpu.memory_space<hbm>> -> memref<100000x2048xf32, #tpu.memory_space<hbm>>
    tpu.wait_indirect_dma semaphore(%arg13 : memref<!tpu.dma_semaphore, #tpu.memory_space<semaphore_mem>>) src(%dma_wait3A_42 : memref<100000x2048xf32, #tpu.memory_space<hbm>>) dst(%arg6 : memref<8x2048xf32, #tpu.memory_space<vmem>>)
    %add3A_43 = arith.constant 0 : i32
    %add3A_44 = arith.addi %mul3A_2, %add3A_43 : i32
    %dma_start3A_45 = arith.constant 0 : i32
    %dma_start3A_46 = tpu.memref_slice %arg4[%add3A_44, %dma_start3A_45] : memref<8192x2048xf32, #tpu.memory_space<hbm>> -> memref<8x2048xf32, #tpu.memory_space<hbm>>
    %dma_start3A_47 = arith.constant 0 : i32
    %dma_start3A_48 = tpu.memref_slice %arg4[%add3A_44, %dma_start3A_47] : memref<8192x2048xf32, #tpu.memory_space<hbm>> -> memref<8x2048xf32, #tpu.memory_space<hbm>>
    tpu.enqueue_dma source(%arg6 : memref<8x2048xf32, #tpu.memory_space<vmem>>) target(%dma_start3A_48 : memref<8x2048xf32, #tpu.memory_space<hbm>>) target_semaphore(%arg20 : memref<!tpu.dma_semaphore, #tpu.memory_space<semaphore_mem>>)
    %dma_start3A_49 = arith.constant 5 : i32
    %dma_start3A_50 = arith.constant 0 : i32
    %dma_start3A_51 = tpu.memref_slice %arg5[%dma_start3A_49, %dma_start3A_50] : memref<32x8xi32, #tpu.memory_space<vmem>> -> memref<1x8xi32, #tpu.memory_space<vmem>>
    %dma_start3A_52 = tpu.memref_squeeze %dma_start3A_51 : memref<1x8xi32, #tpu.memory_space<vmem>> -> memref<8xi32, #tpu.memory_space<vmem>>
    %dma_start3A_53 = arith.constant 0 : i32
    %dma_start3A_54 = arith.constant 0 : i32
    %dma_start3A_55 = tpu.memref_slice %arg3[%dma_start3A_53, %dma_start3A_54] : memref<100000x2048xf32, #tpu.memory_space<hbm>> -> memref<100000x2048xf32, #tpu.memory_space<hbm>>
    tpu.enqueue_indirect_dma source(%dma_start3A_55 : memref<100000x2048xf32, #tpu.memory_space<hbm>>) target(%arg11 : memref<8x2048xf32, #tpu.memory_space<vmem>>) offsets(%dma_start3A_52 : memref<8xi32, #tpu.memory_space<vmem>>) semaphore(%arg18 : memref<!tpu.dma_semaphore, #tpu.memory_space<semaphore_mem>>)
    %dma_wait3A_56 = arith.constant 1 : i32
    %dma_wait3A_57 = arith.constant 0 : i32
    %dma_wait3A_58 = tpu.memref_slice %arg5[%dma_wait3A_56, %dma_wait3A_57] : memref<32x8xi32, #tpu.memory_space<vmem>> -> memref<1x8xi32, #tpu.memory_space<vmem>>
    %dma_wait3A_59 = tpu.memref_squeeze %dma_wait3A_58 : memref<1x8xi32, #tpu.memory_space<vmem>> -> memref<8xi32, #tpu.memory_space<vmem>>
    %dma_wait3A_60 = arith.constant 0 : i32
    %dma_wait3A_61 = arith.constant 0 : i32
    %dma_wait3A_62 = tpu.memref_slice %arg3[%dma_wait3A_60, %dma_wait3A_61] : memref<100000x2048xf32, #tpu.memory_space<hbm>> -> memref<100000x2048xf32, #tpu.memory_space<hbm>>
    tpu.wait_indirect_dma semaphore(%arg14 : memref<!tpu.dma_semaphore, #tpu.memory_space<semaphore_mem>>) src(%dma_wait3A_62 : memref<100000x2048xf32, #tpu.memory_space<hbm>>) dst(%arg7 : memref<8x2048xf32, #tpu.memory_space<vmem>>)
    %add3A_63 = arith.constant 8 : i32
    %add3A_64 = arith.addi %mul3A_2, %add3A_63 : i32
    %dma_start3A_65 = arith.constant 0 : i32
    %dma_start3A_66 = tpu.memref_slice %arg4[%add3A_64, %dma_start3A_65] : memref<8192x2048xf32, #tpu.memory_space<hbm>> -> memref<8x2048xf32, #tpu.memory_space<hbm>>
    %dma_start3A_67 = arith.constant 0 : i32
    %dma_start3A_68 = tpu.memref_slice %arg4[%add3A_64, %dma_start3A_67] : memref<8192x2048xf32, #tpu.memory_space<hbm>> -> memref<8x2048xf32, #tpu.memory_space<hbm>>
    tpu.enqueue_dma source(%arg7 : memref<8x2048xf32, #tpu.memory_space<vmem>>) target(%dma_start3A_68 : memref<8x2048xf32, #tpu.memory_space<hbm>>) target_semaphore(%arg21 : memref<!tpu.dma_semaphore, #tpu.memory_space<semaphore_mem>>)
    %dma_start3A_69 = arith.constant 6 : i32
    %dma_start3A_70 = arith.constant 0 : i32
    %dma_start3A_71 = tpu.memref_slice %arg5[%dma_start3A_69, %dma_start3A_70] : memref<32x8xi32, #tpu.memory_space<vmem>> -> memref<1x8xi32, #tpu.memory_space<vmem>>
    %dma_start3A_72 = tpu.memref_squeeze %dma_start3A_71 : memref<1x8xi32, #tpu.memory_space<vmem>> -> memref<8xi32, #tpu.memory_space<vmem>>
    %dma_start3A_73 = arith.constant 0 : i32
    %dma_start3A_74 = arith.constant 0 : i32
    %dma_start3A_75 = tpu.memref_slice %arg3[%dma_start3A_73, %dma_start3A_74] : memref<100000x2048xf32, #tpu.memory_space<hbm>> -> memref<100000x2048xf32, #tpu.memory_space<hbm>>
    tpu.enqueue_indirect_dma source(%dma_start3A_75 : memref<100000x2048xf32, #tpu.memory_space<hbm>>) target(%arg12 : memref<8x2048xf32, #tpu.memory_space<vmem>>) offsets(%dma_start3A_72 : memref<8xi32, #tpu.memory_space<vmem>>) semaphore(%arg19 : memref<!tpu.dma_semaphore, #tpu.memory_space<semaphore_mem>>)
    %dma_wait3A_76 = arith.constant 2 : i32
    %dma_wait3A_77 = arith.constant 0 : i32
    %dma_wait3A_78 = tpu.memref_slice %arg5[%dma_wait3A_76, %dma_wait3A_77] : memref<32x8xi32, #tpu.memory_space<vmem>> -> memref<1x8xi32, #tpu.memory_space<vmem>>
    %dma_wait3A_79 = tpu.memref_squeeze %dma_wait3A_78 : memref<1x8xi32, #tpu.memory_space<vmem>> -> memref<8xi32, #tpu.memory_space<vmem>>
    %dma_wait3A_80 = arith.constant 0 : i32
    %dma_wait3A_81 = arith.constant 0 : i32
    %dma_wait3A_82 = tpu.memref_slice %arg3[%dma_wait3A_80, %dma_wait3A_81] : memref<100000x2048xf32, #tpu.memory_space<hbm>> -> memref<100000x2048xf32, #tpu.memory_space<hbm>>
    tpu.wait_indirect_dma semaphore(%arg15 : memref<!tpu.dma_semaphore, #tpu.memory_space<semaphore_mem>>) src(%dma_wait3A_82 : memref<100000x2048xf32, #tpu.memory_space<hbm>>) dst(%arg8 : memref<8x2048xf32, #tpu.memory_space<vmem>>)
    %add3A_83 = arith.constant 16 : i32
    %add3A_84 = arith.addi %mul3A_2, %add3A_83 : i32
    %dma_start3A_85 = arith.constant 0 : i32
    %dma_start3A_86 = tpu.memref_slice %arg4[%add3A_84, %dma_start3A_85] : memref<8192x2048xf32, #tpu.memory_space<hbm>> -> memref<8x2048xf32, #tpu.memory_space<hbm>>
    %dma_start3A_87 = arith.constant 0 : i32
    %dma_start3A_88 = tpu.memref_slice %arg4[%add3A_84, %dma_start3A_87] : memref<8192x2048xf32, #tpu.memory_space<hbm>> -> memref<8x2048xf32, #tpu.memory_space<hbm>>
    tpu.enqueue_dma source(%arg8 : memref<8x2048xf32, #tpu.memory_space<vmem>>) target(%dma_start3A_88 : memref<8x2048xf32, #tpu.memory_space<hbm>>) target_semaphore(%arg22 : memref<!tpu.dma_semaphore, #tpu.memory_space<semaphore_mem>>)
    %dma_wait3A_89 = arith.constant 0 : i32
    %dma_wait3A_90 = tpu.memref_slice %arg4[%add3A_44, %dma_wait3A_89] : memref<8192x2048xf32, #tpu.memory_space<hbm>> -> memref<8x2048xf32, #tpu.memory_space<hbm>>
    %dma_wait3A_91 = arith.constant 0 : i32
    %dma_wait3A_92 = tpu.memref_slice %arg4[%add3A_44, %dma_wait3A_91] : memref<8192x2048xf32, #tpu.memory_space<hbm>> -> memref<8x2048xf32, #tpu.memory_space<hbm>>
    tpu.wait_dma2 semaphore(%arg20 : memref<!tpu.dma_semaphore, #tpu.memory_space<semaphore_mem>>) src(%arg6 : memref<8x2048xf32, #tpu.memory_space<vmem>>) dst(%dma_wait3A_92 : memref<8x2048xf32, #tpu.memory_space<hbm>>)
    %dma_start3A_93 = arith.constant 7 : i32
    %dma_start3A_94 = arith.constant 0 : i32
    %dma_start3A_95 = tpu.memref_slice %arg5[%dma_start3A_93, %dma_start3A_94] : memref<32x8xi32, #tpu.memory_space<vmem>> -> memref<1x8xi32, #tpu.memory_space<vmem>>
    %dma_start3A_96 = tpu.memref_squeeze %dma_start3A_95 : memref<1x8xi32, #tpu.memory_space<vmem>> -> memref<8xi32, #tpu.memory_space<vmem>>
    %dma_start3A_97 = arith.constant 0 : i32
    %dma_start3A_98 = arith.constant 0 : i32
    %dma_start3A_99 = tpu.memref_slice %arg3[%dma_start3A_97, %dma_start3A_98] : memref<100000x2048xf32, #tpu.memory_space<hbm>> -> memref<100000x2048xf32, #tpu.memory_space<hbm>>
    tpu.enqueue_indirect_dma source(%dma_start3A_99 : memref<100000x2048xf32, #tpu.memory_space<hbm>>) target(%arg6 : memref<8x2048xf32, #tpu.memory_space<vmem>>) offsets(%dma_start3A_96 : memref<8xi32, #tpu.memory_space<vmem>>) semaphore(%arg13 : memref<!tpu.dma_semaphore, #tpu.memory_space<semaphore_mem>>)
    %dma_wait3A_100 = arith.constant 3 : i32
    %dma_wait3A_101 = arith.constant 0 : i32
    %dma_wait3A_102 = tpu.memref_slice %arg5[%dma_wait3A_100, %dma_wait3A_101] : memref<32x8xi32, #tpu.memory_space<vmem>> -> memref<1x8xi32, #tpu.memory_space<vmem>>
    %dma_wait3A_103 = tpu.memref_squeeze %dma_wait3A_102 : memref<1x8xi32, #tpu.memory_space<vmem>> -> memref<8xi32, #tpu.memory_space<vmem>>
    %dma_wait3A_104 = arith.constant 0 : i32
    %dma_wait3A_105 = arith.constant 0 : i32
    %dma_wait3A_106 = tpu.memref_slice %arg3[%dma_wait3A_104, %dma_wait3A_105] : memref<100000x2048xf32, #tpu.memory_space<hbm>> -> memref<100000x2048xf32, #tpu.memory_space<hbm>>
    tpu.wait_indirect_dma semaphore(%arg16 : memref<!tpu.dma_semaphore, #tpu.memory_space<semaphore_mem>>) src(%dma_wait3A_106 : memref<100000x2048xf32, #tpu.memory_space<hbm>>) dst(%arg9 : memref<8x2048xf32, #tpu.memory_space<vmem>>)
    %add3A_107 = arith.constant 24 : i32
    %add3A_108 = arith.addi %mul3A_2, %add3A_107 : i32
    %dma_start3A_109 = arith.constant 0 : i32
    %dma_start3A_110 = tpu.memref_slice %arg4[%add3A_108, %dma_start3A_109] : memref<8192x2048xf32, #tpu.memory_space<hbm>> -> memref<8x2048xf32, #tpu.memory_space<hbm>>
    %dma_start3A_111 = arith.constant 0 : i32
    %dma_start3A_112 = tpu.memref_slice %arg4[%add3A_108, %dma_start3A_111] : memref<8192x2048xf32, #tpu.memory_space<hbm>> -> memref<8x2048xf32, #tpu.memory_space<hbm>>
    tpu.enqueue_dma source(%arg9 : memref<8x2048xf32, #tpu.memory_space<vmem>>) target(%dma_start3A_112 : memref<8x2048xf32, #tpu.memory_space<hbm>>) target_semaphore(%arg23 : memref<!tpu.dma_semaphore, #tpu.memory_space<semaphore_mem>>)
    %dma_wait3A_113 = arith.constant 0 : i32
    %dma_wait3A_114 = tpu.memref_slice %arg4[%add3A_64, %dma_wait3A_113] : memref<8192x2048xf32, #tpu.memory_space<hbm>> -> memref<8x2048xf32, #tpu.memory_space<hbm>>
    %dma_wait3A_115 = arith.constant 0 : i32
    %dma_wait3A_116 = tpu.memref_slice %arg4[%add3A_64, %dma_wait3A_115] : memref<8192x2048xf32, #tpu.memory_space<hbm>> -> memref<8x2048xf32, #tpu.memory_space<hbm>>
    tpu.wait_dma2 semaphore(%arg21 : memref<!tpu.dma_semaphore, #tpu.memory_space<semaphore_mem>>) src(%arg7 : memref<8x2048xf32, #tpu.memory_space<vmem>>) dst(%dma_wait3A_116 : memref<8x2048xf32, #tpu.memory_space<hbm>>)
    %dma_start3A_117 = arith.constant 8 : i32
    %dma_start3A_118 = arith.constant 0 : i32
    %dma_start3A_119 = tpu.memref_slice %arg5[%dma_start3A_117, %dma_start3A_118] : memref<32x8xi32, #tpu.memory_space<vmem>> -> memref<1x8xi32, #tpu.memory_space<vmem>>
    %dma_start3A_120 = tpu.memref_squeeze %dma_start3A_119 : memref<1x8xi32, #tpu.memory_space<vmem>> -> memref<8xi32, #tpu.memory_space<vmem>>
    %dma_start3A_121 = arith.constant 0 : i32
    %dma_start3A_122 = arith.constant 0 : i32
    %dma_start3A_123 = tpu.memref_slice %arg3[%dma_start3A_121, %dma_start3A_122] : memref<100000x2048xf32, #tpu.memory_space<hbm>> -> memref<100000x2048xf32, #tpu.memory_space<hbm>>
    tpu.enqueue_indirect_dma source(%dma_start3A_123 : memref<100000x2048xf32, #tpu.memory_space<hbm>>) target(%arg7 : memref<8x2048xf32, #tpu.memory_space<vmem>>) offsets(%dma_start3A_120 : memref<8xi32, #tpu.memory_space<vmem>>) semaphore(%arg14 : memref<!tpu.dma_semaphore, #tpu.memory_space<semaphore_mem>>)
    %dma_wait3A_124 = arith.constant 4 : i32
    %dma_wait3A_125 = arith.constant 0 : i32
    %dma_wait3A_126 = tpu.memref_slice %arg5[%dma_wait3A_124, %dma_wait3A_125] : memref<32x8xi32, #tpu.memory_space<vmem>> -> memref<1x8xi32, #tpu.memory_space<vmem>>
    %dma_wait3A_127 = tpu.memref_squeeze %dma_wait3A_126 : memref<1x8xi32, #tpu.memory_space<vmem>> -> memref<8xi32, #tpu.memory_space<vmem>>
    %dma_wait3A_128 = arith.constant 0 : i32
    %dma_wait3A_129 = arith.constant 0 : i32
    %dma_wait3A_130 = tpu.memref_slice %arg3[%dma_wait3A_128, %dma_wait3A_129] : memref<100000x2048xf32, #tpu.memory_space<hbm>> -> memref<100000x2048xf32, #tpu.memory_space<hbm>>
    tpu.wait_indirect_dma semaphore(%arg17 : memref<!tpu.dma_semaphore, #tpu.memory_space<semaphore_mem>>) src(%dma_wait3A_130 : memref<100000x2048xf32, #tpu.memory_space<hbm>>) dst(%arg10 : memref<8x2048xf32, #tpu.memory_space<vmem>>)
    %add3A_131 = arith.constant 32 : i32
    %add3A_132 = arith.addi %mul3A_2, %add3A_131 : i32
    %dma_start3A_133 = arith.constant 0 : i32
    %dma_start3A_134 = tpu.memref_slice %arg4[%add3A_132, %dma_start3A_133] : memref<8192x2048xf32, #tpu.memory_space<hbm>> -> memref<8x2048xf32, #tpu.memory_space<hbm>>
    %dma_start3A_135 = arith.constant 0 : i32
    %dma_start3A_136 = tpu.memref_slice %arg4[%add3A_132, %dma_start3A_135] : memref<8192x2048xf32, #tpu.memory_space<hbm>> -> memref<8x2048xf32, #tpu.memory_space<hbm>>
    tpu.enqueue_dma source(%arg10 : memref<8x2048xf32, #tpu.memory_space<vmem>>) target(%dma_start3A_136 : memref<8x2048xf32, #tpu.memory_space<hbm>>) target_semaphore(%arg24 : memref<!tpu.dma_semaphore, #tpu.memory_space<semaphore_mem>>)
    %dma_wait3A_137 = arith.constant 0 : i32
    %dma_wait3A_138 = tpu.memref_slice %arg4[%add3A_84, %dma_wait3A_137] : memref<8192x2048xf32, #tpu.memory_space<hbm>> -> memref<8x2048xf32, #tpu.memory_space<hbm>>
    %dma_wait3A_139 = arith.constant 0 : i32
    %dma_wait3A_140 = tpu.memref_slice %arg4[%add3A_84, %dma_wait3A_139] : memref<8192x2048xf32, #tpu.memory_space<hbm>> -> memref<8x2048xf32, #tpu.memory_space<hbm>>
    tpu.wait_dma2 semaphore(%arg22 : memref<!tpu.dma_semaphore, #tpu.memory_space<semaphore_mem>>) src(%arg8 : memref<8x2048xf32, #tpu.memory_space<vmem>>) dst(%dma_wait3A_140 : memref<8x2048xf32, #tpu.memory_space<hbm>>)
    %dma_start3A_141 = arith.constant 9 : i32
    %dma_start3A_142 = arith.constant 0 : i32
    %dma_start3A_143 = tpu.memref_slice %arg5[%dma_start3A_141, %dma_start3A_142] : memref<32x8xi32, #tpu.memory_space<vmem>> -> memref<1x8xi32, #tpu.memory_space<vmem>>
    %dma_start3A_144 = tpu.memref_squeeze %dma_start3A_143 : memref<1x8xi32, #tpu.memory_space<vmem>> -> memref<8xi32, #tpu.memory_space<vmem>>
    %dma_start3A_145 = arith.constant 0 : i32
    %dma_start3A_146 = arith.constant 0 : i32
    %dma_start3A_147 = tpu.memref_slice %arg3[%dma_start3A_145, %dma_start3A_146] : memref<100000x2048xf32, #tpu.memory_space<hbm>> -> memref<100000x2048xf32, #tpu.memory_space<hbm>>
    tpu.enqueue_indirect_dma source(%dma_start3A_147 : memref<100000x2048xf32, #tpu.memory_space<hbm>>) target(%arg8 : memref<8x2048xf32, #tpu.memory_space<vmem>>) offsets(%dma_start3A_144 : memref<8xi32, #tpu.memory_space<vmem>>) semaphore(%arg15 : memref<!tpu.dma_semaphore, #tpu.memory_space<semaphore_mem>>)
    %dma_wait3A_148 = arith.constant 5 : i32
    %dma_wait3A_149 = arith.constant 0 : i32
    %dma_wait3A_150 = tpu.memref_slice %arg5[%dma_wait3A_148, %dma_wait3A_149] : memref<32x8xi32, #tpu.memory_space<vmem>> -> memref<1x8xi32, #tpu.memory_space<vmem>>
    %dma_wait3A_151 = tpu.memref_squeeze %dma_wait3A_150 : memref<1x8xi32, #tpu.memory_space<vmem>> -> memref<8xi32, #tpu.memory_space<vmem>>
    %dma_wait3A_152 = arith.constant 0 : i32
    %dma_wait3A_153 = arith.constant 0 : i32
    %dma_wait3A_154 = tpu.memref_slice %arg3[%dma_wait3A_152, %dma_wait3A_153] : memref<100000x2048xf32, #tpu.memory_space<hbm>> -> memref<100000x2048xf32, #tpu.memory_space<hbm>>
    tpu.wait_indirect_dma semaphore(%arg18 : memref<!tpu.dma_semaphore, #tpu.memory_space<semaphore_mem>>) src(%dma_wait3A_154 : memref<100000x2048xf32, #tpu.memory_space<hbm>>) dst(%arg11 : memref<8x2048xf32, #tpu.memory_space<vmem>>)
    %add3A_155 = arith.constant 40 : i32
    %add3A_156 = arith.addi %mul3A_2, %add3A_155 : i32
    %dma_start3A_157 = arith.constant 0 : i32
    %dma_start3A_158 = tpu.memref_slice %arg4[%add3A_156, %dma_start3A_157] : memref<8192x2048xf32, #tpu.memory_space<hbm>> -> memref<8x2048xf32, #tpu.memory_space<hbm>>
    %dma_start3A_159 = arith.constant 0 : i32
    %dma_start3A_160 = tpu.memref_slice %arg4[%add3A_156, %dma_start3A_159] : memref<8192x2048xf32, #tpu.memory_space<hbm>> -> memref<8x2048xf32, #tpu.memory_space<hbm>>
    tpu.enqueue_dma source(%arg11 : memref<8x2048xf32, #tpu.memory_space<vmem>>) target(%dma_start3A_160 : memref<8x2048xf32, #tpu.memory_space<hbm>>) target_semaphore(%arg25 : memref<!tpu.dma_semaphore, #tpu.memory_space<semaphore_mem>>)
    %dma_wait3A_161 = arith.constant 0 : i32
    %dma_wait3A_162 = tpu.memref_slice %arg4[%add3A_108, %dma_wait3A_161] : memref<8192x2048xf32, #tpu.memory_space<hbm>> -> memref<8x2048xf32, #tpu.memory_space<hbm>>
    %dma_wait3A_163 = arith.constant 0 : i32
    %dma_wait3A_164 = tpu.memref_slice %arg4[%add3A_108, %dma_wait3A_163] : memref<8192x2048xf32, #tpu.memory_space<hbm>> -> memref<8x2048xf32, #tpu.memory_space<hbm>>
    tpu.wait_dma2 semaphore(%arg23 : memref<!tpu.dma_semaphore, #tpu.memory_space<semaphore_mem>>) src(%arg9 : memref<8x2048xf32, #tpu.memory_space<vmem>>) dst(%dma_wait3A_164 : memref<8x2048xf32, #tpu.memory_space<hbm>>)
    %dma_start3A_165 = arith.constant 10 : i32
    %dma_start3A_166 = arith.constant 0 : i32
    %dma_start3A_167 = tpu.memref_slice %arg5[%dma_start3A_165, %dma_start3A_166] : memref<32x8xi32, #tpu.memory_space<vmem>> -> memref<1x8xi32, #tpu.memory_space<vmem>>
    %dma_start3A_168 = tpu.memref_squeeze %dma_start3A_167 : memref<1x8xi32, #tpu.memory_space<vmem>> -> memref<8xi32, #tpu.memory_space<vmem>>
    %dma_start3A_169 = arith.constant 0 : i32
    %dma_start3A_170 = arith.constant 0 : i32
    %dma_start3A_171 = tpu.memref_slice %arg3[%dma_start3A_169, %dma_start3A_170] : memref<100000x2048xf32, #tpu.memory_space<hbm>> -> memref<100000x2048xf32, #tpu.memory_space<hbm>>
    tpu.enqueue_indirect_dma source(%dma_start3A_171 : memref<100000x2048xf32, #tpu.memory_space<hbm>>) target(%arg9 : memref<8x2048xf32, #tpu.memory_space<vmem>>) offsets(%dma_start3A_168 : memref<8xi32, #tpu.memory_space<vmem>>) semaphore(%arg16 : memref<!tpu.dma_semaphore, #tpu.memory_space<semaphore_mem>>)
    %dma_wait3A_172 = arith.constant 6 : i32
    %dma_wait3A_173 = arith.constant 0 : i32
    %dma_wait3A_174 = tpu.memref_slice %arg5[%dma_wait3A_172, %dma_wait3A_173] : memref<32x8xi32, #tpu.memory_space<vmem>> -> memref<1x8xi32, #tpu.memory_space<vmem>>
    %dma_wait3A_175 = tpu.memref_squeeze %dma_wait3A_174 : memref<1x8xi32, #tpu.memory_space<vmem>> -> memref<8xi32, #tpu.memory_space<vmem>>
    %dma_wait3A_176 = arith.constant 0 : i32
    %dma_wait3A_177 = arith.constant 0 : i32
    %dma_wait3A_178 = tpu.memref_slice %arg3[%dma_wait3A_176, %dma_wait3A_177] : memref<100000x2048xf32, #tpu.memory_space<hbm>> -> memref<100000x2048xf32, #tpu.memory_space<hbm>>
    tpu.wait_indirect_dma semaphore(%arg19 : memref<!tpu.dma_semaphore, #tpu.memory_space<semaphore_mem>>) src(%dma_wait3A_178 : memref<100000x2048xf32, #tpu.memory_space<hbm>>) dst(%arg12 : memref<8x2048xf32, #tpu.memory_space<vmem>>)
    %add3A_179 = arith.constant 48 : i32
    %add3A_180 = arith.addi %mul3A_2, %add3A_179 : i32
    %dma_start3A_181 = arith.constant 0 : i32
    %dma_start3A_182 = tpu.memref_slice %arg4[%add3A_180, %dma_start3A_181] : memref<8192x2048xf32, #tpu.memory_space<hbm>> -> memref<8x2048xf32, #tpu.memory_space<hbm>>
    %dma_start3A_183 = arith.constant 0 : i32
    %dma_start3A_184 = tpu.memref_slice %arg4[%add3A_180, %dma_start3A_183] : memref<8192x2048xf32, #tpu.memory_space<hbm>> -> memref<8x2048xf32, #tpu.memory_space<hbm>>
    tpu.enqueue_dma source(%arg12 : memref<8x2048xf32, #tpu.memory_space<vmem>>) target(%dma_start3A_184 : memref<8x2048xf32, #tpu.memory_space<hbm>>) target_semaphore(%arg26 : memref<!tpu.dma_semaphore, #tpu.memory_space<semaphore_mem>>)
    %dma_wait3A_185 = arith.constant 0 : i32
    %dma_wait3A_186 = tpu.memref_slice %arg4[%add3A_132, %dma_wait3A_185] : memref<8192x2048xf32, #tpu.memory_space<hbm>> -> memref<8x2048xf32, #tpu.memory_space<hbm>>
    %dma_wait3A_187 = arith.constant 0 : i32
    %dma_wait3A_188 = tpu.memref_slice %arg4[%add3A_132, %dma_wait3A_187] : memref<8192x2048xf32, #tpu.memory_space<hbm>> -> memref<8x2048xf32, #tpu.memory_space<hbm>>
    tpu.wait_dma2 semaphore(%arg24 : memref<!tpu.dma_semaphore, #tpu.memory_space<semaphore_mem>>) src(%arg10 : memref<8x2048xf32, #tpu.memory_space<vmem>>) dst(%dma_wait3A_188 : memref<8x2048xf32, #tpu.memory_space<hbm>>)
    %dma_start3A_189 = arith.constant 11 : i32
    %dma_start3A_190 = arith.constant 0 : i32
    %dma_start3A_191 = tpu.memref_slice %arg5[%dma_start3A_189, %dma_start3A_190] : memref<32x8xi32, #tpu.memory_space<vmem>> -> memref<1x8xi32, #tpu.memory_space<vmem>>
    %dma_start3A_192 = tpu.memref_squeeze %dma_start3A_191 : memref<1x8xi32, #tpu.memory_space<vmem>> -> memref<8xi32, #tpu.memory_space<vmem>>
    %dma_start3A_193 = arith.constant 0 : i32
    %dma_start3A_194 = arith.constant 0 : i32
    %dma_start3A_195 = tpu.memref_slice %arg3[%dma_start3A_193, %dma_start3A_194] : memref<100000x2048xf32, #tpu.memory_space<hbm>> -> memref<100000x2048xf32, #tpu.memory_space<hbm>>
    tpu.enqueue_indirect_dma source(%dma_start3A_195 : memref<100000x2048xf32, #tpu.memory_space<hbm>>) target(%arg10 : memref<8x2048xf32, #tpu.memory_space<vmem>>) offsets(%dma_start3A_192 : memref<8xi32, #tpu.memory_space<vmem>>) semaphore(%arg17 : memref<!tpu.dma_semaphore, #tpu.memory_space<semaphore_mem>>)
    %dma_wait3A_196 = arith.constant 7 : i32
    %dma_wait3A_197 = arith.constant 0 : i32
    %dma_wait3A_198 = tpu.memref_slice %arg5[%dma_wait3A_196, %dma_wait3A_197] : memref<32x8xi32, #tpu.memory_space<vmem>> -> memref<1x8xi32, #tpu.memory_space<vmem>>
    %dma_wait3A_199 = tpu.memref_squeeze %dma_wait3A_198 : memref<1x8xi32, #tpu.memory_space<vmem>> -> memref<8xi32, #tpu.memory_space<vmem>>
    %dma_wait3A_200 = arith.constant 0 : i32
    %dma_wait3A_201 = arith.constant 0 : i32
    %dma_wait3A_202 = tpu.memref_slice %arg3[%dma_wait3A_200, %dma_wait3A_201] : memref<100000x2048xf32, #tpu.memory_space<hbm>> -> memref<100000x2048xf32, #tpu.memory_space<hbm>>
    tpu.wait_indirect_dma semaphore(%arg13 : memref<!tpu.dma_semaphore, #tpu.memory_space<semaphore_mem>>) src(%dma_wait3A_202 : memref<100000x2048xf32, #tpu.memory_space<hbm>>) dst(%arg6 : memref<8x2048xf32, #tpu.memory_space<vmem>>)
    %add3A_203 = arith.constant 56 : i32
    %add3A_204 = arith.addi %mul3A_2, %add3A_203 : i32
    %dma_start3A_205 = arith.constant 0 : i32
    %dma_start3A_206 = tpu.memref_slice %arg4[%add3A_204, %dma_start3A_205] : memref<8192x2048xf32, #tpu.memory_space<hbm>> -> memref<8x2048xf32, #tpu.memory_space<hbm>>
    %dma_start3A_207 = arith.constant 0 : i32
    %dma_start3A_208 = tpu.memref_slice %arg4[%add3A_204, %dma_start3A_207] : memref<8192x2048xf32, #tpu.memory_space<hbm>> -> memref<8x2048xf32, #tpu.memory_space<hbm>>
    tpu.enqueue_dma source(%arg6 : memref<8x2048xf32, #tpu.memory_space<vmem>>) target(%dma_start3A_208 : memref<8x2048xf32, #tpu.memory_space<hbm>>) target_semaphore(%arg20 : memref<!tpu.dma_semaphore, #tpu.memory_space<semaphore_mem>>)
    %dma_wait3A_209 = arith.constant 0 : i32
    %dma_wait3A_210 = tpu.memref_slice %arg4[%add3A_156, %dma_wait3A_209] : memref<8192x2048xf32, #tpu.memory_space<hbm>> -> memref<8x2048xf32, #tpu.memory_space<hbm>>
    %dma_wait3A_211 = arith.constant 0 : i32
    %dma_wait3A_212 = tpu.memref_slice %arg4[%add3A_156, %dma_wait3A_211] : memref<8192x2048xf32, #tpu.memory_space<hbm>> -> memref<8x2048xf32, #tpu.memory_space<hbm>>
    tpu.wait_dma2 semaphore(%arg25 : memref<!tpu.dma_semaphore, #tpu.memory_space<semaphore_mem>>) src(%arg11 : memref<8x2048xf32, #tpu.memory_space<vmem>>) dst(%dma_wait3A_212 : memref<8x2048xf32, #tpu.memory_space<hbm>>)
    %dma_start3A_213 = arith.constant 12 : i32
    %dma_start3A_214 = arith.constant 0 : i32
    %dma_start3A_215 = tpu.memref_slice %arg5[%dma_start3A_213, %dma_start3A_214] : memref<32x8xi32, #tpu.memory_space<vmem>> -> memref<1x8xi32, #tpu.memory_space<vmem>>
    %dma_start3A_216 = tpu.memref_squeeze %dma_start3A_215 : memref<1x8xi32, #tpu.memory_space<vmem>> -> memref<8xi32, #tpu.memory_space<vmem>>
    %dma_start3A_217 = arith.constant 0 : i32
    %dma_start3A_218 = arith.constant 0 : i32
    %dma_start3A_219 = tpu.memref_slice %arg3[%dma_start3A_217, %dma_start3A_218] : memref<100000x2048xf32, #tpu.memory_space<hbm>> -> memref<100000x2048xf32, #tpu.memory_space<hbm>>
    tpu.enqueue_indirect_dma source(%dma_start3A_219 : memref<100000x2048xf32, #tpu.memory_space<hbm>>) target(%arg11 : memref<8x2048xf32, #tpu.memory_space<vmem>>) offsets(%dma_start3A_216 : memref<8xi32, #tpu.memory_space<vmem>>) semaphore(%arg18 : memref<!tpu.dma_semaphore, #tpu.memory_space<semaphore_mem>>)
    %dma_wait3A_220 = arith.constant 8 : i32
    %dma_wait3A_221 = arith.constant 0 : i32
    %dma_wait3A_222 = tpu.memref_slice %arg5[%dma_wait3A_220, %dma_wait3A_221] : memref<32x8xi32, #tpu.memory_space<vmem>> -> memref<1x8xi32, #tpu.memory_space<vmem>>
    %dma_wait3A_223 = tpu.memref_squeeze %dma_wait3A_222 : memref<1x8xi32, #tpu.memory_space<vmem>> -> memref<8xi32, #tpu.memory_space<vmem>>
    %dma_wait3A_224 = arith.constant 0 : i32
    %dma_wait3A_225 = arith.constant 0 : i32
    %dma_wait3A_226 = tpu.memref_slice %arg3[%dma_wait3A_224, %dma_wait3A_225] : memref<100000x2048xf32, #tpu.memory_space<hbm>> -> memref<100000x2048xf32, #tpu.memory_space<hbm>>
    tpu.wait_indirect_dma semaphore(%arg14 : memref<!tpu.dma_semaphore, #tpu.memory_space<semaphore_mem>>) src(%dma_wait3A_226 : memref<100000x2048xf32, #tpu.memory_space<hbm>>) dst(%arg7 : memref<8x2048xf32, #tpu.memory_space<vmem>>)
    %add3A_227 = arith.constant 64 : i32
    %add3A_228 = arith.addi %mul3A_2, %add3A_227 : i32
    %dma_start3A_229 = arith.constant 0 : i32
    %dma_start3A_230 = tpu.memref_slice %arg4[%add3A_228, %dma_start3A_229] : memref<8192x2048xf32, #tpu.memory_space<hbm>> -> memref<8x2048xf32, #tpu.memory_space<hbm>>
    %dma_start3A_231 = arith.constant 0 : i32
    %dma_start3A_232 = tpu.memref_slice %arg4[%add3A_228, %dma_start3A_231] : memref<8192x2048xf32, #tpu.memory_space<hbm>> -> memref<8x2048xf32, #tpu.memory_space<hbm>>
    tpu.enqueue_dma source(%arg7 : memref<8x2048xf32, #tpu.memory_space<vmem>>) target(%dma_start3A_232 : memref<8x2048xf32, #tpu.memory_space<hbm>>) target_semaphore(%arg21 : memref<!tpu.dma_semaphore, #tpu.memory_space<semaphore_mem>>)
    %dma_wait3A_233 = arith.constant 0 : i32
    %dma_wait3A_234 = tpu.memref_slice %arg4[%add3A_180, %dma_wait3A_233] : memref<8192x2048xf32, #tpu.memory_space<hbm>> -> memref<8x2048xf32, #tpu.memory_space<hbm>>
    %dma_wait3A_235 = arith.constant 0 : i32
    %dma_wait3A_236 = tpu.memref_slice %arg4[%add3A_180, %dma_wait3A_235] : memref<8192x2048xf32, #tpu.memory_space<hbm>> -> memref<8x2048xf32, #tpu.memory_space<hbm>>
    tpu.wait_dma2 semaphore(%arg26 : memref<!tpu.dma_semaphore, #tpu.memory_space<semaphore_mem>>) src(%arg12 : memref<8x2048xf32, #tpu.memory_space<vmem>>) dst(%dma_wait3A_236 : memref<8x2048xf32, #tpu.memory_space<hbm>>)
    %dma_start3A_237 = arith.constant 13 : i32
    %dma_start3A_238 = arith.constant 0 : i32
    %dma_start3A_239 = tpu.memref_slice %arg5[%dma_start3A_237, %dma_start3A_238] : memref<32x8xi32, #tpu.memory_space<vmem>> -> memref<1x8xi32, #tpu.memory_space<vmem>>
    %dma_start3A_240 = tpu.memref_squeeze %dma_start3A_239 : memref<1x8xi32, #tpu.memory_space<vmem>> -> memref<8xi32, #tpu.memory_space<vmem>>
    %dma_start3A_241 = arith.constant 0 : i32
    %dma_start3A_242 = arith.constant 0 : i32
    %dma_start3A_243 = tpu.memref_slice %arg3[%dma_start3A_241, %dma_start3A_242] : memref<100000x2048xf32, #tpu.memory_space<hbm>> -> memref<100000x2048xf32, #tpu.memory_space<hbm>>
    tpu.enqueue_indirect_dma source(%dma_start3A_243 : memref<100000x2048xf32, #tpu.memory_space<hbm>>) target(%arg12 : memref<8x2048xf32, #tpu.memory_space<vmem>>) offsets(%dma_start3A_240 : memref<8xi32, #tpu.memory_space<vmem>>) semaphore(%arg19 : memref<!tpu.dma_semaphore, #tpu.memory_space<semaphore_mem>>)
    %dma_wait3A_244 = arith.constant 9 : i32
    %dma_wait3A_245 = arith.constant 0 : i32
    %dma_wait3A_246 = tpu.memref_slice %arg5[%dma_wait3A_244, %dma_wait3A_245] : memref<32x8xi32, #tpu.memory_space<vmem>> -> memref<1x8xi32, #tpu.memory_space<vmem>>
    %dma_wait3A_247 = tpu.memref_squeeze %dma_wait3A_246 : memref<1x8xi32, #tpu.memory_space<vmem>> -> memref<8xi32, #tpu.memory_space<vmem>>
    %dma_wait3A_248 = arith.constant 0 : i32
    %dma_wait3A_249 = arith.constant 0 : i32
    %dma_wait3A_250 = tpu.memref_slice %arg3[%dma_wait3A_248, %dma_wait3A_249] : memref<100000x2048xf32, #tpu.memory_space<hbm>> -> memref<100000x2048xf32, #tpu.memory_space<hbm>>
    tpu.wait_indirect_dma semaphore(%arg15 : memref<!tpu.dma_semaphore, #tpu.memory_space<semaphore_mem>>) src(%dma_wait3A_250 : memref<100000x2048xf32, #tpu.memory_space<hbm>>) dst(%arg8 : memref<8x2048xf32, #tpu.memory_space<vmem>>)
    %add3A_251 = arith.constant 72 : i32
    %add3A_252 = arith.addi %mul3A_2, %add3A_251 : i32
    %dma_start3A_253 = arith.constant 0 : i32
    %dma_start3A_254 = tpu.memref_slice %arg4[%add3A_252, %dma_start3A_253] : memref<8192x2048xf32, #tpu.memory_space<hbm>> -> memref<8x2048xf32, #tpu.memory_space<hbm>>
    %dma_start3A_255 = arith.constant 0 : i32
    %dma_start3A_256 = tpu.memref_slice %arg4[%add3A_252, %dma_start3A_255] : memref<8192x2048xf32, #tpu.memory_space<hbm>> -> memref<8x2048xf32, #tpu.memory_space<hbm>>
    tpu.enqueue_dma source(%arg8 : memref<8x2048xf32, #tpu.memory_space<vmem>>) target(%dma_start3A_256 : memref<8x2048xf32, #tpu.memory_space<hbm>>) target_semaphore(%arg22 : memref<!tpu.dma_semaphore, #tpu.memory_space<semaphore_mem>>)
    %dma_wait3A_257 = arith.constant 0 : i32
    %dma_wait3A_258 = tpu.memref_slice %arg4[%add3A_204, %dma_wait3A_257] : memref<8192x2048xf32, #tpu.memory_space<hbm>> -> memref<8x2048xf32, #tpu.memory_space<hbm>>
    %dma_wait3A_259 = arith.constant 0 : i32
    %dma_wait3A_260 = tpu.memref_slice %arg4[%add3A_204, %dma_wait3A_259] : memref<8192x2048xf32, #tpu.memory_space<hbm>> -> memref<8x2048xf32, #tpu.memory_space<hbm>>
    tpu.wait_dma2 semaphore(%arg20 : memref<!tpu.dma_semaphore, #tpu.memory_space<semaphore_mem>>) src(%arg6 : memref<8x2048xf32, #tpu.memory_space<vmem>>) dst(%dma_wait3A_260 : memref<8x2048xf32, #tpu.memory_space<hbm>>)
    %dma_start3A_261 = arith.constant 14 : i32
    %dma_start3A_262 = arith.constant 0 : i32
    %dma_start3A_263 = tpu.memref_slice %arg5[%dma_start3A_261, %dma_start3A_262] : memref<32x8xi32, #tpu.memory_space<vmem>> -> memref<1x8xi32, #tpu.memory_space<vmem>>
    %dma_start3A_264 = tpu.memref_squeeze %dma_start3A_263 : memref<1x8xi32, #tpu.memory_space<vmem>> -> memref<8xi32, #tpu.memory_space<vmem>>
    %dma_start3A_265 = arith.constant 0 : i32
    %dma_start3A_266 = arith.constant 0 : i32
    %dma_start3A_267 = tpu.memref_slice %arg3[%dma_start3A_265, %dma_start3A_266] : memref<100000x2048xf32, #tpu.memory_space<hbm>> -> memref<100000x2048xf32, #tpu.memory_space<hbm>>
    tpu.enqueue_indirect_dma source(%dma_start3A_267 : memref<100000x2048xf32, #tpu.memory_space<hbm>>) target(%arg6 : memref<8x2048xf32, #tpu.memory_space<vmem>>) offsets(%dma_start3A_264 : memref<8xi32, #tpu.memory_space<vmem>>) semaphore(%arg13 : memref<!tpu.dma_semaphore, #tpu.memory_space<semaphore_mem>>)
    %dma_wait3A_268 = arith.constant 10 : i32
    %dma_wait3A_269 = arith.constant 0 : i32
    %dma_wait3A_270 = tpu.memref_slice %arg5[%dma_wait3A_268, %dma_wait3A_269] : memref<32x8xi32, #tpu.memory_space<vmem>> -> memref<1x8xi32, #tpu.memory_space<vmem>>
    %dma_wait3A_271 = tpu.memref_squeeze %dma_wait3A_270 : memref<1x8xi32, #tpu.memory_space<vmem>> -> memref<8xi32, #tpu.memory_space<vmem>>
    %dma_wait3A_272 = arith.constant 0 : i32
    %dma_wait3A_273 = arith.constant 0 : i32
    %dma_wait3A_274 = tpu.memref_slice %arg3[%dma_wait3A_272, %dma_wait3A_273] : memref<100000x2048xf32, #tpu.memory_space<hbm>> -> memref<100000x2048xf32, #tpu.memory_space<hbm>>
    tpu.wait_indirect_dma semaphore(%arg16 : memref<!tpu.dma_semaphore, #tpu.memory_space<semaphore_mem>>) src(%dma_wait3A_274 : memref<100000x2048xf32, #tpu.memory_space<hbm>>) dst(%arg9 : memref<8x2048xf32, #tpu.memory_space<vmem>>)
    %add3A_275 = arith.constant 80 : i32
    %add3A_276 = arith.addi %mul3A_2, %add3A_275 : i32
    %dma_start3A_277 = arith.constant 0 : i32
    %dma_start3A_278 = tpu.memref_slice %arg4[%add3A_276, %dma_start3A_277] : memref<8192x2048xf32, #tpu.memory_space<hbm>> -> memref<8x2048xf32, #tpu.memory_space<hbm>>
    %dma_start3A_279 = arith.constant 0 : i32
    %dma_start3A_280 = tpu.memref_slice %arg4[%add3A_276, %dma_start3A_279] : memref<8192x2048xf32, #tpu.memory_space<hbm>> -> memref<8x2048xf32, #tpu.memory_space<hbm>>
    tpu.enqueue_dma source(%arg9 : memref<8x2048xf32, #tpu.memory_space<vmem>>) target(%dma_start3A_280 : memref<8x2048xf32, #tpu.memory_space<hbm>>) target_semaphore(%arg23 : memref<!tpu.dma_semaphore, #tpu.memory_space<semaphore_mem>>)
    %dma_wait3A_281 = arith.constant 0 : i32
    %dma_wait3A_282 = tpu.memref_slice %arg4[%add3A_228, %dma_wait3A_281] : memref<8192x2048xf32, #tpu.memory_space<hbm>> -> memref<8x2048xf32, #tpu.memory_space<hbm>>
    %dma_wait3A_283 = arith.constant 0 : i32
    %dma_wait3A_284 = tpu.memref_slice %arg4[%add3A_228, %dma_wait3A_283] : memref<8192x2048xf32, #tpu.memory_space<hbm>> -> memref<8x2048xf32, #tpu.memory_space<hbm>>
    tpu.wait_dma2 semaphore(%arg21 : memref<!tpu.dma_semaphore, #tpu.memory_space<semaphore_mem>>) src(%arg7 : memref<8x2048xf32, #tpu.memory_space<vmem>>) dst(%dma_wait3A_284 : memref<8x2048xf32, #tpu.memory_space<hbm>>)
    %dma_start3A_285 = arith.constant 15 : i32
    %dma_start3A_286 = arith.constant 0 : i32
    %dma_start3A_287 = tpu.memref_slice %arg5[%dma_start3A_285, %dma_start3A_286] : memref<32x8xi32, #tpu.memory_space<vmem>> -> memref<1x8xi32, #tpu.memory_space<vmem>>
    %dma_start3A_288 = tpu.memref_squeeze %dma_start3A_287 : memref<1x8xi32, #tpu.memory_space<vmem>> -> memref<8xi32, #tpu.memory_space<vmem>>
    %dma_start3A_289 = arith.constant 0 : i32
    %dma_start3A_290 = arith.constant 0 : i32
    %dma_start3A_291 = tpu.memref_slice %arg3[%dma_start3A_289, %dma_start3A_290] : memref<100000x2048xf32, #tpu.memory_space<hbm>> -> memref<100000x2048xf32, #tpu.memory_space<hbm>>
    tpu.enqueue_indirect_dma source(%dma_start3A_291 : memref<100000x2048xf32, #tpu.memory_space<hbm>>) target(%arg7 : memref<8x2048xf32, #tpu.memory_space<vmem>>) offsets(%dma_start3A_288 : memref<8xi32, #tpu.memory_space<vmem>>) semaphore(%arg14 : memref<!tpu.dma_semaphore, #tpu.memory_space<semaphore_mem>>)
    %dma_wait3A_292 = arith.constant 11 : i32
    %dma_wait3A_293 = arith.constant 0 : i32
    %dma_wait3A_294 = tpu.memref_slice %arg5[%dma_wait3A_292, %dma_wait3A_293] : memref<32x8xi32, #tpu.memory_space<vmem>> -> memref<1x8xi32, #tpu.memory_space<vmem>>
    %dma_wait3A_295 = tpu.memref_squeeze %dma_wait3A_294 : memref<1x8xi32, #tpu.memory_space<vmem>> -> memref<8xi32, #tpu.memory_space<vmem>>
    %dma_wait3A_296 = arith.constant 0 : i32
    %dma_wait3A_297 = arith.constant 0 : i32
    %dma_wait3A_298 = tpu.memref_slice %arg3[%dma_wait3A_296, %dma_wait3A_297] : memref<100000x2048xf32, #tpu.memory_space<hbm>> -> memref<100000x2048xf32, #tpu.memory_space<hbm>>
    tpu.wait_indirect_dma semaphore(%arg17 : memref<!tpu.dma_semaphore, #tpu.memory_space<semaphore_mem>>) src(%dma_wait3A_298 : memref<100000x2048xf32, #tpu.memory_space<hbm>>) dst(%arg10 : memref<8x2048xf32, #tpu.memory_space<vmem>>)
    %add3A_299 = arith.constant 88 : i32
    %add3A_300 = arith.addi %mul3A_2, %add3A_299 : i32
    %dma_start3A_301 = arith.constant 0 : i32
    %dma_start3A_302 = tpu.memref_slice %arg4[%add3A_300, %dma_start3A_301] : memref<8192x2048xf32, #tpu.memory_space<hbm>> -> memref<8x2048xf32, #tpu.memory_space<hbm>>
    %dma_start3A_303 = arith.constant 0 : i32
    %dma_start3A_304 = tpu.memref_slice %arg4[%add3A_300, %dma_start3A_303] : memref<8192x2048xf32, #tpu.memory_space<hbm>> -> memref<8x2048xf32, #tpu.memory_space<hbm>>
    tpu.enqueue_dma source(%arg10 : memref<8x2048xf32, #tpu.memory_space<vmem>>) target(%dma_start3A_304 : memref<8x2048xf32, #tpu.memory_space<hbm>>) target_semaphore(%arg24 : memref<!tpu.dma_semaphore, #tpu.memory_space<semaphore_mem>>)
    %dma_wait3A_305 = arith.constant 0 : i32
    %dma_wait3A_306 = tpu.memref_slice %arg4[%add3A_252, %dma_wait3A_305] : memref<8192x2048xf32, #tpu.memory_space<hbm>> -> memref<8x2048xf32, #tpu.memory_space<hbm>>
    %dma_wait3A_307 = arith.constant 0 : i32
    %dma_wait3A_308 = tpu.memref_slice %arg4[%add3A_252, %dma_wait3A_307] : memref<8192x2048xf32, #tpu.memory_space<hbm>> -> memref<8x2048xf32, #tpu.memory_space<hbm>>
    tpu.wait_dma2 semaphore(%arg22 : memref<!tpu.dma_semaphore, #tpu.memory_space<semaphore_mem>>) src(%arg8 : memref<8x2048xf32, #tpu.memory_space<vmem>>) dst(%dma_wait3A_308 : memref<8x2048xf32, #tpu.memory_space<hbm>>)
    %dma_start3A_309 = arith.constant 16 : i32
    %dma_start3A_310 = arith.constant 0 : i32
    %dma_start3A_311 = tpu.memref_slice %arg5[%dma_start3A_309, %dma_start3A_310] : memref<32x8xi32, #tpu.memory_space<vmem>> -> memref<1x8xi32, #tpu.memory_space<vmem>>
    %dma_start3A_312 = tpu.memref_squeeze %dma_start3A_311 : memref<1x8xi32, #tpu.memory_space<vmem>> -> memref<8xi32, #tpu.memory_space<vmem>>
    %dma_start3A_313 = arith.constant 0 : i32
    %dma_start3A_314 = arith.constant 0 : i32
    %dma_start3A_315 = tpu.memref_slice %arg3[%dma_start3A_313, %dma_start3A_314] : memref<100000x2048xf32, #tpu.memory_space<hbm>> -> memref<100000x2048xf32, #tpu.memory_space<hbm>>
    tpu.enqueue_indirect_dma source(%dma_start3A_315 : memref<100000x2048xf32, #tpu.memory_space<hbm>>) target(%arg8 : memref<8x2048xf32, #tpu.memory_space<vmem>>) offsets(%dma_start3A_312 : memref<8xi32, #tpu.memory_space<vmem>>) semaphore(%arg15 : memref<!tpu.dma_semaphore, #tpu.memory_space<semaphore_mem>>)
    %dma_wait3A_316 = arith.constant 12 : i32
    %dma_wait3A_317 = arith.constant 0 : i32
    %dma_wait3A_318 = tpu.memref_slice %arg5[%dma_wait3A_316, %dma_wait3A_317] : memref<32x8xi32, #tpu.memory_space<vmem>> -> memref<1x8xi32, #tpu.memory_space<vmem>>
    %dma_wait3A_319 = tpu.memref_squeeze %dma_wait3A_318 : memref<1x8xi32, #tpu.memory_space<vmem>> -> memref<8xi32, #tpu.memory_space<vmem>>
    %dma_wait3A_320 = arith.constant 0 : i32
    %dma_wait3A_321 = arith.constant 0 : i32
    %dma_wait3A_322 = tpu.memref_slice %arg3[%dma_wait3A_320, %dma_wait3A_321] : memref<100000x2048xf32, #tpu.memory_space<hbm>> -> memref<100000x2048xf32, #tpu.memory_space<hbm>>
    tpu.wait_indirect_dma semaphore(%arg18 : memref<!tpu.dma_semaphore, #tpu.memory_space<semaphore_mem>>) src(%dma_wait3A_322 : memref<100000x2048xf32, #tpu.memory_space<hbm>>) dst(%arg11 : memref<8x2048xf32, #tpu.memory_space<vmem>>)
    %add3A_323 = arith.constant 96 : i32
    %add3A_324 = arith.addi %mul3A_2, %add3A_323 : i32
    %dma_start3A_325 = arith.constant 0 : i32
    %dma_start3A_326 = tpu.memref_slice %arg4[%add3A_324, %dma_start3A_325] : memref<8192x2048xf32, #tpu.memory_space<hbm>> -> memref<8x2048xf32, #tpu.memory_space<hbm>>
    %dma_start3A_327 = arith.constant 0 : i32
    %dma_start3A_328 = tpu.memref_slice %arg4[%add3A_324, %dma_start3A_327] : memref<8192x2048xf32, #tpu.memory_space<hbm>> -> memref<8x2048xf32, #tpu.memory_space<hbm>>
    tpu.enqueue_dma source(%arg11 : memref<8x2048xf32, #tpu.memory_space<vmem>>) target(%dma_start3A_328 : memref<8x2048xf32, #tpu.memory_space<hbm>>) target_semaphore(%arg25 : memref<!tpu.dma_semaphore, #tpu.memory_space<semaphore_mem>>)
    %dma_wait3A_329 = arith.constant 0 : i32
    %dma_wait3A_330 = tpu.memref_slice %arg4[%add3A_276, %dma_wait3A_329] : memref<8192x2048xf32, #tpu.memory_space<hbm>> -> memref<8x2048xf32, #tpu.memory_space<hbm>>
    %dma_wait3A_331 = arith.constant 0 : i32
    %dma_wait3A_332 = tpu.memref_slice %arg4[%add3A_276, %dma_wait3A_331] : memref<8192x2048xf32, #tpu.memory_space<hbm>> -> memref<8x2048xf32, #tpu.memory_space<hbm>>
    tpu.wait_dma2 semaphore(%arg23 : memref<!tpu.dma_semaphore, #tpu.memory_space<semaphore_mem>>) src(%arg9 : memref<8x2048xf32, #tpu.memory_space<vmem>>) dst(%dma_wait3A_332 : memref<8x2048xf32, #tpu.memory_space<hbm>>)
    %dma_start3A_333 = arith.constant 17 : i32
    %dma_start3A_334 = arith.constant 0 : i32
    %dma_start3A_335 = tpu.memref_slice %arg5[%dma_start3A_333, %dma_start3A_334] : memref<32x8xi32, #tpu.memory_space<vmem>> -> memref<1x8xi32, #tpu.memory_space<vmem>>
    %dma_start3A_336 = tpu.memref_squeeze %dma_start3A_335 : memref<1x8xi32, #tpu.memory_space<vmem>> -> memref<8xi32, #tpu.memory_space<vmem>>
    %dma_start3A_337 = arith.constant 0 : i32
    %dma_start3A_338 = arith.constant 0 : i32
    %dma_start3A_339 = tpu.memref_slice %arg3[%dma_start3A_337, %dma_start3A_338] : memref<100000x2048xf32, #tpu.memory_space<hbm>> -> memref<100000x2048xf32, #tpu.memory_space<hbm>>
    tpu.enqueue_indirect_dma source(%dma_start3A_339 : memref<100000x2048xf32, #tpu.memory_space<hbm>>) target(%arg9 : memref<8x2048xf32, #tpu.memory_space<vmem>>) offsets(%dma_start3A_336 : memref<8xi32, #tpu.memory_space<vmem>>) semaphore(%arg16 : memref<!tpu.dma_semaphore, #tpu.memory_space<semaphore_mem>>)
    %dma_wait3A_340 = arith.constant 13 : i32
    %dma_wait3A_341 = arith.constant 0 : i32
    %dma_wait3A_342 = tpu.memref_slice %arg5[%dma_wait3A_340, %dma_wait3A_341] : memref<32x8xi32, #tpu.memory_space<vmem>> -> memref<1x8xi32, #tpu.memory_space<vmem>>
    %dma_wait3A_343 = tpu.memref_squeeze %dma_wait3A_342 : memref<1x8xi32, #tpu.memory_space<vmem>> -> memref<8xi32, #tpu.memory_space<vmem>>
    %dma_wait3A_344 = arith.constant 0 : i32
    %dma_wait3A_345 = arith.constant 0 : i32
    %dma_wait3A_346 = tpu.memref_slice %arg3[%dma_wait3A_344, %dma_wait3A_345] : memref<100000x2048xf32, #tpu.memory_space<hbm>> -> memref<100000x2048xf32, #tpu.memory_space<hbm>>
    tpu.wait_indirect_dma semaphore(%arg19 : memref<!tpu.dma_semaphore, #tpu.memory_space<semaphore_mem>>) src(%dma_wait3A_346 : memref<100000x2048xf32, #tpu.memory_space<hbm>>) dst(%arg12 : memref<8x2048xf32, #tpu.memory_space<vmem>>)
    %add3A_347 = arith.constant 104 : i32
    %add3A_348 = arith.addi %mul3A_2, %add3A_347 : i32
    %dma_start3A_349 = arith.constant 0 : i32
    %dma_start3A_350 = tpu.memref_slice %arg4[%add3A_348, %dma_start3A_349] : memref<8192x2048xf32, #tpu.memory_space<hbm>> -> memref<8x2048xf32, #tpu.memory_space<hbm>>
    %dma_start3A_351 = arith.constant 0 : i32
    %dma_start3A_352 = tpu.memref_slice %arg4[%add3A_348, %dma_start3A_351] : memref<8192x2048xf32, #tpu.memory_space<hbm>> -> memref<8x2048xf32, #tpu.memory_space<hbm>>
    tpu.enqueue_dma source(%arg12 : memref<8x2048xf32, #tpu.memory_space<vmem>>) target(%dma_start3A_352 : memref<8x2048xf32, #tpu.memory_space<hbm>>) target_semaphore(%arg26 : memref<!tpu.dma_semaphore, #tpu.memory_space<semaphore_mem>>)
    %dma_wait3A_353 = arith.constant 0 : i32
    %dma_wait3A_354 = tpu.memref_slice %arg4[%add3A_300, %dma_wait3A_353] : memref<8192x2048xf32, #tpu.memory_space<hbm>> -> memref<8x2048xf32, #tpu.memory_space<hbm>>
    %dma_wait3A_355 = arith.constant 0 : i32
    %dma_wait3A_356 = tpu.memref_slice %arg4[%add3A_300, %dma_wait3A_355] : memref<8192x2048xf32, #tpu.memory_space<hbm>> -> memref<8x2048xf32, #tpu.memory_space<hbm>>
    tpu.wait_dma2 semaphore(%arg24 : memref<!tpu.dma_semaphore, #tpu.memory_space<semaphore_mem>>) src(%arg10 : memref<8x2048xf32, #tpu.memory_space<vmem>>) dst(%dma_wait3A_356 : memref<8x2048xf32, #tpu.memory_space<hbm>>)
    %dma_start3A_357 = arith.constant 18 : i32
    %dma_start3A_358 = arith.constant 0 : i32
    %dma_start3A_359 = tpu.memref_slice %arg5[%dma_start3A_357, %dma_start3A_358] : memref<32x8xi32, #tpu.memory_space<vmem>> -> memref<1x8xi32, #tpu.memory_space<vmem>>
    %dma_start3A_360 = tpu.memref_squeeze %dma_start3A_359 : memref<1x8xi32, #tpu.memory_space<vmem>> -> memref<8xi32, #tpu.memory_space<vmem>>
    %dma_start3A_361 = arith.constant 0 : i32
    %dma_start3A_362 = arith.constant 0 : i32
    %dma_start3A_363 = tpu.memref_slice %arg3[%dma_start3A_361, %dma_start3A_362] : memref<100000x2048xf32, #tpu.memory_space<hbm>> -> memref<100000x2048xf32, #tpu.memory_space<hbm>>
    tpu.enqueue_indirect_dma source(%dma_start3A_363 : memref<100000x2048xf32, #tpu.memory_space<hbm>>) target(%arg10 : memref<8x2048xf32, #tpu.memory_space<vmem>>) offsets(%dma_start3A_360 : memref<8xi32, #tpu.memory_space<vmem>>) semaphore(%arg17 : memref<!tpu.dma_semaphore, #tpu.memory_space<semaphore_mem>>)
    %dma_wait3A_364 = arith.constant 14 : i32
    %dma_wait3A_365 = arith.constant 0 : i32
    %dma_wait3A_366 = tpu.memref_slice %arg5[%dma_wait3A_364, %dma_wait3A_365] : memref<32x8xi32, #tpu.memory_space<vmem>> -> memref<1x8xi32, #tpu.memory_space<vmem>>
    %dma_wait3A_367 = tpu.memref_squeeze %dma_wait3A_366 : memref<1x8xi32, #tpu.memory_space<vmem>> -> memref<8xi32, #tpu.memory_space<vmem>>
    %dma_wait3A_368 = arith.constant 0 : i32
    %dma_wait3A_369 = arith.constant 0 : i32
    %dma_wait3A_370 = tpu.memref_slice %arg3[%dma_wait3A_368, %dma_wait3A_369] : memref<100000x2048xf32, #tpu.memory_space<hbm>> -> memref<100000x2048xf32, #tpu.memory_space<hbm>>
    tpu.wait_indirect_dma semaphore(%arg13 : memref<!tpu.dma_semaphore, #tpu.memory_space<semaphore_mem>>) src(%dma_wait3A_370 : memref<100000x2048xf32, #tpu.memory_space<hbm>>) dst(%arg6 : memref<8x2048xf32, #tpu.memory_space<vmem>>)
    %add3A_371 = arith.constant 112 : i32
    %add3A_372 = arith.addi %mul3A_2, %add3A_371 : i32
    %dma_start3A_373 = arith.constant 0 : i32
    %dma_start3A_374 = tpu.memref_slice %arg4[%add3A_372, %dma_start3A_373] : memref<8192x2048xf32, #tpu.memory_space<hbm>> -> memref<8x2048xf32, #tpu.memory_space<hbm>>
    %dma_start3A_375 = arith.constant 0 : i32
    %dma_start3A_376 = tpu.memref_slice %arg4[%add3A_372, %dma_start3A_375] : memref<8192x2048xf32, #tpu.memory_space<hbm>> -> memref<8x2048xf32, #tpu.memory_space<hbm>>
    tpu.enqueue_dma source(%arg6 : memref<8x2048xf32, #tpu.memory_space<vmem>>) target(%dma_start3A_376 : memref<8x2048xf32, #tpu.memory_space<hbm>>) target_semaphore(%arg20 : memref<!tpu.dma_semaphore, #tpu.memory_space<semaphore_mem>>)
    %dma_wait3A_377 = arith.constant 0 : i32
    %dma_wait3A_378 = tpu.memref_slice %arg4[%add3A_324, %dma_wait3A_377] : memref<8192x2048xf32, #tpu.memory_space<hbm>> -> memref<8x2048xf32, #tpu.memory_space<hbm>>
    %dma_wait3A_379 = arith.constant 0 : i32
    %dma_wait3A_380 = tpu.memref_slice %arg4[%add3A_324, %dma_wait3A_379] : memref<8192x2048xf32, #tpu.memory_space<hbm>> -> memref<8x2048xf32, #tpu.memory_space<hbm>>
    tpu.wait_dma2 semaphore(%arg25 : memref<!tpu.dma_semaphore, #tpu.memory_space<semaphore_mem>>) src(%arg11 : memref<8x2048xf32, #tpu.memory_space<vmem>>) dst(%dma_wait3A_380 : memref<8x2048xf32, #tpu.memory_space<hbm>>)
    %dma_start3A_381 = arith.constant 19 : i32
    %dma_start3A_382 = arith.constant 0 : i32
    %dma_start3A_383 = tpu.memref_slice %arg5[%dma_start3A_381, %dma_start3A_382] : memref<32x8xi32, #tpu.memory_space<vmem>> -> memref<1x8xi32, #tpu.memory_space<vmem>>
    %dma_start3A_384 = tpu.memref_squeeze %dma_start3A_383 : memref<1x8xi32, #tpu.memory_space<vmem>> -> memref<8xi32, #tpu.memory_space<vmem>>
    %dma_start3A_385 = arith.constant 0 : i32
    %dma_start3A_386 = arith.constant 0 : i32
    %dma_start3A_387 = tpu.memref_slice %arg3[%dma_start3A_385, %dma_start3A_386] : memref<100000x2048xf32, #tpu.memory_space<hbm>> -> memref<100000x2048xf32, #tpu.memory_space<hbm>>
    tpu.enqueue_indirect_dma source(%dma_start3A_387 : memref<100000x2048xf32, #tpu.memory_space<hbm>>) target(%arg11 : memref<8x2048xf32, #tpu.memory_space<vmem>>) offsets(%dma_start3A_384 : memref<8xi32, #tpu.memory_space<vmem>>) semaphore(%arg18 : memref<!tpu.dma_semaphore, #tpu.memory_space<semaphore_mem>>)
    %dma_wait3A_388 = arith.constant 15 : i32
    %dma_wait3A_389 = arith.constant 0 : i32
    %dma_wait3A_390 = tpu.memref_slice %arg5[%dma_wait3A_388, %dma_wait3A_389] : memref<32x8xi32, #tpu.memory_space<vmem>> -> memref<1x8xi32, #tpu.memory_space<vmem>>
    %dma_wait3A_391 = tpu.memref_squeeze %dma_wait3A_390 : memref<1x8xi32, #tpu.memory_space<vmem>> -> memref<8xi32, #tpu.memory_space<vmem>>
    %dma_wait3A_392 = arith.constant 0 : i32
    %dma_wait3A_393 = arith.constant 0 : i32
    %dma_wait3A_394 = tpu.memref_slice %arg3[%dma_wait3A_392, %dma_wait3A_393] : memref<100000x2048xf32, #tpu.memory_space<hbm>> -> memref<100000x2048xf32, #tpu.memory_space<hbm>>
    tpu.wait_indirect_dma semaphore(%arg14 : memref<!tpu.dma_semaphore, #tpu.memory_space<semaphore_mem>>) src(%dma_wait3A_394 : memref<100000x2048xf32, #tpu.memory_space<hbm>>) dst(%arg7 : memref<8x2048xf32, #tpu.memory_space<vmem>>)
    %add3A_395 = arith.constant 120 : i32
    %add3A_396 = arith.addi %mul3A_2, %add3A_395 : i32
    %dma_start3A_397 = arith.constant 0 : i32
    %dma_start3A_398 = tpu.memref_slice %arg4[%add3A_396, %dma_start3A_397] : memref<8192x2048xf32, #tpu.memory_space<hbm>> -> memref<8x2048xf32, #tpu.memory_space<hbm>>
    %dma_start3A_399 = arith.constant 0 : i32
    %dma_start3A_400 = tpu.memref_slice %arg4[%add3A_396, %dma_start3A_399] : memref<8192x2048xf32, #tpu.memory_space<hbm>> -> memref<8x2048xf32, #tpu.memory_space<hbm>>
    tpu.enqueue_dma source(%arg7 : memref<8x2048xf32, #tpu.memory_space<vmem>>) target(%dma_start3A_400 : memref<8x2048xf32, #tpu.memory_space<hbm>>) target_semaphore(%arg21 : memref<!tpu.dma_semaphore, #tpu.memory_space<semaphore_mem>>)
    %dma_wait3A_401 = arith.constant 0 : i32
    %dma_wait3A_402 = tpu.memref_slice %arg4[%add3A_348, %dma_wait3A_401] : memref<8192x2048xf32, #tpu.memory_space<hbm>> -> memref<8x2048xf32, #tpu.memory_space<hbm>>
    %dma_wait3A_403 = arith.constant 0 : i32
    %dma_wait3A_404 = tpu.memref_slice %arg4[%add3A_348, %dma_wait3A_403] : memref<8192x2048xf32, #tpu.memory_space<hbm>> -> memref<8x2048xf32, #tpu.memory_space<hbm>>
    tpu.wait_dma2 semaphore(%arg26 : memref<!tpu.dma_semaphore, #tpu.memory_space<semaphore_mem>>) src(%arg12 : memref<8x2048xf32, #tpu.memory_space<vmem>>) dst(%dma_wait3A_404 : memref<8x2048xf32, #tpu.memory_space<hbm>>)
    %dma_start3A_405 = arith.constant 20 : i32
    %dma_start3A_406 = arith.constant 0 : i32
    %dma_start3A_407 = tpu.memref_slice %arg5[%dma_start3A_405, %dma_start3A_406] : memref<32x8xi32, #tpu.memory_space<vmem>> -> memref<1x8xi32, #tpu.memory_space<vmem>>
    %dma_start3A_408 = tpu.memref_squeeze %dma_start3A_407 : memref<1x8xi32, #tpu.memory_space<vmem>> -> memref<8xi32, #tpu.memory_space<vmem>>
    %dma_start3A_409 = arith.constant 0 : i32
    %dma_start3A_410 = arith.constant 0 : i32
    %dma_start3A_411 = tpu.memref_slice %arg3[%dma_start3A_409, %dma_start3A_410] : memref<100000x2048xf32, #tpu.memory_space<hbm>> -> memref<100000x2048xf32, #tpu.memory_space<hbm>>
    tpu.enqueue_indirect_dma source(%dma_start3A_411 : memref<100000x2048xf32, #tpu.memory_space<hbm>>) target(%arg12 : memref<8x2048xf32, #tpu.memory_space<vmem>>) offsets(%dma_start3A_408 : memref<8xi32, #tpu.memory_space<vmem>>) semaphore(%arg19 : memref<!tpu.dma_semaphore, #tpu.memory_space<semaphore_mem>>)
    %dma_wait3A_412 = arith.constant 16 : i32
    %dma_wait3A_413 = arith.constant 0 : i32
    %dma_wait3A_414 = tpu.memref_slice %arg5[%dma_wait3A_412, %dma_wait3A_413] : memref<32x8xi32, #tpu.memory_space<vmem>> -> memref<1x8xi32, #tpu.memory_space<vmem>>
    %dma_wait3A_415 = tpu.memref_squeeze %dma_wait3A_414 : memref<1x8xi32, #tpu.memory_space<vmem>> -> memref<8xi32, #tpu.memory_space<vmem>>
    %dma_wait3A_416 = arith.constant 0 : i32
    %dma_wait3A_417 = arith.constant 0 : i32
    %dma_wait3A_418 = tpu.memref_slice %arg3[%dma_wait3A_416, %dma_wait3A_417] : memref<100000x2048xf32, #tpu.memory_space<hbm>> -> memref<100000x2048xf32, #tpu.memory_space<hbm>>
    tpu.wait_indirect_dma semaphore(%arg15 : memref<!tpu.dma_semaphore, #tpu.memory_space<semaphore_mem>>) src(%dma_wait3A_418 : memref<100000x2048xf32, #tpu.memory_space<hbm>>) dst(%arg8 : memref<8x2048xf32, #tpu.memory_space<vmem>>)
    %add3A_419 = arith.constant 128 : i32
    %add3A_420 = arith.addi %mul3A_2, %add3A_419 : i32
    %dma_start3A_421 = arith.constant 0 : i32
    %dma_start3A_422 = tpu.memref_slice %arg4[%add3A_420, %dma_start3A_421] : memref<8192x2048xf32, #tpu.memory_space<hbm>> -> memref<8x2048xf32, #tpu.memory_space<hbm>>
    %dma_start3A_423 = arith.constant 0 : i32
    %dma_start3A_424 = tpu.memref_slice %arg4[%add3A_420, %dma_start3A_423] : memref<8192x2048xf32, #tpu.memory_space<hbm>> -> memref<8x2048xf32, #tpu.memory_space<hbm>>
    tpu.enqueue_dma source(%arg8 : memref<8x2048xf32, #tpu.memory_space<vmem>>) target(%dma_start3A_424 : memref<8x2048xf32, #tpu.memory_space<hbm>>) target_semaphore(%arg22 : memref<!tpu.dma_semaphore, #tpu.memory_space<semaphore_mem>>)
    %dma_wait3A_425 = arith.constant 0 : i32
    %dma_wait3A_426 = tpu.memref_slice %arg4[%add3A_372, %dma_wait3A_425] : memref<8192x2048xf32, #tpu.memory_space<hbm>> -> memref<8x2048xf32, #tpu.memory_space<hbm>>
    %dma_wait3A_427 = arith.constant 0 : i32
    %dma_wait3A_428 = tpu.memref_slice %arg4[%add3A_372, %dma_wait3A_427] : memref<8192x2048xf32, #tpu.memory_space<hbm>> -> memref<8x2048xf32, #tpu.memory_space<hbm>>
    tpu.wait_dma2 semaphore(%arg20 : memref<!tpu.dma_semaphore, #tpu.memory_space<semaphore_mem>>) src(%arg6 : memref<8x2048xf32, #tpu.memory_space<vmem>>) dst(%dma_wait3A_428 : memref<8x2048xf32, #tpu.memory_space<hbm>>)
    %dma_start3A_429 = arith.constant 21 : i32
    %dma_start3A_430 = arith.constant 0 : i32
    %dma_start3A_431 = tpu.memref_slice %arg5[%dma_start3A_429, %dma_start3A_430] : memref<32x8xi32, #tpu.memory_space<vmem>> -> memref<1x8xi32, #tpu.memory_space<vmem>>
    %dma_start3A_432 = tpu.memref_squeeze %dma_start3A_431 : memref<1x8xi32, #tpu.memory_space<vmem>> -> memref<8xi32, #tpu.memory_space<vmem>>
    %dma_start3A_433 = arith.constant 0 : i32
    %dma_start3A_434 = arith.constant 0 : i32
    %dma_start3A_435 = tpu.memref_slice %arg3[%dma_start3A_433, %dma_start3A_434] : memref<100000x2048xf32, #tpu.memory_space<hbm>> -> memref<100000x2048xf32, #tpu.memory_space<hbm>>
    tpu.enqueue_indirect_dma source(%dma_start3A_435 : memref<100000x2048xf32, #tpu.memory_space<hbm>>) target(%arg6 : memref<8x2048xf32, #tpu.memory_space<vmem>>) offsets(%dma_start3A_432 : memref<8xi32, #tpu.memory_space<vmem>>) semaphore(%arg13 : memref<!tpu.dma_semaphore, #tpu.memory_space<semaphore_mem>>)
    %dma_wait3A_436 = arith.constant 17 : i32
    %dma_wait3A_437 = arith.constant 0 : i32
    %dma_wait3A_438 = tpu.memref_slice %arg5[%dma_wait3A_436, %dma_wait3A_437] : memref<32x8xi32, #tpu.memory_space<vmem>> -> memref<1x8xi32, #tpu.memory_space<vmem>>
    %dma_wait3A_439 = tpu.memref_squeeze %dma_wait3A_438 : memref<1x8xi32, #tpu.memory_space<vmem>> -> memref<8xi32, #tpu.memory_space<vmem>>
    %dma_wait3A_440 = arith.constant 0 : i32
    %dma_wait3A_441 = arith.constant 0 : i32
    %dma_wait3A_442 = tpu.memref_slice %arg3[%dma_wait3A_440, %dma_wait3A_441] : memref<100000x2048xf32, #tpu.memory_space<hbm>> -> memref<100000x2048xf32, #tpu.memory_space<hbm>>
    tpu.wait_indirect_dma semaphore(%arg16 : memref<!tpu.dma_semaphore, #tpu.memory_space<semaphore_mem>>) src(%dma_wait3A_442 : memref<100000x2048xf32, #tpu.memory_space<hbm>>) dst(%arg9 : memref<8x2048xf32, #tpu.memory_space<vmem>>)
    %add3A_443 = arith.constant 136 : i32
    %add3A_444 = arith.addi %mul3A_2, %add3A_443 : i32
    %dma_start3A_445 = arith.constant 0 : i32
    %dma_start3A_446 = tpu.memref_slice %arg4[%add3A_444, %dma_start3A_445] : memref<8192x2048xf32, #tpu.memory_space<hbm>> -> memref<8x2048xf32, #tpu.memory_space<hbm>>
    %dma_start3A_447 = arith.constant 0 : i32
    %dma_start3A_448 = tpu.memref_slice %arg4[%add3A_444, %dma_start3A_447] : memref<8192x2048xf32, #tpu.memory_space<hbm>> -> memref<8x2048xf32, #tpu.memory_space<hbm>>
    tpu.enqueue_dma source(%arg9 : memref<8x2048xf32, #tpu.memory_space<vmem>>) target(%dma_start3A_448 : memref<8x2048xf32, #tpu.memory_space<hbm>>) target_semaphore(%arg23 : memref<!tpu.dma_semaphore, #tpu.memory_space<semaphore_mem>>)
    %dma_wait3A_449 = arith.constant 0 : i32
    %dma_wait3A_450 = tpu.memref_slice %arg4[%add3A_396, %dma_wait3A_449] : memref<8192x2048xf32, #tpu.memory_space<hbm>> -> memref<8x2048xf32, #tpu.memory_space<hbm>>
    %dma_wait3A_451 = arith.constant 0 : i32
    %dma_wait3A_452 = tpu.memref_slice %arg4[%add3A_396, %dma_wait3A_451] : memref<8192x2048xf32, #tpu.memory_space<hbm>> -> memref<8x2048xf32, #tpu.memory_space<hbm>>
    tpu.wait_dma2 semaphore(%arg21 : memref<!tpu.dma_semaphore, #tpu.memory_space<semaphore_mem>>) src(%arg7 : memref<8x2048xf32, #tpu.memory_space<vmem>>) dst(%dma_wait3A_452 : memref<8x2048xf32, #tpu.memory_space<hbm>>)
    %dma_start3A_453 = arith.constant 22 : i32
    %dma_start3A_454 = arith.constant 0 : i32
    %dma_start3A_455 = tpu.memref_slice %arg5[%dma_start3A_453, %dma_start3A_454] : memref<32x8xi32, #tpu.memory_space<vmem>> -> memref<1x8xi32, #tpu.memory_space<vmem>>
    %dma_start3A_456 = tpu.memref_squeeze %dma_start3A_455 : memref<1x8xi32, #tpu.memory_space<vmem>> -> memref<8xi32, #tpu.memory_space<vmem>>
    %dma_start3A_457 = arith.constant 0 : i32
    %dma_start3A_458 = arith.constant 0 : i32
    %dma_start3A_459 = tpu.memref_slice %arg3[%dma_start3A_457, %dma_start3A_458] : memref<100000x2048xf32, #tpu.memory_space<hbm>> -> memref<100000x2048xf32, #tpu.memory_space<hbm>>
    tpu.enqueue_indirect_dma source(%dma_start3A_459 : memref<100000x2048xf32, #tpu.memory_space<hbm>>) target(%arg7 : memref<8x2048xf32, #tpu.memory_space<vmem>>) offsets(%dma_start3A_456 : memref<8xi32, #tpu.memory_space<vmem>>) semaphore(%arg14 : memref<!tpu.dma_semaphore, #tpu.memory_space<semaphore_mem>>)
    %dma_wait3A_460 = arith.constant 18 : i32
    %dma_wait3A_461 = arith.constant 0 : i32
    %dma_wait3A_462 = tpu.memref_slice %arg5[%dma_wait3A_460, %dma_wait3A_461] : memref<32x8xi32, #tpu.memory_space<vmem>> -> memref<1x8xi32, #tpu.memory_space<vmem>>
    %dma_wait3A_463 = tpu.memref_squeeze %dma_wait3A_462 : memref<1x8xi32, #tpu.memory_space<vmem>> -> memref<8xi32, #tpu.memory_space<vmem>>
    %dma_wait3A_464 = arith.constant 0 : i32
    %dma_wait3A_465 = arith.constant 0 : i32
    %dma_wait3A_466 = tpu.memref_slice %arg3[%dma_wait3A_464, %dma_wait3A_465] : memref<100000x2048xf32, #tpu.memory_space<hbm>> -> memref<100000x2048xf32, #tpu.memory_space<hbm>>
    tpu.wait_indirect_dma semaphore(%arg17 : memref<!tpu.dma_semaphore, #tpu.memory_space<semaphore_mem>>) src(%dma_wait3A_466 : memref<100000x2048xf32, #tpu.memory_space<hbm>>) dst(%arg10 : memref<8x2048xf32, #tpu.memory_space<vmem>>)
    %add3A_467 = arith.constant 144 : i32
    %add3A_468 = arith.addi %mul3A_2, %add3A_467 : i32
    %dma_start3A_469 = arith.constant 0 : i32
    %dma_start3A_470 = tpu.memref_slice %arg4[%add3A_468, %dma_start3A_469] : memref<8192x2048xf32, #tpu.memory_space<hbm>> -> memref<8x2048xf32, #tpu.memory_space<hbm>>
    %dma_start3A_471 = arith.constant 0 : i32
    %dma_start3A_472 = tpu.memref_slice %arg4[%add3A_468, %dma_start3A_471] : memref<8192x2048xf32, #tpu.memory_space<hbm>> -> memref<8x2048xf32, #tpu.memory_space<hbm>>
    tpu.enqueue_dma source(%arg10 : memref<8x2048xf32, #tpu.memory_space<vmem>>) target(%dma_start3A_472 : memref<8x2048xf32, #tpu.memory_space<hbm>>) target_semaphore(%arg24 : memref<!tpu.dma_semaphore, #tpu.memory_space<semaphore_mem>>)
    %dma_wait3A_473 = arith.constant 0 : i32
    %dma_wait3A_474 = tpu.memref_slice %arg4[%add3A_420, %dma_wait3A_473] : memref<8192x2048xf32, #tpu.memory_space<hbm>> -> memref<8x2048xf32, #tpu.memory_space<hbm>>
    %dma_wait3A_475 = arith.constant 0 : i32
    %dma_wait3A_476 = tpu.memref_slice %arg4[%add3A_420, %dma_wait3A_475] : memref<8192x2048xf32, #tpu.memory_space<hbm>> -> memref<8x2048xf32, #tpu.memory_space<hbm>>
    tpu.wait_dma2 semaphore(%arg22 : memref<!tpu.dma_semaphore, #tpu.memory_space<semaphore_mem>>) src(%arg8 : memref<8x2048xf32, #tpu.memory_space<vmem>>) dst(%dma_wait3A_476 : memref<8x2048xf32, #tpu.memory_space<hbm>>)
    %dma_start3A_477 = arith.constant 23 : i32
    %dma_start3A_478 = arith.constant 0 : i32
    %dma_start3A_479 = tpu.memref_slice %arg5[%dma_start3A_477, %dma_start3A_478] : memref<32x8xi32, #tpu.memory_space<vmem>> -> memref<1x8xi32, #tpu.memory_space<vmem>>
    %dma_start3A_480 = tpu.memref_squeeze %dma_start3A_479 : memref<1x8xi32, #tpu.memory_space<vmem>> -> memref<8xi32, #tpu.memory_space<vmem>>
    %dma_start3A_481 = arith.constant 0 : i32
    %dma_start3A_482 = arith.constant 0 : i32
    %dma_start3A_483 = tpu.memref_slice %arg3[%dma_start3A_481, %dma_start3A_482] : memref<100000x2048xf32, #tpu.memory_space<hbm>> -> memref<100000x2048xf32, #tpu.memory_space<hbm>>
    tpu.enqueue_indirect_dma source(%dma_start3A_483 : memref<100000x2048xf32, #tpu.memory_space<hbm>>) target(%arg8 : memref<8x2048xf32, #tpu.memory_space<vmem>>) offsets(%dma_start3A_480 : memref<8xi32, #tpu.memory_space<vmem>>) semaphore(%arg15 : memref<!tpu.dma_semaphore, #tpu.memory_space<semaphore_mem>>)
    %dma_wait3A_484 = arith.constant 19 : i32
    %dma_wait3A_485 = arith.constant 0 : i32
    %dma_wait3A_486 = tpu.memref_slice %arg5[%dma_wait3A_484, %dma_wait3A_485] : memref<32x8xi32, #tpu.memory_space<vmem>> -> memref<1x8xi32, #tpu.memory_space<vmem>>
    %dma_wait3A_487 = tpu.memref_squeeze %dma_wait3A_486 : memref<1x8xi32, #tpu.memory_space<vmem>> -> memref<8xi32, #tpu.memory_space<vmem>>
    %dma_wait3A_488 = arith.constant 0 : i32
    %dma_wait3A_489 = arith.constant 0 : i32
    %dma_wait3A_490 = tpu.memref_slice %arg3[%dma_wait3A_488, %dma_wait3A_489] : memref<100000x2048xf32, #tpu.memory_space<hbm>> -> memref<100000x2048xf32, #tpu.memory_space<hbm>>
    tpu.wait_indirect_dma semaphore(%arg18 : memref<!tpu.dma_semaphore, #tpu.memory_space<semaphore_mem>>) src(%dma_wait3A_490 : memref<100000x2048xf32, #tpu.memory_space<hbm>>) dst(%arg11 : memref<8x2048xf32, #tpu.memory_space<vmem>>)
    %add3A_491 = arith.constant 152 : i32
    %add3A_492 = arith.addi %mul3A_2, %add3A_491 : i32
    %dma_start3A_493 = arith.constant 0 : i32
    %dma_start3A_494 = tpu.memref_slice %arg4[%add3A_492, %dma_start3A_493] : memref<8192x2048xf32, #tpu.memory_space<hbm>> -> memref<8x2048xf32, #tpu.memory_space<hbm>>
    %dma_start3A_495 = arith.constant 0 : i32
    %dma_start3A_496 = tpu.memref_slice %arg4[%add3A_492, %dma_start3A_495] : memref<8192x2048xf32, #tpu.memory_space<hbm>> -> memref<8x2048xf32, #tpu.memory_space<hbm>>
    tpu.enqueue_dma source(%arg11 : memref<8x2048xf32, #tpu.memory_space<vmem>>) target(%dma_start3A_496 : memref<8x2048xf32, #tpu.memory_space<hbm>>) target_semaphore(%arg25 : memref<!tpu.dma_semaphore, #tpu.memory_space<semaphore_mem>>)
    %dma_wait3A_497 = arith.constant 0 : i32
    %dma_wait3A_498 = tpu.memref_slice %arg4[%add3A_444, %dma_wait3A_497] : memref<8192x2048xf32, #tpu.memory_space<hbm>> -> memref<8x2048xf32, #tpu.memory_space<hbm>>
    %dma_wait3A_499 = arith.constant 0 : i32
    %dma_wait3A_500 = tpu.memref_slice %arg4[%add3A_444, %dma_wait3A_499] : memref<8192x2048xf32, #tpu.memory_space<hbm>> -> memref<8x2048xf32, #tpu.memory_space<hbm>>
    tpu.wait_dma2 semaphore(%arg23 : memref<!tpu.dma_semaphore, #tpu.memory_space<semaphore_mem>>) src(%arg9 : memref<8x2048xf32, #tpu.memory_space<vmem>>) dst(%dma_wait3A_500 : memref<8x2048xf32, #tpu.memory_space<hbm>>)
    %dma_start3A_501 = arith.constant 24 : i32
    %dma_start3A_502 = arith.constant 0 : i32
    %dma_start3A_503 = tpu.memref_slice %arg5[%dma_start3A_501, %dma_start3A_502] : memref<32x8xi32, #tpu.memory_space<vmem>> -> memref<1x8xi32, #tpu.memory_space<vmem>>
    %dma_start3A_504 = tpu.memref_squeeze %dma_start3A_503 : memref<1x8xi32, #tpu.memory_space<vmem>> -> memref<8xi32, #tpu.memory_space<vmem>>
    %dma_start3A_505 = arith.constant 0 : i32
    %dma_start3A_506 = arith.constant 0 : i32
    %dma_start3A_507 = tpu.memref_slice %arg3[%dma_start3A_505, %dma_start3A_506] : memref<100000x2048xf32, #tpu.memory_space<hbm>> -> memref<100000x2048xf32, #tpu.memory_space<hbm>>
    tpu.enqueue_indirect_dma source(%dma_start3A_507 : memref<100000x2048xf32, #tpu.memory_space<hbm>>) target(%arg9 : memref<8x2048xf32, #tpu.memory_space<vmem>>) offsets(%dma_start3A_504 : memref<8xi32, #tpu.memory_space<vmem>>) semaphore(%arg16 : memref<!tpu.dma_semaphore, #tpu.memory_space<semaphore_mem>>)
    %dma_wait3A_508 = arith.constant 20 : i32
    %dma_wait3A_509 = arith.constant 0 : i32
    %dma_wait3A_510 = tpu.memref_slice %arg5[%dma_wait3A_508, %dma_wait3A_509] : memref<32x8xi32, #tpu.memory_space<vmem>> -> memref<1x8xi32, #tpu.memory_space<vmem>>
    %dma_wait3A_511 = tpu.memref_squeeze %dma_wait3A_510 : memref<1x8xi32, #tpu.memory_space<vmem>> -> memref<8xi32, #tpu.memory_space<vmem>>
    %dma_wait3A_512 = arith.constant 0 : i32
    %dma_wait3A_513 = arith.constant 0 : i32
    %dma_wait3A_514 = tpu.memref_slice %arg3[%dma_wait3A_512, %dma_wait3A_513] : memref<100000x2048xf32, #tpu.memory_space<hbm>> -> memref<100000x2048xf32, #tpu.memory_space<hbm>>
    tpu.wait_indirect_dma semaphore(%arg19 : memref<!tpu.dma_semaphore, #tpu.memory_space<semaphore_mem>>) src(%dma_wait3A_514 : memref<100000x2048xf32, #tpu.memory_space<hbm>>) dst(%arg12 : memref<8x2048xf32, #tpu.memory_space<vmem>>)
    %add3A_515 = arith.constant 160 : i32
    %add3A_516 = arith.addi %mul3A_2, %add3A_515 : i32
    %dma_start3A_517 = arith.constant 0 : i32
    %dma_start3A_518 = tpu.memref_slice %arg4[%add3A_516, %dma_start3A_517] : memref<8192x2048xf32, #tpu.memory_space<hbm>> -> memref<8x2048xf32, #tpu.memory_space<hbm>>
    %dma_start3A_519 = arith.constant 0 : i32
    %dma_start3A_520 = tpu.memref_slice %arg4[%add3A_516, %dma_start3A_519] : memref<8192x2048xf32, #tpu.memory_space<hbm>> -> memref<8x2048xf32, #tpu.memory_space<hbm>>
    tpu.enqueue_dma source(%arg12 : memref<8x2048xf32, #tpu.memory_space<vmem>>) target(%dma_start3A_520 : memref<8x2048xf32, #tpu.memory_space<hbm>>) target_semaphore(%arg26 : memref<!tpu.dma_semaphore, #tpu.memory_space<semaphore_mem>>)
    %dma_wait3A_521 = arith.constant 0 : i32
    %dma_wait3A_522 = tpu.memref_slice %arg4[%add3A_468, %dma_wait3A_521] : memref<8192x2048xf32, #tpu.memory_space<hbm>> -> memref<8x2048xf32, #tpu.memory_space<hbm>>
    %dma_wait3A_523 = arith.constant 0 : i32
    %dma_wait3A_524 = tpu.memref_slice %arg4[%add3A_468, %dma_wait3A_523] : memref<8192x2048xf32, #tpu.memory_space<hbm>> -> memref<8x2048xf32, #tpu.memory_space<hbm>>
    tpu.wait_dma2 semaphore(%arg24 : memref<!tpu.dma_semaphore, #tpu.memory_space<semaphore_mem>>) src(%arg10 : memref<8x2048xf32, #tpu.memory_space<vmem>>) dst(%dma_wait3A_524 : memref<8x2048xf32, #tpu.memory_space<hbm>>)
    %dma_start3A_525 = arith.constant 25 : i32
    %dma_start3A_526 = arith.constant 0 : i32
    %dma_start3A_527 = tpu.memref_slice %arg5[%dma_start3A_525, %dma_start3A_526] : memref<32x8xi32, #tpu.memory_space<vmem>> -> memref<1x8xi32, #tpu.memory_space<vmem>>
    %dma_start3A_528 = tpu.memref_squeeze %dma_start3A_527 : memref<1x8xi32, #tpu.memory_space<vmem>> -> memref<8xi32, #tpu.memory_space<vmem>>
    %dma_start3A_529 = arith.constant 0 : i32
    %dma_start3A_530 = arith.constant 0 : i32
    %dma_start3A_531 = tpu.memref_slice %arg3[%dma_start3A_529, %dma_start3A_530] : memref<100000x2048xf32, #tpu.memory_space<hbm>> -> memref<100000x2048xf32, #tpu.memory_space<hbm>>
    tpu.enqueue_indirect_dma source(%dma_start3A_531 : memref<100000x2048xf32, #tpu.memory_space<hbm>>) target(%arg10 : memref<8x2048xf32, #tpu.memory_space<vmem>>) offsets(%dma_start3A_528 : memref<8xi32, #tpu.memory_space<vmem>>) semaphore(%arg17 : memref<!tpu.dma_semaphore, #tpu.memory_space<semaphore_mem>>)
    %dma_wait3A_532 = arith.constant 21 : i32
    %dma_wait3A_533 = arith.constant 0 : i32
    %dma_wait3A_534 = tpu.memref_slice %arg5[%dma_wait3A_532, %dma_wait3A_533] : memref<32x8xi32, #tpu.memory_space<vmem>> -> memref<1x8xi32, #tpu.memory_space<vmem>>
    %dma_wait3A_535 = tpu.memref_squeeze %dma_wait3A_534 : memref<1x8xi32, #tpu.memory_space<vmem>> -> memref<8xi32, #tpu.memory_space<vmem>>
    %dma_wait3A_536 = arith.constant 0 : i32
    %dma_wait3A_537 = arith.constant 0 : i32
    %dma_wait3A_538 = tpu.memref_slice %arg3[%dma_wait3A_536, %dma_wait3A_537] : memref<100000x2048xf32, #tpu.memory_space<hbm>> -> memref<100000x2048xf32, #tpu.memory_space<hbm>>
    tpu.wait_indirect_dma semaphore(%arg13 : memref<!tpu.dma_semaphore, #tpu.memory_space<semaphore_mem>>) src(%dma_wait3A_538 : memref<100000x2048xf32, #tpu.memory_space<hbm>>) dst(%arg6 : memref<8x2048xf32, #tpu.memory_space<vmem>>)
    %add3A_539 = arith.constant 168 : i32
    %add3A_540 = arith.addi %mul3A_2, %add3A_539 : i32
    %dma_start3A_541 = arith.constant 0 : i32
    %dma_start3A_542 = tpu.memref_slice %arg4[%add3A_540, %dma_start3A_541] : memref<8192x2048xf32, #tpu.memory_space<hbm>> -> memref<8x2048xf32, #tpu.memory_space<hbm>>
    %dma_start3A_543 = arith.constant 0 : i32
    %dma_start3A_544 = tpu.memref_slice %arg4[%add3A_540, %dma_start3A_543] : memref<8192x2048xf32, #tpu.memory_space<hbm>> -> memref<8x2048xf32, #tpu.memory_space<hbm>>
    tpu.enqueue_dma source(%arg6 : memref<8x2048xf32, #tpu.memory_space<vmem>>) target(%dma_start3A_544 : memref<8x2048xf32, #tpu.memory_space<hbm>>) target_semaphore(%arg20 : memref<!tpu.dma_semaphore, #tpu.memory_space<semaphore_mem>>)
    %dma_wait3A_545 = arith.constant 0 : i32
    %dma_wait3A_546 = tpu.memref_slice %arg4[%add3A_492, %dma_wait3A_545] : memref<8192x2048xf32, #tpu.memory_space<hbm>> -> memref<8x2048xf32, #tpu.memory_space<hbm>>
    %dma_wait3A_547 = arith.constant 0 : i32
    %dma_wait3A_548 = tpu.memref_slice %arg4[%add3A_492, %dma_wait3A_547] : memref<8192x2048xf32, #tpu.memory_space<hbm>> -> memref<8x2048xf32, #tpu.memory_space<hbm>>
    tpu.wait_dma2 semaphore(%arg25 : memref<!tpu.dma_semaphore, #tpu.memory_space<semaphore_mem>>) src(%arg11 : memref<8x2048xf32, #tpu.memory_space<vmem>>) dst(%dma_wait3A_548 : memref<8x2048xf32, #tpu.memory_space<hbm>>)
    %dma_start3A_549 = arith.constant 26 : i32
    %dma_start3A_550 = arith.constant 0 : i32
    %dma_start3A_551 = tpu.memref_slice %arg5[%dma_start3A_549, %dma_start3A_550] : memref<32x8xi32, #tpu.memory_space<vmem>> -> memref<1x8xi32, #tpu.memory_space<vmem>>
    %dma_start3A_552 = tpu.memref_squeeze %dma_start3A_551 : memref<1x8xi32, #tpu.memory_space<vmem>> -> memref<8xi32, #tpu.memory_space<vmem>>
    %dma_start3A_553 = arith.constant 0 : i32
    %dma_start3A_554 = arith.constant 0 : i32
    %dma_start3A_555 = tpu.memref_slice %arg3[%dma_start3A_553, %dma_start3A_554] : memref<100000x2048xf32, #tpu.memory_space<hbm>> -> memref<100000x2048xf32, #tpu.memory_space<hbm>>
    tpu.enqueue_indirect_dma source(%dma_start3A_555 : memref<100000x2048xf32, #tpu.memory_space<hbm>>) target(%arg11 : memref<8x2048xf32, #tpu.memory_space<vmem>>) offsets(%dma_start3A_552 : memref<8xi32, #tpu.memory_space<vmem>>) semaphore(%arg18 : memref<!tpu.dma_semaphore, #tpu.memory_space<semaphore_mem>>)
    %dma_wait3A_556 = arith.constant 22 : i32
    %dma_wait3A_557 = arith.constant 0 : i32
    %dma_wait3A_558 = tpu.memref_slice %arg5[%dma_wait3A_556, %dma_wait3A_557] : memref<32x8xi32, #tpu.memory_space<vmem>> -> memref<1x8xi32, #tpu.memory_space<vmem>>
    %dma_wait3A_559 = tpu.memref_squeeze %dma_wait3A_558 : memref<1x8xi32, #tpu.memory_space<vmem>> -> memref<8xi32, #tpu.memory_space<vmem>>
    %dma_wait3A_560 = arith.constant 0 : i32
    %dma_wait3A_561 = arith.constant 0 : i32
    %dma_wait3A_562 = tpu.memref_slice %arg3[%dma_wait3A_560, %dma_wait3A_561] : memref<100000x2048xf32, #tpu.memory_space<hbm>> -> memref<100000x2048xf32, #tpu.memory_space<hbm>>
    tpu.wait_indirect_dma semaphore(%arg14 : memref<!tpu.dma_semaphore, #tpu.memory_space<semaphore_mem>>) src(%dma_wait3A_562 : memref<100000x2048xf32, #tpu.memory_space<hbm>>) dst(%arg7 : memref<8x2048xf32, #tpu.memory_space<vmem>>)
    %add3A_563 = arith.constant 176 : i32
    %add3A_564 = arith.addi %mul3A_2, %add3A_563 : i32
    %dma_start3A_565 = arith.constant 0 : i32
    %dma_start3A_566 = tpu.memref_slice %arg4[%add3A_564, %dma_start3A_565] : memref<8192x2048xf32, #tpu.memory_space<hbm>> -> memref<8x2048xf32, #tpu.memory_space<hbm>>
    %dma_start3A_567 = arith.constant 0 : i32
    %dma_start3A_568 = tpu.memref_slice %arg4[%add3A_564, %dma_start3A_567] : memref<8192x2048xf32, #tpu.memory_space<hbm>> -> memref<8x2048xf32, #tpu.memory_space<hbm>>
    tpu.enqueue_dma source(%arg7 : memref<8x2048xf32, #tpu.memory_space<vmem>>) target(%dma_start3A_568 : memref<8x2048xf32, #tpu.memory_space<hbm>>) target_semaphore(%arg21 : memref<!tpu.dma_semaphore, #tpu.memory_space<semaphore_mem>>)
    %dma_wait3A_569 = arith.constant 0 : i32
    %dma_wait3A_570 = tpu.memref_slice %arg4[%add3A_516, %dma_wait3A_569] : memref<8192x2048xf32, #tpu.memory_space<hbm>> -> memref<8x2048xf32, #tpu.memory_space<hbm>>
    %dma_wait3A_571 = arith.constant 0 : i32
    %dma_wait3A_572 = tpu.memref_slice %arg4[%add3A_516, %dma_wait3A_571] : memref<8192x2048xf32, #tpu.memory_space<hbm>> -> memref<8x2048xf32, #tpu.memory_space<hbm>>
    tpu.wait_dma2 semaphore(%arg26 : memref<!tpu.dma_semaphore, #tpu.memory_space<semaphore_mem>>) src(%arg12 : memref<8x2048xf32, #tpu.memory_space<vmem>>) dst(%dma_wait3A_572 : memref<8x2048xf32, #tpu.memory_space<hbm>>)
    %dma_start3A_573 = arith.constant 27 : i32
    %dma_start3A_574 = arith.constant 0 : i32
    %dma_start3A_575 = tpu.memref_slice %arg5[%dma_start3A_573, %dma_start3A_574] : memref<32x8xi32, #tpu.memory_space<vmem>> -> memref<1x8xi32, #tpu.memory_space<vmem>>
    %dma_start3A_576 = tpu.memref_squeeze %dma_start3A_575 : memref<1x8xi32, #tpu.memory_space<vmem>> -> memref<8xi32, #tpu.memory_space<vmem>>
    %dma_start3A_577 = arith.constant 0 : i32
    %dma_start3A_578 = arith.constant 0 : i32
    %dma_start3A_579 = tpu.memref_slice %arg3[%dma_start3A_577, %dma_start3A_578] : memref<100000x2048xf32, #tpu.memory_space<hbm>> -> memref<100000x2048xf32, #tpu.memory_space<hbm>>
    tpu.enqueue_indirect_dma source(%dma_start3A_579 : memref<100000x2048xf32, #tpu.memory_space<hbm>>) target(%arg12 : memref<8x2048xf32, #tpu.memory_space<vmem>>) offsets(%dma_start3A_576 : memref<8xi32, #tpu.memory_space<vmem>>) semaphore(%arg19 : memref<!tpu.dma_semaphore, #tpu.memory_space<semaphore_mem>>)
    %dma_wait3A_580 = arith.constant 23 : i32
    %dma_wait3A_581 = arith.constant 0 : i32
    %dma_wait3A_582 = tpu.memref_slice %arg5[%dma_wait3A_580, %dma_wait3A_581] : memref<32x8xi32, #tpu.memory_space<vmem>> -> memref<1x8xi32, #tpu.memory_space<vmem>>
    %dma_wait3A_583 = tpu.memref_squeeze %dma_wait3A_582 : memref<1x8xi32, #tpu.memory_space<vmem>> -> memref<8xi32, #tpu.memory_space<vmem>>
    %dma_wait3A_584 = arith.constant 0 : i32
    %dma_wait3A_585 = arith.constant 0 : i32
    %dma_wait3A_586 = tpu.memref_slice %arg3[%dma_wait3A_584, %dma_wait3A_585] : memref<100000x2048xf32, #tpu.memory_space<hbm>> -> memref<100000x2048xf32, #tpu.memory_space<hbm>>
    tpu.wait_indirect_dma semaphore(%arg15 : memref<!tpu.dma_semaphore, #tpu.memory_space<semaphore_mem>>) src(%dma_wait3A_586 : memref<100000x2048xf32, #tpu.memory_space<hbm>>) dst(%arg8 : memref<8x2048xf32, #tpu.memory_space<vmem>>)
    %add3A_587 = arith.constant 184 : i32
    %add3A_588 = arith.addi %mul3A_2, %add3A_587 : i32
    %dma_start3A_589 = arith.constant 0 : i32
    %dma_start3A_590 = tpu.memref_slice %arg4[%add3A_588, %dma_start3A_589] : memref<8192x2048xf32, #tpu.memory_space<hbm>> -> memref<8x2048xf32, #tpu.memory_space<hbm>>
    %dma_start3A_591 = arith.constant 0 : i32
    %dma_start3A_592 = tpu.memref_slice %arg4[%add3A_588, %dma_start3A_591] : memref<8192x2048xf32, #tpu.memory_space<hbm>> -> memref<8x2048xf32, #tpu.memory_space<hbm>>
    tpu.enqueue_dma source(%arg8 : memref<8x2048xf32, #tpu.memory_space<vmem>>) target(%dma_start3A_592 : memref<8x2048xf32, #tpu.memory_space<hbm>>) target_semaphore(%arg22 : memref<!tpu.dma_semaphore, #tpu.memory_space<semaphore_mem>>)
    %dma_wait3A_593 = arith.constant 0 : i32
    %dma_wait3A_594 = tpu.memref_slice %arg4[%add3A_540, %dma_wait3A_593] : memref<8192x2048xf32, #tpu.memory_space<hbm>> -> memref<8x2048xf32, #tpu.memory_space<hbm>>
    %dma_wait3A_595 = arith.constant 0 : i32
    %dma_wait3A_596 = tpu.memref_slice %arg4[%add3A_540, %dma_wait3A_595] : memref<8192x2048xf32, #tpu.memory_space<hbm>> -> memref<8x2048xf32, #tpu.memory_space<hbm>>
    tpu.wait_dma2 semaphore(%arg20 : memref<!tpu.dma_semaphore, #tpu.memory_space<semaphore_mem>>) src(%arg6 : memref<8x2048xf32, #tpu.memory_space<vmem>>) dst(%dma_wait3A_596 : memref<8x2048xf32, #tpu.memory_space<hbm>>)
    %dma_start3A_597 = arith.constant 28 : i32
    %dma_start3A_598 = arith.constant 0 : i32
    %dma_start3A_599 = tpu.memref_slice %arg5[%dma_start3A_597, %dma_start3A_598] : memref<32x8xi32, #tpu.memory_space<vmem>> -> memref<1x8xi32, #tpu.memory_space<vmem>>
    %dma_start3A_600 = tpu.memref_squeeze %dma_start3A_599 : memref<1x8xi32, #tpu.memory_space<vmem>> -> memref<8xi32, #tpu.memory_space<vmem>>
    %dma_start3A_601 = arith.constant 0 : i32
    %dma_start3A_602 = arith.constant 0 : i32
    %dma_start3A_603 = tpu.memref_slice %arg3[%dma_start3A_601, %dma_start3A_602] : memref<100000x2048xf32, #tpu.memory_space<hbm>> -> memref<100000x2048xf32, #tpu.memory_space<hbm>>
    tpu.enqueue_indirect_dma source(%dma_start3A_603 : memref<100000x2048xf32, #tpu.memory_space<hbm>>) target(%arg6 : memref<8x2048xf32, #tpu.memory_space<vmem>>) offsets(%dma_start3A_600 : memref<8xi32, #tpu.memory_space<vmem>>) semaphore(%arg13 : memref<!tpu.dma_semaphore, #tpu.memory_space<semaphore_mem>>)
    %dma_wait3A_604 = arith.constant 24 : i32
    %dma_wait3A_605 = arith.constant 0 : i32
    %dma_wait3A_606 = tpu.memref_slice %arg5[%dma_wait3A_604, %dma_wait3A_605] : memref<32x8xi32, #tpu.memory_space<vmem>> -> memref<1x8xi32, #tpu.memory_space<vmem>>
    %dma_wait3A_607 = tpu.memref_squeeze %dma_wait3A_606 : memref<1x8xi32, #tpu.memory_space<vmem>> -> memref<8xi32, #tpu.memory_space<vmem>>
    %dma_wait3A_608 = arith.constant 0 : i32
    %dma_wait3A_609 = arith.constant 0 : i32
    %dma_wait3A_610 = tpu.memref_slice %arg3[%dma_wait3A_608, %dma_wait3A_609] : memref<100000x2048xf32, #tpu.memory_space<hbm>> -> memref<100000x2048xf32, #tpu.memory_space<hbm>>
    tpu.wait_indirect_dma semaphore(%arg16 : memref<!tpu.dma_semaphore, #tpu.memory_space<semaphore_mem>>) src(%dma_wait3A_610 : memref<100000x2048xf32, #tpu.memory_space<hbm>>) dst(%arg9 : memref<8x2048xf32, #tpu.memory_space<vmem>>)
    %add3A_611 = arith.constant 192 : i32
    %add3A_612 = arith.addi %mul3A_2, %add3A_611 : i32
    %dma_start3A_613 = arith.constant 0 : i32
    %dma_start3A_614 = tpu.memref_slice %arg4[%add3A_612, %dma_start3A_613] : memref<8192x2048xf32, #tpu.memory_space<hbm>> -> memref<8x2048xf32, #tpu.memory_space<hbm>>
    %dma_start3A_615 = arith.constant 0 : i32
    %dma_start3A_616 = tpu.memref_slice %arg4[%add3A_612, %dma_start3A_615] : memref<8192x2048xf32, #tpu.memory_space<hbm>> -> memref<8x2048xf32, #tpu.memory_space<hbm>>
    tpu.enqueue_dma source(%arg9 : memref<8x2048xf32, #tpu.memory_space<vmem>>) target(%dma_start3A_616 : memref<8x2048xf32, #tpu.memory_space<hbm>>) target_semaphore(%arg23 : memref<!tpu.dma_semaphore, #tpu.memory_space<semaphore_mem>>)
    %dma_wait3A_617 = arith.constant 0 : i32
    %dma_wait3A_618 = tpu.memref_slice %arg4[%add3A_564, %dma_wait3A_617] : memref<8192x2048xf32, #tpu.memory_space<hbm>> -> memref<8x2048xf32, #tpu.memory_space<hbm>>
    %dma_wait3A_619 = arith.constant 0 : i32
    %dma_wait3A_620 = tpu.memref_slice %arg4[%add3A_564, %dma_wait3A_619] : memref<8192x2048xf32, #tpu.memory_space<hbm>> -> memref<8x2048xf32, #tpu.memory_space<hbm>>
    tpu.wait_dma2 semaphore(%arg21 : memref<!tpu.dma_semaphore, #tpu.memory_space<semaphore_mem>>) src(%arg7 : memref<8x2048xf32, #tpu.memory_space<vmem>>) dst(%dma_wait3A_620 : memref<8x2048xf32, #tpu.memory_space<hbm>>)
    %dma_start3A_621 = arith.constant 29 : i32
    %dma_start3A_622 = arith.constant 0 : i32
    %dma_start3A_623 = tpu.memref_slice %arg5[%dma_start3A_621, %dma_start3A_622] : memref<32x8xi32, #tpu.memory_space<vmem>> -> memref<1x8xi32, #tpu.memory_space<vmem>>
    %dma_start3A_624 = tpu.memref_squeeze %dma_start3A_623 : memref<1x8xi32, #tpu.memory_space<vmem>> -> memref<8xi32, #tpu.memory_space<vmem>>
    %dma_start3A_625 = arith.constant 0 : i32
    %dma_start3A_626 = arith.constant 0 : i32
    %dma_start3A_627 = tpu.memref_slice %arg3[%dma_start3A_625, %dma_start3A_626] : memref<100000x2048xf32, #tpu.memory_space<hbm>> -> memref<100000x2048xf32, #tpu.memory_space<hbm>>
    tpu.enqueue_indirect_dma source(%dma_start3A_627 : memref<100000x2048xf32, #tpu.memory_space<hbm>>) target(%arg7 : memref<8x2048xf32, #tpu.memory_space<vmem>>) offsets(%dma_start3A_624 : memref<8xi32, #tpu.memory_space<vmem>>) semaphore(%arg14 : memref<!tpu.dma_semaphore, #tpu.memory_space<semaphore_mem>>)
    %dma_wait3A_628 = arith.constant 25 : i32
    %dma_wait3A_629 = arith.constant 0 : i32
    %dma_wait3A_630 = tpu.memref_slice %arg5[%dma_wait3A_628, %dma_wait3A_629] : memref<32x8xi32, #tpu.memory_space<vmem>> -> memref<1x8xi32, #tpu.memory_space<vmem>>
    %dma_wait3A_631 = tpu.memref_squeeze %dma_wait3A_630 : memref<1x8xi32, #tpu.memory_space<vmem>> -> memref<8xi32, #tpu.memory_space<vmem>>
    %dma_wait3A_632 = arith.constant 0 : i32
    %dma_wait3A_633 = arith.constant 0 : i32
    %dma_wait3A_634 = tpu.memref_slice %arg3[%dma_wait3A_632, %dma_wait3A_633] : memref<100000x2048xf32, #tpu.memory_space<hbm>> -> memref<100000x2048xf32, #tpu.memory_space<hbm>>
    tpu.wait_indirect_dma semaphore(%arg17 : memref<!tpu.dma_semaphore, #tpu.memory_space<semaphore_mem>>) src(%dma_wait3A_634 : memref<100000x2048xf32, #tpu.memory_space<hbm>>) dst(%arg10 : memref<8x2048xf32, #tpu.memory_space<vmem>>)
    %add3A_635 = arith.constant 200 : i32
    %add3A_636 = arith.addi %mul3A_2, %add3A_635 : i32
    %dma_start3A_637 = arith.constant 0 : i32
    %dma_start3A_638 = tpu.memref_slice %arg4[%add3A_636, %dma_start3A_637] : memref<8192x2048xf32, #tpu.memory_space<hbm>> -> memref<8x2048xf32, #tpu.memory_space<hbm>>
    %dma_start3A_639 = arith.constant 0 : i32
    %dma_start3A_640 = tpu.memref_slice %arg4[%add3A_636, %dma_start3A_639] : memref<8192x2048xf32, #tpu.memory_space<hbm>> -> memref<8x2048xf32, #tpu.memory_space<hbm>>
    tpu.enqueue_dma source(%arg10 : memref<8x2048xf32, #tpu.memory_space<vmem>>) target(%dma_start3A_640 : memref<8x2048xf32, #tpu.memory_space<hbm>>) target_semaphore(%arg24 : memref<!tpu.dma_semaphore, #tpu.memory_space<semaphore_mem>>)
    %dma_wait3A_641 = arith.constant 0 : i32
    %dma_wait3A_642 = tpu.memref_slice %arg4[%add3A_588, %dma_wait3A_641] : memref<8192x2048xf32, #tpu.memory_space<hbm>> -> memref<8x2048xf32, #tpu.memory_space<hbm>>
    %dma_wait3A_643 = arith.constant 0 : i32
    %dma_wait3A_644 = tpu.memref_slice %arg4[%add3A_588, %dma_wait3A_643] : memref<8192x2048xf32, #tpu.memory_space<hbm>> -> memref<8x2048xf32, #tpu.memory_space<hbm>>
    tpu.wait_dma2 semaphore(%arg22 : memref<!tpu.dma_semaphore, #tpu.memory_space<semaphore_mem>>) src(%arg8 : memref<8x2048xf32, #tpu.memory_space<vmem>>) dst(%dma_wait3A_644 : memref<8x2048xf32, #tpu.memory_space<hbm>>)
    %dma_start3A_645 = arith.constant 30 : i32
    %dma_start3A_646 = arith.constant 0 : i32
    %dma_start3A_647 = tpu.memref_slice %arg5[%dma_start3A_645, %dma_start3A_646] : memref<32x8xi32, #tpu.memory_space<vmem>> -> memref<1x8xi32, #tpu.memory_space<vmem>>
    %dma_start3A_648 = tpu.memref_squeeze %dma_start3A_647 : memref<1x8xi32, #tpu.memory_space<vmem>> -> memref<8xi32, #tpu.memory_space<vmem>>
    %dma_start3A_649 = arith.constant 0 : i32
    %dma_start3A_650 = arith.constant 0 : i32
    %dma_start3A_651 = tpu.memref_slice %arg3[%dma_start3A_649, %dma_start3A_650] : memref<100000x2048xf32, #tpu.memory_space<hbm>> -> memref<100000x2048xf32, #tpu.memory_space<hbm>>
    tpu.enqueue_indirect_dma source(%dma_start3A_651 : memref<100000x2048xf32, #tpu.memory_space<hbm>>) target(%arg8 : memref<8x2048xf32, #tpu.memory_space<vmem>>) offsets(%dma_start3A_648 : memref<8xi32, #tpu.memory_space<vmem>>) semaphore(%arg15 : memref<!tpu.dma_semaphore, #tpu.memory_space<semaphore_mem>>)
    %dma_wait3A_652 = arith.constant 26 : i32
    %dma_wait3A_653 = arith.constant 0 : i32
    %dma_wait3A_654 = tpu.memref_slice %arg5[%dma_wait3A_652, %dma_wait3A_653] : memref<32x8xi32, #tpu.memory_space<vmem>> -> memref<1x8xi32, #tpu.memory_space<vmem>>
    %dma_wait3A_655 = tpu.memref_squeeze %dma_wait3A_654 : memref<1x8xi32, #tpu.memory_space<vmem>> -> memref<8xi32, #tpu.memory_space<vmem>>
    %dma_wait3A_656 = arith.constant 0 : i32
    %dma_wait3A_657 = arith.constant 0 : i32
    %dma_wait3A_658 = tpu.memref_slice %arg3[%dma_wait3A_656, %dma_wait3A_657] : memref<100000x2048xf32, #tpu.memory_space<hbm>> -> memref<100000x2048xf32, #tpu.memory_space<hbm>>
    tpu.wait_indirect_dma semaphore(%arg18 : memref<!tpu.dma_semaphore, #tpu.memory_space<semaphore_mem>>) src(%dma_wait3A_658 : memref<100000x2048xf32, #tpu.memory_space<hbm>>) dst(%arg11 : memref<8x2048xf32, #tpu.memory_space<vmem>>)
    %add3A_659 = arith.constant 208 : i32
    %add3A_660 = arith.addi %mul3A_2, %add3A_659 : i32
    %dma_start3A_661 = arith.constant 0 : i32
    %dma_start3A_662 = tpu.memref_slice %arg4[%add3A_660, %dma_start3A_661] : memref<8192x2048xf32, #tpu.memory_space<hbm>> -> memref<8x2048xf32, #tpu.memory_space<hbm>>
    %dma_start3A_663 = arith.constant 0 : i32
    %dma_start3A_664 = tpu.memref_slice %arg4[%add3A_660, %dma_start3A_663] : memref<8192x2048xf32, #tpu.memory_space<hbm>> -> memref<8x2048xf32, #tpu.memory_space<hbm>>
    tpu.enqueue_dma source(%arg11 : memref<8x2048xf32, #tpu.memory_space<vmem>>) target(%dma_start3A_664 : memref<8x2048xf32, #tpu.memory_space<hbm>>) target_semaphore(%arg25 : memref<!tpu.dma_semaphore, #tpu.memory_space<semaphore_mem>>)
    %dma_wait3A_665 = arith.constant 0 : i32
    %dma_wait3A_666 = tpu.memref_slice %arg4[%add3A_612, %dma_wait3A_665] : memref<8192x2048xf32, #tpu.memory_space<hbm>> -> memref<8x2048xf32, #tpu.memory_space<hbm>>
    %dma_wait3A_667 = arith.constant 0 : i32
    %dma_wait3A_668 = tpu.memref_slice %arg4[%add3A_612, %dma_wait3A_667] : memref<8192x2048xf32, #tpu.memory_space<hbm>> -> memref<8x2048xf32, #tpu.memory_space<hbm>>
    tpu.wait_dma2 semaphore(%arg23 : memref<!tpu.dma_semaphore, #tpu.memory_space<semaphore_mem>>) src(%arg9 : memref<8x2048xf32, #tpu.memory_space<vmem>>) dst(%dma_wait3A_668 : memref<8x2048xf32, #tpu.memory_space<hbm>>)
    %dma_start3A_669 = arith.constant 31 : i32
    %dma_start3A_670 = arith.constant 0 : i32
    %dma_start3A_671 = tpu.memref_slice %arg5[%dma_start3A_669, %dma_start3A_670] : memref<32x8xi32, #tpu.memory_space<vmem>> -> memref<1x8xi32, #tpu.memory_space<vmem>>
    %dma_start3A_672 = tpu.memref_squeeze %dma_start3A_671 : memref<1x8xi32, #tpu.memory_space<vmem>> -> memref<8xi32, #tpu.memory_space<vmem>>
    %dma_start3A_673 = arith.constant 0 : i32
    %dma_start3A_674 = arith.constant 0 : i32
    %dma_start3A_675 = tpu.memref_slice %arg3[%dma_start3A_673, %dma_start3A_674] : memref<100000x2048xf32, #tpu.memory_space<hbm>> -> memref<100000x2048xf32, #tpu.memory_space<hbm>>
    tpu.enqueue_indirect_dma source(%dma_start3A_675 : memref<100000x2048xf32, #tpu.memory_space<hbm>>) target(%arg9 : memref<8x2048xf32, #tpu.memory_space<vmem>>) offsets(%dma_start3A_672 : memref<8xi32, #tpu.memory_space<vmem>>) semaphore(%arg16 : memref<!tpu.dma_semaphore, #tpu.memory_space<semaphore_mem>>)
    %dma_wait3A_676 = arith.constant 27 : i32
    %dma_wait3A_677 = arith.constant 0 : i32
    %dma_wait3A_678 = tpu.memref_slice %arg5[%dma_wait3A_676, %dma_wait3A_677] : memref<32x8xi32, #tpu.memory_space<vmem>> -> memref<1x8xi32, #tpu.memory_space<vmem>>
    %dma_wait3A_679 = tpu.memref_squeeze %dma_wait3A_678 : memref<1x8xi32, #tpu.memory_space<vmem>> -> memref<8xi32, #tpu.memory_space<vmem>>
    %dma_wait3A_680 = arith.constant 0 : i32
    %dma_wait3A_681 = arith.constant 0 : i32
    %dma_wait3A_682 = tpu.memref_slice %arg3[%dma_wait3A_680, %dma_wait3A_681] : memref<100000x2048xf32, #tpu.memory_space<hbm>> -> memref<100000x2048xf32, #tpu.memory_space<hbm>>
    tpu.wait_indirect_dma semaphore(%arg19 : memref<!tpu.dma_semaphore, #tpu.memory_space<semaphore_mem>>) src(%dma_wait3A_682 : memref<100000x2048xf32, #tpu.memory_space<hbm>>) dst(%arg12 : memref<8x2048xf32, #tpu.memory_space<vmem>>)
    %add3A_683 = arith.constant 216 : i32
    %add3A_684 = arith.addi %mul3A_2, %add3A_683 : i32
    %dma_start3A_685 = arith.constant 0 : i32
    %dma_start3A_686 = tpu.memref_slice %arg4[%add3A_684, %dma_start3A_685] : memref<8192x2048xf32, #tpu.memory_space<hbm>> -> memref<8x2048xf32, #tpu.memory_space<hbm>>
    %dma_start3A_687 = arith.constant 0 : i32
    %dma_start3A_688 = tpu.memref_slice %arg4[%add3A_684, %dma_start3A_687] : memref<8192x2048xf32, #tpu.memory_space<hbm>> -> memref<8x2048xf32, #tpu.memory_space<hbm>>
    tpu.enqueue_dma source(%arg12 : memref<8x2048xf32, #tpu.memory_space<vmem>>) target(%dma_start3A_688 : memref<8x2048xf32, #tpu.memory_space<hbm>>) target_semaphore(%arg26 : memref<!tpu.dma_semaphore, #tpu.memory_space<semaphore_mem>>)
    %dma_wait3A_689 = arith.constant 28 : i32
    %dma_wait3A_690 = arith.constant 0 : i32
    %dma_wait3A_691 = tpu.memref_slice %arg5[%dma_wait3A_689, %dma_wait3A_690] : memref<32x8xi32, #tpu.memory_space<vmem>> -> memref<1x8xi32, #tpu.memory_space<vmem>>
    %dma_wait3A_692 = tpu.memref_squeeze %dma_wait3A_691 : memref<1x8xi32, #tpu.memory_space<vmem>> -> memref<8xi32, #tpu.memory_space<vmem>>
    %dma_wait3A_693 = arith.constant 0 : i32
    %dma_wait3A_694 = arith.constant 0 : i32
    %dma_wait3A_695 = tpu.memref_slice %arg3[%dma_wait3A_693, %dma_wait3A_694] : memref<100000x2048xf32, #tpu.memory_space<hbm>> -> memref<100000x2048xf32, #tpu.memory_space<hbm>>
    tpu.wait_indirect_dma semaphore(%arg13 : memref<!tpu.dma_semaphore, #tpu.memory_space<semaphore_mem>>) src(%dma_wait3A_695 : memref<100000x2048xf32, #tpu.memory_space<hbm>>) dst(%arg6 : memref<8x2048xf32, #tpu.memory_space<vmem>>)
    %add3A_696 = arith.constant 224 : i32
    %add3A_697 = arith.addi %mul3A_2, %add3A_696 : i32
    %dma_start3A_698 = arith.constant 0 : i32
    %dma_start3A_699 = tpu.memref_slice %arg4[%add3A_697, %dma_start3A_698] : memref<8192x2048xf32, #tpu.memory_space<hbm>> -> memref<8x2048xf32, #tpu.memory_space<hbm>>
    %dma_start3A_700 = arith.constant 0 : i32
    %dma_start3A_701 = tpu.memref_slice %arg4[%add3A_697, %dma_start3A_700] : memref<8192x2048xf32, #tpu.memory_space<hbm>> -> memref<8x2048xf32, #tpu.memory_space<hbm>>
    tpu.enqueue_dma source(%arg6 : memref<8x2048xf32, #tpu.memory_space<vmem>>) target(%dma_start3A_701 : memref<8x2048xf32, #tpu.memory_space<hbm>>) target_semaphore(%arg20 : memref<!tpu.dma_semaphore, #tpu.memory_space<semaphore_mem>>)
    %dma_wait3A_702 = arith.constant 29 : i32
    %dma_wait3A_703 = arith.constant 0 : i32
    %dma_wait3A_704 = tpu.memref_slice %arg5[%dma_wait3A_702, %dma_wait3A_703] : memref<32x8xi32, #tpu.memory_space<vmem>> -> memref<1x8xi32, #tpu.memory_space<vmem>>
    %dma_wait3A_705 = tpu.memref_squeeze %dma_wait3A_704 : memref<1x8xi32, #tpu.memory_space<vmem>> -> memref<8xi32, #tpu.memory_space<vmem>>
    %dma_wait3A_706 = arith.constant 0 : i32
    %dma_wait3A_707 = arith.constant 0 : i32
    %dma_wait3A_708 = tpu.memref_slice %arg3[%dma_wait3A_706, %dma_wait3A_707] : memref<100000x2048xf32, #tpu.memory_space<hbm>> -> memref<100000x2048xf32, #tpu.memory_space<hbm>>
    tpu.wait_indirect_dma semaphore(%arg14 : memref<!tpu.dma_semaphore, #tpu.memory_space<semaphore_mem>>) src(%dma_wait3A_708 : memref<100000x2048xf32, #tpu.memory_space<hbm>>) dst(%arg7 : memref<8x2048xf32, #tpu.memory_space<vmem>>)
    %add3A_709 = arith.constant 232 : i32
    %add3A_710 = arith.addi %mul3A_2, %add3A_709 : i32
    %dma_start3A_711 = arith.constant 0 : i32
    %dma_start3A_712 = tpu.memref_slice %arg4[%add3A_710, %dma_start3A_711] : memref<8192x2048xf32, #tpu.memory_space<hbm>> -> memref<8x2048xf32, #tpu.memory_space<hbm>>
    %dma_start3A_713 = arith.constant 0 : i32
    %dma_start3A_714 = tpu.memref_slice %arg4[%add3A_710, %dma_start3A_713] : memref<8192x2048xf32, #tpu.memory_space<hbm>> -> memref<8x2048xf32, #tpu.memory_space<hbm>>
    tpu.enqueue_dma source(%arg7 : memref<8x2048xf32, #tpu.memory_space<vmem>>) target(%dma_start3A_714 : memref<8x2048xf32, #tpu.memory_space<hbm>>) target_semaphore(%arg21 : memref<!tpu.dma_semaphore, #tpu.memory_space<semaphore_mem>>)
    %dma_wait3A_715 = arith.constant 30 : i32
    %dma_wait3A_716 = arith.constant 0 : i32
    %dma_wait3A_717 = tpu.memref_slice %arg5[%dma_wait3A_715, %dma_wait3A_716] : memref<32x8xi32, #tpu.memory_space<vmem>> -> memref<1x8xi32, #tpu.memory_space<vmem>>
    %dma_wait3A_718 = tpu.memref_squeeze %dma_wait3A_717 : memref<1x8xi32, #tpu.memory_space<vmem>> -> memref<8xi32, #tpu.memory_space<vmem>>
    %dma_wait3A_719 = arith.constant 0 : i32
    %dma_wait3A_720 = arith.constant 0 : i32
    %dma_wait3A_721 = tpu.memref_slice %arg3[%dma_wait3A_719, %dma_wait3A_720] : memref<100000x2048xf32, #tpu.memory_space<hbm>> -> memref<100000x2048xf32, #tpu.memory_space<hbm>>
    tpu.wait_indirect_dma semaphore(%arg15 : memref<!tpu.dma_semaphore, #tpu.memory_space<semaphore_mem>>) src(%dma_wait3A_721 : memref<100000x2048xf32, #tpu.memory_space<hbm>>) dst(%arg8 : memref<8x2048xf32, #tpu.memory_space<vmem>>)
    %add3A_722 = arith.constant 240 : i32
    %add3A_723 = arith.addi %mul3A_2, %add3A_722 : i32
    %dma_start3A_724 = arith.constant 0 : i32
    %dma_start3A_725 = tpu.memref_slice %arg4[%add3A_723, %dma_start3A_724] : memref<8192x2048xf32, #tpu.memory_space<hbm>> -> memref<8x2048xf32, #tpu.memory_space<hbm>>
    %dma_start3A_726 = arith.constant 0 : i32
    %dma_start3A_727 = tpu.memref_slice %arg4[%add3A_723, %dma_start3A_726] : memref<8192x2048xf32, #tpu.memory_space<hbm>> -> memref<8x2048xf32, #tpu.memory_space<hbm>>
    tpu.enqueue_dma source(%arg8 : memref<8x2048xf32, #tpu.memory_space<vmem>>) target(%dma_start3A_727 : memref<8x2048xf32, #tpu.memory_space<hbm>>) target_semaphore(%arg22 : memref<!tpu.dma_semaphore, #tpu.memory_space<semaphore_mem>>)
    %dma_wait3A_728 = arith.constant 31 : i32
    %dma_wait3A_729 = arith.constant 0 : i32
    %dma_wait3A_730 = tpu.memref_slice %arg5[%dma_wait3A_728, %dma_wait3A_729] : memref<32x8xi32, #tpu.memory_space<vmem>> -> memref<1x8xi32, #tpu.memory_space<vmem>>
    %dma_wait3A_731 = tpu.memref_squeeze %dma_wait3A_730 : memref<1x8xi32, #tpu.memory_space<vmem>> -> memref<8xi32, #tpu.memory_space<vmem>>
    %dma_wait3A_732 = arith.constant 0 : i32
    %dma_wait3A_733 = arith.constant 0 : i32
    %dma_wait3A_734 = tpu.memref_slice %arg3[%dma_wait3A_732, %dma_wait3A_733] : memref<100000x2048xf32, #tpu.memory_space<hbm>> -> memref<100000x2048xf32, #tpu.memory_space<hbm>>
    tpu.wait_indirect_dma semaphore(%arg16 : memref<!tpu.dma_semaphore, #tpu.memory_space<semaphore_mem>>) src(%dma_wait3A_734 : memref<100000x2048xf32, #tpu.memory_space<hbm>>) dst(%arg9 : memref<8x2048xf32, #tpu.memory_space<vmem>>)
    %add3A_735 = arith.constant 248 : i32
    %add3A_736 = arith.addi %mul3A_2, %add3A_735 : i32
    %dma_start3A_737 = arith.constant 0 : i32
    %dma_start3A_738 = tpu.memref_slice %arg4[%add3A_736, %dma_start3A_737] : memref<8192x2048xf32, #tpu.memory_space<hbm>> -> memref<8x2048xf32, #tpu.memory_space<hbm>>
    %dma_start3A_739 = arith.constant 0 : i32
    %dma_start3A_740 = tpu.memref_slice %arg4[%add3A_736, %dma_start3A_739] : memref<8192x2048xf32, #tpu.memory_space<hbm>> -> memref<8x2048xf32, #tpu.memory_space<hbm>>
    tpu.enqueue_dma source(%arg9 : memref<8x2048xf32, #tpu.memory_space<vmem>>) target(%dma_start3A_740 : memref<8x2048xf32, #tpu.memory_space<hbm>>) target_semaphore(%arg23 : memref<!tpu.dma_semaphore, #tpu.memory_space<semaphore_mem>>)
    %dma_wait3A_741 = arith.constant 0 : i32
    %dma_wait3A_742 = tpu.memref_slice %arg4[%add3A_697, %dma_wait3A_741] : memref<8192x2048xf32, #tpu.memory_space<hbm>> -> memref<8x2048xf32, #tpu.memory_space<hbm>>
    %dma_wait3A_743 = arith.constant 0 : i32
    %dma_wait3A_744 = tpu.memref_slice %arg4[%add3A_697, %dma_wait3A_743] : memref<8192x2048xf32, #tpu.memory_space<hbm>> -> memref<8x2048xf32, #tpu.memory_space<hbm>>
    tpu.wait_dma2 semaphore(%arg20 : memref<!tpu.dma_semaphore, #tpu.memory_space<semaphore_mem>>) src(%arg6 : memref<8x2048xf32, #tpu.memory_space<vmem>>) dst(%dma_wait3A_744 : memref<8x2048xf32, #tpu.memory_space<hbm>>)
    %dma_wait3A_745 = arith.constant 0 : i32
    %dma_wait3A_746 = tpu.memref_slice %arg4[%add3A_710, %dma_wait3A_745] : memref<8192x2048xf32, #tpu.memory_space<hbm>> -> memref<8x2048xf32, #tpu.memory_space<hbm>>
    %dma_wait3A_747 = arith.constant 0 : i32
    %dma_wait3A_748 = tpu.memref_slice %arg4[%add3A_710, %dma_wait3A_747] : memref<8192x2048xf32, #tpu.memory_space<hbm>> -> memref<8x2048xf32, #tpu.memory_space<hbm>>
    tpu.wait_dma2 semaphore(%arg21 : memref<!tpu.dma_semaphore, #tpu.memory_space<semaphore_mem>>) src(%arg7 : memref<8x2048xf32, #tpu.memory_space<vmem>>) dst(%dma_wait3A_748 : memref<8x2048xf32, #tpu.memory_space<hbm>>)
    %dma_wait3A_749 = arith.constant 0 : i32
    %dma_wait3A_750 = tpu.memref_slice %arg4[%add3A_723, %dma_wait3A_749] : memref<8192x2048xf32, #tpu.memory_space<hbm>> -> memref<8x2048xf32, #tpu.memory_space<hbm>>
    %dma_wait3A_751 = arith.constant 0 : i32
    %dma_wait3A_752 = tpu.memref_slice %arg4[%add3A_723, %dma_wait3A_751] : memref<8192x2048xf32, #tpu.memory_space<hbm>> -> memref<8x2048xf32, #tpu.memory_space<hbm>>
    tpu.wait_dma2 semaphore(%arg22 : memref<!tpu.dma_semaphore, #tpu.memory_space<semaphore_mem>>) src(%arg8 : memref<8x2048xf32, #tpu.memory_space<vmem>>) dst(%dma_wait3A_752 : memref<8x2048xf32, #tpu.memory_space<hbm>>)
    %dma_wait3A_753 = arith.constant 0 : i32
    %dma_wait3A_754 = tpu.memref_slice %arg4[%add3A_736, %dma_wait3A_753] : memref<8192x2048xf32, #tpu.memory_space<hbm>> -> memref<8x2048xf32, #tpu.memory_space<hbm>>
    %dma_wait3A_755 = arith.constant 0 : i32
    %dma_wait3A_756 = tpu.memref_slice %arg4[%add3A_736, %dma_wait3A_755] : memref<8192x2048xf32, #tpu.memory_space<hbm>> -> memref<8x2048xf32, #tpu.memory_space<hbm>>
    tpu.wait_dma2 semaphore(%arg23 : memref<!tpu.dma_semaphore, #tpu.memory_space<semaphore_mem>>) src(%arg9 : memref<8x2048xf32, #tpu.memory_space<vmem>>) dst(%dma_wait3A_756 : memref<8x2048xf32, #tpu.memory_space<hbm>>)
    %dma_wait3A_757 = arith.constant 0 : i32
    %dma_wait3A_758 = tpu.memref_slice %arg4[%add3A_636, %dma_wait3A_757] : memref<8192x2048xf32, #tpu.memory_space<hbm>> -> memref<8x2048xf32, #tpu.memory_space<hbm>>
    %dma_wait3A_759 = arith.constant 0 : i32
    %dma_wait3A_760 = tpu.memref_slice %arg4[%add3A_636, %dma_wait3A_759] : memref<8192x2048xf32, #tpu.memory_space<hbm>> -> memref<8x2048xf32, #tpu.memory_space<hbm>>
    tpu.wait_dma2 semaphore(%arg24 : memref<!tpu.dma_semaphore, #tpu.memory_space<semaphore_mem>>) src(%arg10 : memref<8x2048xf32, #tpu.memory_space<vmem>>) dst(%dma_wait3A_760 : memref<8x2048xf32, #tpu.memory_space<hbm>>)
    %dma_wait3A_761 = arith.constant 0 : i32
    %dma_wait3A_762 = tpu.memref_slice %arg4[%add3A_660, %dma_wait3A_761] : memref<8192x2048xf32, #tpu.memory_space<hbm>> -> memref<8x2048xf32, #tpu.memory_space<hbm>>
    %dma_wait3A_763 = arith.constant 0 : i32
    %dma_wait3A_764 = tpu.memref_slice %arg4[%add3A_660, %dma_wait3A_763] : memref<8192x2048xf32, #tpu.memory_space<hbm>> -> memref<8x2048xf32, #tpu.memory_space<hbm>>
    tpu.wait_dma2 semaphore(%arg25 : memref<!tpu.dma_semaphore, #tpu.memory_space<semaphore_mem>>) src(%arg11 : memref<8x2048xf32, #tpu.memory_space<vmem>>) dst(%dma_wait3A_764 : memref<8x2048xf32, #tpu.memory_space<hbm>>)
    %dma_wait3A_765 = arith.constant 0 : i32
    %dma_wait3A_766 = tpu.memref_slice %arg4[%add3A_684, %dma_wait3A_765] : memref<8192x2048xf32, #tpu.memory_space<hbm>> -> memref<8x2048xf32, #tpu.memory_space<hbm>>
    %dma_wait3A_767 = arith.constant 0 : i32
    %dma_wait3A_768 = tpu.memref_slice %arg4[%add3A_684, %dma_wait3A_767] : memref<8192x2048xf32, #tpu.memory_space<hbm>> -> memref<8x2048xf32, #tpu.memory_space<hbm>>
    tpu.wait_dma2 semaphore(%arg26 : memref<!tpu.dma_semaphore, #tpu.memory_space<semaphore_mem>>) src(%arg12 : memref<8x2048xf32, #tpu.memory_space<vmem>>) dst(%dma_wait3A_768 : memref<8x2048xf32, #tpu.memory_space<hbm>>)
    return
  }
}

</mosaic_0001>

<sc_bundles>
// kernel: _gather.3.cloned.1.call-start
scs
__scs_entry_jumppad:
0x0: {  	(pc) =	sbr.rel $0x88, $3  }
0x1: {  	(tag) =	ssettag $0x0;
	lr =	simm.s32 $0x1  }
0x2: {  	[smem:$0x3F9F] =	sst lr;
	_ =	strace $0xD0000000  }
0x3: {  	_ = 	snop  }
0x4: {  	_ = 	snop  }
0x5: {  	_ = 	snop  }
0x6: {  	_ = 	snop  }
0x7: {  	_ = 	snop  }
__scs_overlays_trampoline_lowered:
0x8: {  	[smem:$0x3FAE] =	sst s0  }
0x9: {  	[smem:$0x3FAF] =	sst s1  }
0xa: {  	[smem:$0x3FB0] =	sst s2  }
0xb: {  	[smem:$0x3FB1] =	sst s3  }
0xc: {  	[smem:$0x3FB2] =	sst s4  }
0xd: {  	[smem:$0x3FB3] =	sst s5  }
0xe: {  	[smem:$0x3FB4] =	sst s6  }
0xf: {  	[smem:$0x3FB5] =	sst s7  }
0x10: {  	[smem:$0x3FB6] =	sst s8  }
0x11: {  	[smem:$0x3FB7] =	sst s9;
	s0 =	simm.s32 @!p0 $0x0  }
0x12: {  	s1 =	sld [smem:$0x3F9D];
	s0 =	simm.s32 @p0 $0x1  }
0x13: {  	[smem:$0x3FB8] =	sst s0;
	s0 =	simm.s32 @!p1 $0x0  }
0x14: {  	s2 =	sld [smem:$0x3F9C];
	s0 =	simm.s32 @p1 $0x1  }
0x15: {  	[smem:$0x3FB9] =	sst s0;
	s0 =	simm.s32 @!p2 $0x0  }
0x16: {  	s3 =	sld [smem:$0x3FDB];
	s0 =	simm.s32 @p2 $0x1  }
0x17: {  	s4 =	simm.s32 $0x1BF5;
	[smem:$0x3FBB] =	sst s0  }
0x18: {  	s0 =	sld [smem:$0x3F9E];
	_ =	swait.ge [sflag:s4], $0x0  }
0x19: {  	s7 =	sld [smem:$0x3F9F]  }
0x1a: {  	s8 =	sadd.s32 $0xFFFFE003, lr  }
0x1b: {  	s9 =	sadd.s32 $0xFFFFFEF7, lr;
	s5 =	simm.s32 $0xFFFFFFFF;
	p2 =	slt.u32 s8, $0xFFFFF086  }
0x1c: {  	p1 =	slt.u32 s9, $0xF7A;
	s5 =	simm.s32 @!p2 $0x0  }
0x1d: {  	s5 =	simm.s32 @p1 $0x1;
	p0 =	seq.s32 s7, s2  }
0x1e: {  	s7 =	smul.u32 @!p0 $0xF7A, s2;
	p2 =	seq.s32 @!p0 s5, $0x0  }
0x1f: {  	s9 =	smul.u32 $0xF7A, s1;
	s8 =	simm.s32 @!p0 $0x1BF5;
	p2 =	por !p2, p0  }
0x20: {  	[sflag:s8] =	ssyncset.s32 @!p0 $0xFFFFF086;
	s6 =	sadd.s32 @!p0 s3, s7;
	s7 =	simm.s32 @!p0 $0x108  }
0x21: {  	s3 =	sadd.s32 s3, s9;
	s6 =	sadd.s32 @!p0 $0x88, s6;
	s7 =	simm.s32 @p2 $0x1082  }
0x22: {  	[simem:s7], [sflag:s8] =	dma.local @!p0 [hbm:s6], $0xF7A  }
0x23: {  	s9 =	sor.u32 $0xD0000000, s2;
	s6 =	simm.s32 $0x108;
	_ =	swait.ge @!p0 [sflag:s8], $0x0  }
0x24: {  	s3 =	sadd.s32 $0x88, s3;
	s6 =	simm.s32 @!p1 $0x1082;
	[sflag:s4] =	ssyncset.s32 $0xFFFFF086  }
0x25: {  	[simem:s6], [sflag:s4] =	dma.local [hbm:s3], $0xF7A  }
0x26: {  	[smem:$0x3F9F] =	sst s1;
	(tag) =	ssettag s2;
	_ =	strace s9  }
0x27: {  	s1 =	sld [smem:$0x3FAF]  }
0x28: {  	s2 =	sld [smem:$0x3FB0]  }
0x29: {  	s4 =	sld [smem:$0x3FB2]  }
0x2a: {  	p0 =	seq.s32 s5, $0x0;
	s5 =	sld [smem:$0x3FB3]  }
0x2b: {  	s6 =	sld [smem:$0x3FB4]  }
0x2c: {  	s7 =	sld [smem:$0x3FB5]  }
0x2d: {  	s3 =	simm.s32 $0x108;
	s8 =	sld [smem:$0x3FB6]  }
0x2e: {  	s3 =	simm.s32 @!p0 $0x1082;
	s9 =	sld [smem:$0x3FB7]  }
0x2f: {  	lr =	sadd.s32 s0, s3;
	s0 =	sld [smem:$0x3FAE]  }
0x30: {  	s3 =	sld [smem:$0x3FB1]  }
0x31: {  	[smem:$0x3FBA] =	sst s10  }
0x32: {  	s10 =	sld [smem:$0x3FB8];
	_ =	sdelay $0x3  }
0x33: {  	p0 =	seq.s32 s10, $0x1;
	s10 =	sld [smem:$0x3FBA];
	_ =	sdelay $0x3  }
0x34: {  	[smem:$0x3FBA] =	sst s10  }
0x35: {  	s10 =	sld [smem:$0x3FB9];
	_ =	sdelay $0x3  }
0x36: {  	p1 =	seq.s32 s10, $0x1;
	s10 =	sld [smem:$0x3FBA];
	_ =	sdelay $0x3  }
0x37: {  	[smem:$0x3FBA] =	sst s10  }
0x38: {  	s10 =	sld [smem:$0x3FBB]  }
0x39: {  	_ = 	snop;
	(pc) =	sbr.ind lr, $3  }
0x3a: {  	_ = 	snop  }
0x3b: {  	_ = 	snop  }
0x3c: {  	p2 =	seq.s32 s10, $0x1;
	s10 =	sld [smem:$0x3FBA]  }
0x3d: {  	_ =	shalt  }
0x3e: {  	_ =	shalt  }
0x3f: {  	_ =	shalt  }
0x40: {  	_ =	shalt  }
0x41: {  	_ =	shalt  }
0x42: {  	_ =	shalt  }
0x43: {  	_ =	shalt  }
0x44: {  	_ =	shalt  }
0x45: {  	_ =	shalt  }
0x46: {  	_ =	shalt  }
0x47: {  	_ =	shalt  }
0x48: {  	_ =	shalt  }
0x49: {  	_ =	shalt  }
0x4a: {  	_ =	shalt  }
0x4b: {  	_ =	shalt  }
0x4c: {  	_ =	shalt  }
0x4d: {  	_ =	shalt  }
0x4e: {  	_ =	shalt  }
0x4f: {  	_ =	shalt  }
0x50: {  	_ =	shalt  }
0x51: {  	_ =	shalt  }
0x52: {  	_ =	shalt  }
0x53: {  	_ =	shalt  }
0x54: {  	_ =	shalt  }
0x55: {  	_ =	shalt  }
0x56: {  	_ =	shalt  }
0x57: {  	_ =	shalt  }
0x58: {  	_ =	shalt  }
0x59: {  	_ =	shalt  }
0x5a: {  	_ =	shalt  }
0x5b: {  	_ =	shalt  }
0x5c: {  	_ =	shalt  }
0x5d: {  	_ =	shalt  }
0x5e: {  	_ =	shalt  }
0x5f: {  	_ =	shalt  }
0x60: {  	_ =	shalt  }
0x61: {  	_ =	shalt  }
0x62: {  	_ =	shalt  }
0x63: {  	_ =	shalt  }
0x64: {  	_ =	shalt  }
0x65: {  	_ =	shalt  }
0x66: {  	_ =	shalt  }
0x67: {  	_ =	shalt  }
0x68: {  	_ =	shalt  }
0x69: {  	_ =	shalt  }
0x6a: {  	_ =	shalt  }
0x6b: {  	_ =	shalt  }
0x6c: {  	_ =	shalt  }
0x6d: {  	_ =	shalt  }
0x6e: {  	_ =	shalt  }
0x6f: {  	_ =	shalt  }
0x70: {  	_ =	shalt  }
0x71: {  	_ =	shalt  }
0x72: {  	_ =	shalt  }
0x73: {  	_ =	shalt  }
0x74: {  	_ =	shalt  }
0x75: {  	_ =	shalt  }
0x76: {  	_ =	shalt  }
0x77: {  	_ =	shalt  }
0x78: {  	_ =	shalt  }
0x79: {  	_ =	shalt  }
0x7a: {  	_ =	shalt  }
0x7b: {  	_ =	shalt  }
0x7c: {  	_ =	shalt  }
0x7d: {  	_ =	shalt  }
0x7e: {  	_ =	shalt  }
0x7f: {  	_ =	shalt  }
0x80: {  	_ =	shalt  }
0x81: {  	_ =	shalt  }
0x82: {  	_ =	shalt  }
0x83: {  	_ =	shalt  }
0x84: {  	_ =	shalt  }
0x85: {  	_ =	shalt  }
0x86: {  	_ =	shalt  }
0x87: {  	_ =	shalt  }
.Lfunc_end0:
.L_simem_size_0:
called_computation_lowered:
.L_overlay_start_0:
0x88: {  	s2 =	sld [smem:$0x3FD9]  }
0x89: {  	s3 =	sld [smem:$0x3FFE];
	_ =	sdelay $0x1  }
0x8a: {  	s1 =	srdreg.scid  }
0x8b: {  	s0 =	sand.u32 $0x1, s1  }
0x8c: {  	s17 =	sshll.u32 s0, $0xA;
	s2 =	sadd.s32 s3, s2  }
0x8d: {  	s2 =	sadd.s32 s2, s17  }
0x8e: {  	[smem:$0x3FC6] =	sst s2  }
0x8f: {  	_ = 	snop  }
0x90: {  	s2 =	sld [smem:$0x3FC8]  }
0x91: {  	s18 =	sld [smem:$0x3FD0];
	(tm) =	ssettm $0x1  }
0x92: {  	s4 =	sld [smem:$0x3FFB];
	_ =	sdelay $0x3  }
0x93: {  	_ =	strace s4  }
0x94: {  	s4 =	sld [smem:$0x3FFC];
	_ =	sdelay $0x3  }
0x95: {  	_ =	strace s4  }
0x96: {  	s4 =	sld [smem:$0x3FFD];
	_ =	sdelay $0x3  }
0x97: {  	_ =	strace s4  }
0x98: {  	_ =	strace $0x8FFFFFFF  }
0x99: {  	s19 =	sld [smem:$0x3FDB];
	_ =	sdelay $0x1  }
0x9a: {  	s5 =	simm.s32 $_scs_section_size  }
0x9b: {  	s6 =	simm.s32 $_size__tile_overlayer_lowered;
	s7 =	simm.s32 $_tile_overlayer_lowered  }
0x9c: {  	s22 =	simm.s32 $0x1BFF;
	s21 =	sshll.u32 s7, $0x1;
	s4 =	sadd.s32 s5, s19  }
0x9d: {  	s8 =	simm.s32 $0x0;
	s20 =	sshll.u32 s6, $0x1;
	s6 =	sadd.s32 s21, s4  }
0x9e: {  	[timem:s8], [sflag:s22] =	dma.local [hbm:s6], s20  }
0x9f: {  	_ =	swait.ge [sflag:s22], s20  }
0xa0: {  	s5 =	ssub.s32 $0x0, s20;
	[sflag:s22] =	ssyncset.done $0x0  }
0xa1: {  	[sflag:s22] =	ssyncadd.s32 s5;
	_ =	sdelay $0x1  }
0xa2: {  	s23 =	simm.s32 $0x1B8B  }
0xa3: {  	_ =	swait.ge [sflag:s23], $0x1  }
0xa4: {  	[sflag:s23] =	ssyncset.done $0x0  }
0xa5: {  	s25 =	simm.s32 $0x1B8E;
	s24 =	sld [smem:$0x3FFE];
	[sflag:s23] =	ssyncadd.s32 $0xFFFFFFFF  }
0xa6: {  	s26 =	simm.s32 $execute0_lowered;
	[smem:$0x3FD2] =	sst s25  }
0xa7: {  	s6 =	sshll.u32 s26, $0x1;
	_ =	strace $0x80000046;
	[dreg:$0x1] =	wrdreg $0xFFFFFFFF  }
0xa8: {  	s28 =	simm.s32 $_size_execute0_lowered;
	s4 =	sadd.s32 s4, s6;
	[dreg:$0x0] =	wrdreg $0x0  }
0xa9: {  	s6 =	sshll.u32 s28, $0x1;
	[dreg:$0x2] =	wrdreg s4  }
0xaa: {  	[dreg:$0x3] =	wrdreg s6  }
0xab: {  	[dreg:$0x4] =	wrdreg $0xC0  }
0xac: {  	_ =	task [dreg:s8], $0x5FFFF  }
0xad: {  	[dreg:$0x1] =	wrdreg $0xFFFFFFFF  }
0xae: {  	[dreg:$0x0] =	wrdreg $0x60  }
0xaf: {  	[dreg:$0x2] =	wrdreg s24  }
0xb0: {  	[dreg:$0x3] =	wrdreg s2  }
0xb1: {  	[dreg:$0x4] =	wrdreg s18  }
0xb2: {  	[dreg:$0x5] =	wrdreg $0x9  }
0xb3: {  	_ =	task.clear_ibuf [dreg:s8], $0x6FFFF;
	_ =	strace $0x90000046  }
0xb4: {  	s29 =	simm.s32 $0x9;
	_ =	strace $0x80000048  }
0xb5: {  	_ =	swait.ge [sflag:s29], $0x1  }
0xb6: {  	[sflag:s29] =	ssyncadd.s32 $0xFFFFFFFF  }
0xb7: {  	_ =	strace $0x90000048  }
0xb8: {  	_ =	sfence  }
0xb9: {  	s30 =	sld [smem:$0x0];
	_ =	sdelay $0x2  }
0xba: {  	s31 =	sshll.u32 s1, $0xD;
	s1 =	sshrl.u32 s1, $0x2  }
0xbb: {  	s3 =	sand.u32 $0x4000, s31;
	s1 =	sadd.s32 s1, s30  }
0xbc: {  	s0 =	sor.u32 s3, s0;
	s1 =	sshll.u32 s1, $0x11  }
0xbd: {  	s0 =	sor.u32 s1, s0  }
0xbe: {  	s0 =	sadd.s32 $0x8F2B, s0  }
0xbf: {  	[sflag:s0] =	ssyncadd.remote.s32 $0x1  }
0xc0: {  	_ =	sfence.sel $0xFFFF  }
0xc1: {  	[dreg:$0x0] =	wrdreg $0xFFFFFFFF;
	(pc) =	sbr.abs _section_cstart, $3  }
0xc2: {  	[dreg:$0x1] =	wrdreg $0xFFFFFFFF  }
0xc3: {  	_ =	task.clear_ibuf [dreg:s8], $0x2FFFF;
	_ =	strace $0x9FFFFFFF  }
0xc4: {  	(tm) =	ssettm $0x7FFFFFFF  }
0xc5: {  	_ =	shalt  }
tec
execute0_lowered:
.L_overlay_start_1:
0x0: {  	(tag) =	ssettag $0x1  }
0x1: {  	s0 =	rddreg [dreg:$0x0]  }
0x2: {  	s1 =	srdreg.scid;
	s3 =	stileid.u32  }
0x3: {  	s30 =	rddreg [dreg:$0x1];
	s1 =	sand.u32 $0x1, s1;
	s3 =	sshll.u32 s3, $0x1  }
0x4: {  	s4 =	rddreg [dreg:$0x2];
	s5 =	sor.u32 s1, s3  }
0x5: {  	s3 =	simm.s32 $0x0;
	s6 =	sshll.u32 s5, $0x9;
	s5 =	sshll.u32 s5, $0x10  }
0x6: {  	[smem:$0x7FF] =	sst s3;
	s0 =	sadd.s32 s6, s0;
	s10 =	sadd.s32 s4, s5  }
0x7: {  	_ =	strace $0x80000047;
	s0 =	sadd.s32 $0x400, s0;
	[smem:$0x7FC] =	sst s10  }
0x8: {  	s24 =	sadd.s32 $0x800, s10;
	[dreg:$0x4] =	wrdreg s0  }
0x9: {  	s25 =	sadd.s32 $0x1000, s10;
	[dreg:$0x5] =	wrdreg s24  }
0xa: {  	s26 =	sadd.s32 $0x1800, s10;
	[dreg:$0x6] =	wrdreg s25  }
0xb: {  	s28 =	sadd.s32 $0x2000, s10;
	[dreg:$0x7] =	wrdreg s26  }
0xc: {  	s29 =	sadd.s32 $0x2800, s10;
	[dreg:$0x8] =	wrdreg s28  }
0xd: {  	s31 =	sadd.s32 $0x3000, s10;
	[dreg:$0x9] =	wrdreg s29  }
0xe: {  	s2 =	sadd.s32 $0x3800, s10;
	[dreg:$0xa] =	wrdreg s31  }
0xf: {  	s4 =	sadd.s32 $0x4000, s10;
	[dreg:$0xb] =	wrdreg s2  }
0x10: {  	s5 =	sadd.s32 $0x4800, s10;
	[dreg:$0xc] =	wrdreg s4  }
0x11: {  	s6 =	sadd.s32 $0x5000, s10;
	[dreg:$0xd] =	wrdreg s5  }
0x12: {  	s7 =	sadd.s32 $0x5800, s10;
	[dreg:$0xe] =	wrdreg s6  }
0x13: {  	s8 =	sadd.s32 $0x6000, s10;
	[dreg:$0xf] =	wrdreg s7  }
0x14: {  	s9 =	sadd.s32 $0x6800, s10;
	[dreg:$0x10] =	wrdreg s8  }
0x15: {  	s11 =	sadd.s32 $0x7000, s10;
	[dreg:$0x11] =	wrdreg s9  }
0x16: {  	s12 =	sadd.s32 $0x7800, s10;
	[dreg:$0x12] =	wrdreg s11  }
0x17: {  	s13 =	sadd.s32 $0x8000, s10;
	[dreg:$0x13] =	wrdreg s12  }
0x18: {  	s14 =	sadd.s32 $0x8800, s10;
	[dreg:$0x14] =	wrdreg s13  }
0x19: {  	s15 =	sadd.s32 $0x9000, s10;
	[dreg:$0x15] =	wrdreg s14  }
0x1a: {  	s16 =	sadd.s32 $0x9800, s10;
	[dreg:$0x16] =	wrdreg s15  }
0x1b: {  	s17 =	sadd.s32 $0xA000, s10;
	[dreg:$0x17] =	wrdreg s16  }
0x1c: {  	s18 =	sadd.s32 $0xA800, s10;
	[dreg:$0x18] =	wrdreg s17  }
0x1d: {  	s19 =	sadd.s32 $0xB000, s10;
	[dreg:$0x19] =	wrdreg s18  }
0x1e: {  	s1 =	ssub.s32 $0x2, s1;
	s20 =	sadd.s32 $0xB800, s10;
	[dreg:$0x1a] =	wrdreg s19  }
0x1f: {  	s22 =	sshrl.u32 s1, $0x1;
	s21 =	sadd.s32 $0xC000, s10;
	[dreg:$0x1b] =	wrdreg s20  }
0x20: {  	s1 =	ssub.s32 s1, s22;
	s23 =	sadd.s32 $0xC800, s10;
	[dreg:$0x1c] =	wrdreg s21  }
0x21: {  	s22 =	simm.s32 $0x2;
	[dreg:$0x1d] =	wrdreg s23;
	s24 =	sadd.s32 $0xD000, s10  }
0x22: {  	s5 =	sadd.s32 $0x100, s30;
	s25 =	sadd.s32 $0xD800, s10;
	s6 =	sadd.s32 $0x200, s30  }
0x23: {  	s26 =	sadd.s32 $0xE000, s10;
	s7 =	sadd.s32 $0x300, s30;
	s28 =	sadd.s32 $0xE800, s10  }
0x24: {  	s8 =	sadd.s32 $0x400, s30;
	s29 =	sadd.s32 $0xF000, s10;
	[dreg:$0x1e] =	wrdreg s24  }
0x25: {  	s9 =	sadd.s32 $0x500, s30;
	s31 =	sadd.s32 $0xF800, s10;
	[dreg:$0x1f] =	wrdreg s25  }
0x26: {  	s10 =	sadd.s32 $0x600, s30;
	s11 =	sadd.s32 $0x700, s30;
	[smem:$0x7F9] =	sst s26  }
0x27: {  	v0 =	vlaneseq.u32;
	s12 =	smax.u32 s1, $0x1;
	s13 =	simm.s32 $0x3;
	[smem:$0x7FA] =	sst s28  }
0x28: {  	v1 =	vshrl.u32 v0, $0x3;
	s15 =	simm.s32 $0x8;
	s16 =	simm.s32 $0x4;
	[smem:$0x7FB] =	sst s29  }
0x29: {  	vm0 =	vmmov $0xffff;
	v0 =	vand.u32 $0x7, v0;
	v1 =	vmul.u32 $0x8, v1;
	s19 =	simm.s32 $0x9;
	[smem:$0x7FD] =	sst s31;
	s25 =	simm.s32 $0x1  }
.LBB2_1:
0x2a: {  	[smem:$0x7F8] =	sst s12  }
0x2b: {  	s28 =	rddreg [dreg:$0x4];
	s18 =	simm.s32 $0xF  }
0x2c: {  	[tilespmem:s3], [sflag:$0xF] =	stream.linear.gather [hbm4b:s28+s3], $0x1000, $0x38;
	[tilespmem:$0x1D000] =	vst v63  }
0x2d: {  	_ =	swait.ge [sflag:s18], $0x1000  }
0x2e: {  	[sflag:s18] =	ssyncset.done $0x0  }
0x2f: {  	[sflag:s18] =	ssyncadd.s32 $0xFFFFF000  }
0x30: {  	v2 =	vld.msk [tilespmem:$0x0], $0xff;
	_ =	sdelay $0x4  }
0x31: {  	v3 =	vshll.u32 v2, $0x4  }
0x32: {  	v2 =	vand.u32 $0x7, v2;
	v3 =	vand.u32 $0xFFFFFF80, v3  }
0x33: {  	v2 =	vor.u32 v2, v3  }
0x34: {  	v2 =	vperm.xlane v2, v0;
	_ =	sdelay $0x1  }
0x35: {  	v2 =	vadd.s32 v1, v2;
	_ =	sdelay $0x3  }
0x36: {  	s0 =	simm.s32 $0x1000  }
0x37: {  	[tilespmem:s0], [sflag:$0x1] =	stream.indirect_vreg.gather [hbm4b:s30+s3], $0x80, v2, vm0, $0xb8;
	[tilespmem:$0x1D000] =	vst v63  }
0x38: {  	s20 =	simm.s32 $0x1800  }
0x39: {  	[tilespmem:s20], [sflag:$0x1] =	stream.indirect_vreg.gather [hbm4b:s5+s3], $0x80, v2, vm0, $0xb8;
	[tilespmem:$0x1D000] =	vst v63  }
0x3a: {  	s21 =	simm.s32 $0x2000  }
0x3b: {  	[tilespmem:s21], [sflag:$0x1] =	stream.indirect_vreg.gather [hbm4b:s6+s3], $0x80, v2, vm0, $0xb8;
	[tilespmem:$0x1D000] =	vst v63  }
0x3c: {  	s23 =	simm.s32 $0x2800  }
0x3d: {  	[tilespmem:s23], [sflag:$0x1] =	stream.indirect_vreg.gather [hbm4b:s7+s3], $0x80, v2, vm0, $0xb8;
	[tilespmem:$0x1D000] =	vst v63  }
0x3e: {  	s24 =	simm.s32 $0x3000  }
0x3f: {  	[tilespmem:s24], [sflag:$0x1] =	stream.indirect_vreg.gather [hbm4b:s8+s3], $0x80, v2, vm0, $0xb8;
	[tilespmem:$0x1D000] =	vst v63  }
0x40: {  	s26 =	simm.s32 $0x3800  }
0x41: {  	[tilespmem:s26], [sflag:$0x1] =	stream.indirect_vreg.gather [hbm4b:s9+s3], $0x80, v2, vm0, $0xb8;
	[tilespmem:$0x1D000] =	vst v63  }
0x42: {  	s28 =	simm.s32 $0x4000  }
0x43: {  	[tilespmem:s28], [sflag:$0x1] =	stream.indirect_vreg.gather [hbm4b:s10+s3], $0x80, v2, vm0, $0xb8;
	[tilespmem:$0x1D000] =	vst v63  }
0x44: {  	s29 =	simm.s32 $0x4800  }
0x45: {  	[tilespmem:s29], [sflag:$0x1] =	stream.indirect_vreg.gather [hbm4b:s11+s3], $0x80, v2, vm0, $0xb8;
	[tilespmem:$0x1D000] =	vst v63  }
0x46: {  	v2 =	vld.msk [tilespmem:$0x80], $0xff;
	_ =	sdelay $0x4  }
0x47: {  	v3 =	vshll.u32 v2, $0x4  }
0x48: {  	v2 =	vand.u32 $0x7, v2;
	v3 =	vand.u32 $0xFFFFFF80, v3  }
0x49: {  	v2 =	vor.u32 v2, v3  }
0x4a: {  	v2 =	vperm.xlane v2, v0;
	_ =	sdelay $0x1  }
0x4b: {  	v2 =	vadd.s32 v1, v2;
	_ =	sdelay $0x3  }
0x4c: {  	s31 =	simm.s32 $0x5000  }
0x4d: {  	[tilespmem:s31], [sflag:$0x2] =	stream.indirect_vreg.gather [hbm4b:s30+s3], $0x80, v2, vm0, $0xb8;
	[tilespmem:$0x1D000] =	vst v63  }
0x4e: {  	s14 =	simm.s32 $0x5800  }
0x4f: {  	[tilespmem:s14], [sflag:$0x2] =	stream.indirect_vreg.gather [hbm4b:s5+s3], $0x80, v2, vm0, $0xb8;
	[tilespmem:$0x1D000] =	vst v63  }
0x50: {  	s17 =	simm.s32 $0x6000  }
0x51: {  	[tilespmem:s17], [sflag:$0x2] =	stream.indirect_vreg.gather [hbm4b:s6+s3], $0x80, v2, vm0, $0xb8;
	[tilespmem:$0x1D000] =	vst v63  }
0x52: {  	s18 =	simm.s32 $0x6800  }
0x53: {  	[tilespmem:s18], [sflag:$0x2] =	stream.indirect_vreg.gather [hbm4b:s7+s3], $0x80, v2, vm0, $0xb8;
	[tilespmem:$0x1D000] =	vst v63  }
0x54: {  	s20 =	simm.s32 $0x7000  }
0x55: {  	[tilespmem:s20], [sflag:$0x2] =	stream.indirect_vreg.gather [hbm4b:s8+s3], $0x80, v2, vm0, $0xb8;
	[tilespmem:$0x1D000] =	vst v63  }
0x56: {  	s28 =	simm.s32 $0x7800  }
0x57: {  	[tilespmem:s28], [sflag:$0x2] =	stream.indirect_vreg.gather [hbm4b:s9+s3], $0x80, v2, vm0, $0xb8;
	[tilespmem:$0x1D000] =	vst v63  }
0x58: {  	s29 =	simm.s32 $0x8000  }
0x59: {  	[tilespmem:s29], [sflag:$0x2] =	stream.indirect_vreg.gather [hbm4b:s10+s3], $0x80, v2, vm0, $0xb8;
	[tilespmem:$0x1D000] =	vst v63  }
0x5a: {  	s31 =	simm.s32 $0x8800  }
0x5b: {  	[tilespmem:s31], [sflag:$0x2] =	stream.indirect_vreg.gather [hbm4b:s11+s3], $0x80, v2, vm0, $0xb8;
	[tilespmem:$0x1D000] =	vst v63  }
0x5c: {  	v2 =	vld.msk [tilespmem:$0x100], $0xff;
	_ =	sdelay $0x4  }
0x5d: {  	v3 =	vshll.u32 v2, $0x4  }
0x5e: {  	v2 =	vand.u32 $0x7, v2;
	v3 =	vand.u32 $0xFFFFFF80, v3  }
0x5f: {  	v2 =	vor.u32 v2, v3  }
0x60: {  	v2 =	vperm.xlane v2, v0;
	_ =	sdelay $0x1  }
0x61: {  	v2 =	vadd.s32 v1, v2;
	_ =	sdelay $0x3  }
0x62: {  	s14 =	simm.s32 $0x9000  }
0x63: {  	[tilespmem:s14], [sflag:$0x3] =	stream.indirect_vreg.gather [hbm4b:s30+s3], $0x80, v2, vm0, $0xb8;
	[tilespmem:$0x1D000] =	vst v63  }
0x64: {  	s17 =	simm.s32 $0x9800  }
0x65: {  	[tilespmem:s17], [sflag:$0x3] =	stream.indirect_vreg.gather [hbm4b:s5+s3], $0x80, v2, vm0, $0xb8;
	[tilespmem:$0x1D000] =	vst v63  }
0x66: {  	s20 =	simm.s32 $0xA000  }
0x67: {  	[tilespmem:s20], [sflag:$0x3] =	stream.indirect_vreg.gather [hbm4b:s6+s3], $0x80, v2, vm0, $0xb8;
	[tilespmem:$0x1D000] =	vst v63  }
0x68: {  	s28 =	simm.s32 $0xA800  }
0x69: {  	[tilespmem:s28], [sflag:$0x3] =	stream.indirect_vreg.gather [hbm4b:s7+s3], $0x80, v2, vm0, $0xb8;
	[tilespmem:$0x1D000] =	vst v63  }
0x6a: {  	s29 =	simm.s32 $0xB000  }
0x6b: {  	[tilespmem:s29], [sflag:$0x3] =	stream.indirect_vreg.gather [hbm4b:s8+s3], $0x80, v2, vm0, $0xb8;
	[tilespmem:$0x1D000] =	vst v63  }
0x6c: {  	s31 =	simm.s32 $0xB800  }
0x6d: {  	[tilespmem:s31], [sflag:$0x3] =	stream.indirect_vreg.gather [hbm4b:s9+s3], $0x80, v2, vm0, $0xb8;
	[tilespmem:$0x1D000] =	vst v63  }
0x6e: {  	s14 =	simm.s32 $0xC000  }
0x6f: {  	[tilespmem:s14], [sflag:$0x3] =	stream.indirect_vreg.gather [hbm4b:s10+s3], $0x80, v2, vm0, $0xb8;
	[tilespmem:$0x1D000] =	vst v63  }
0x70: {  	s17 =	simm.s32 $0xC800  }
0x71: {  	[tilespmem:s17], [sflag:$0x3] =	stream.indirect_vreg.gather [hbm4b:s11+s3], $0x80, v2, vm0, $0xb8;
	[tilespmem:$0x1D000] =	vst v63  }
0x72: {  	v2 =	vld.msk [tilespmem:$0x180], $0xff;
	_ =	sdelay $0x4  }
0x73: {  	v3 =	vshll.u32 v2, $0x4  }
0x74: {  	v2 =	vand.u32 $0x7, v2;
	v3 =	vand.u32 $0xFFFFFF80, v3  }
0x75: {  	v2 =	vor.u32 v2, v3  }
0x76: {  	v2 =	vperm.xlane v2, v0;
	_ =	sdelay $0x1  }
0x77: {  	v2 =	vadd.s32 v1, v2;
	_ =	sdelay $0x3  }
0x78: {  	s20 =	simm.s32 $0xD000  }
0x79: {  	[tilespmem:s20], [sflag:$0x4] =	stream.indirect_vreg.gather [hbm4b:s30+s3], $0x80, v2, vm0, $0xb8;
	[tilespmem:$0x1D000] =	vst v63  }
0x7a: {  	s14 =	simm.s32 $0xD800  }
0x7b: {  	[tilespmem:s14], [sflag:$0x4] =	stream.indirect_vreg.gather [hbm4b:s5+s3], $0x80, v2, vm0, $0xb8;
	[tilespmem:$0x1D000] =	vst v63  }
0x7c: {  	s28 =	simm.s32 $0xE000  }
0x7d: {  	[tilespmem:s28], [sflag:$0x4] =	stream.indirect_vreg.gather [hbm4b:s6+s3], $0x80, v2, vm0, $0xb8;
	[tilespmem:$0x1D000] =	vst v63  }
0x7e: {  	s29 =	simm.s32 $0xE800  }
0x7f: {  	[tilespmem:s29], [sflag:$0x4] =	stream.indirect_vreg.gather [hbm4b:s7+s3], $0x80, v2, vm0, $0xb8;
	[tilespmem:$0x1D000] =	vst v63  }
0x80: {  	s31 =	simm.s32 $0xF000  }
0x81: {  	[tilespmem:s31], [sflag:$0x4] =	stream.indirect_vreg.gather [hbm4b:s8+s3], $0x80, v2, vm0, $0xb8;
	[tilespmem:$0x1D000] =	vst v63  }
0x82: {  	s0 =	simm.s32 $0xF800  }
0x83: {  	[tilespmem:s0], [sflag:$0x4] =	stream.indirect_vreg.gather [hbm4b:s9+s3], $0x80, v2, vm0, $0xb8;
	[tilespmem:$0x1D000] =	vst v63  }
0x84: {  	s17 =	simm.s32 $0x10000  }
0x85: {  	[tilespmem:s17], [sflag:$0x4] =	stream.indirect_vreg.gather [hbm4b:s10+s3], $0x80, v2, vm0, $0xb8;
	[tilespmem:$0x1D000] =	vst v63  }
0x86: {  	s20 =	simm.s32 $0x10800  }
0x87: {  	[tilespmem:s20], [sflag:$0x4] =	stream.indirect_vreg.gather [hbm4b:s11+s3], $0x80, v2, vm0, $0xb8;
	[tilespmem:$0x1D000] =	vst v63  }
0x88: {  	v2 =	vld.msk [tilespmem:$0x200], $0xff;
	_ =	sdelay $0x4  }
0x89: {  	v3 =	vshll.u32 v2, $0x4  }
0x8a: {  	v2 =	vand.u32 $0x7, v2;
	v3 =	vand.u32 $0xFFFFFF80, v3  }
0x8b: {  	v2 =	vor.u32 v2, v3  }
0x8c: {  	v2 =	vperm.xlane v2, v0;
	_ =	sdelay $0x1  }
0x8d: {  	v2 =	vadd.s32 v1, v2;
	_ =	sdelay $0x3  }
0x8e: {  	s28 =	simm.s32 $0x11000  }
0x8f: {  	[tilespmem:s28], [sflag:$0x5] =	stream.indirect_vreg.gather [hbm4b:s30+s3], $0x80, v2, vm0, $0xb8;
	[tilespmem:$0x1D000] =	vst v63  }
0x90: {  	s14 =	simm.s32 $0x11800  }
0x91: {  	[tilespmem:s14], [sflag:$0x5] =	stream.indirect_vreg.gather [hbm4b:s5+s3], $0x80, v2, vm0, $0xb8;
	[tilespmem:$0x1D000] =	vst v63  }
0x92: {  	s17 =	simm.s32 $0x12000  }
0x93: {  	[tilespmem:s17], [sflag:$0x5] =	stream.indirect_vreg.gather [hbm4b:s6+s3], $0x80, v2, vm0, $0xb8;
	[tilespmem:$0x1D000] =	vst v63  }
0x94: {  	s20 =	simm.s32 $0x12800  }
0x95: {  	[tilespmem:s20], [sflag:$0x5] =	stream.indirect_vreg.gather [hbm4b:s7+s3], $0x80, v2, vm0, $0xb8;
	[tilespmem:$0x1D000] =	vst v63  }
0x96: {  	s28 =	simm.s32 $0x13000  }
0x97: {  	[tilespmem:s28], [sflag:$0x5] =	stream.indirect_vreg.gather [hbm4b:s8+s3], $0x80, v2, vm0, $0xb8;
	[tilespmem:$0x1D000] =	vst v63  }
0x98: {  	s17 =	simm.s32 $0x13800  }
0x99: {  	[tilespmem:s17], [sflag:$0x5] =	stream.indirect_vreg.gather [hbm4b:s9+s3], $0x80, v2, vm0, $0xb8;
	[tilespmem:$0x1D000] =	vst v63  }
0x9a: {  	s20 =	simm.s32 $0x14000  }
0x9b: {  	[tilespmem:s20], [sflag:$0x5] =	stream.indirect_vreg.gather [hbm4b:s10+s3], $0x80, v2, vm0, $0xb8;
	[tilespmem:$0x1D000] =	vst v63  }
0x9c: {  	s28 =	simm.s32 $0x14800  }
0x9d: {  	[tilespmem:s28], [sflag:$0x5] =	stream.indirect_vreg.gather [hbm4b:s11+s3], $0x80, v2, vm0, $0xb8;
	[tilespmem:$0x1D000] =	vst v63  }
0x9e: {  	_ =	swait.ge [sflag:s25], $0x4000  }
0x9f: {  	s0 =	sld [smem:$0x7FC]  }
0xa0: {  	[sflag:s25] =	ssyncset.done $0x0  }
0xa1: {  	s17 =	simm.s32 $0x1000;
	[sflag:s25] =	ssyncadd.s32 $0xFFFFC000  }
0xa2: {  	[hbm4b:s0+s3] =	stream.linear.scatter [tilespmem:s17], [sflag:$0x8], $0x4000, $0x38;
	[tilespmem:$0x1D000] =	vst v63  }
0xa3: {  	v2 =	vld.msk [tilespmem:$0x280], $0xff;
	_ =	sdelay $0x4  }
0xa4: {  	v3 =	vshll.u32 v2, $0x4  }
0xa5: {  	v2 =	vand.u32 $0x7, v2;
	v3 =	vand.u32 $0xFFFFFF80, v3  }
0xa6: {  	v2 =	vor.u32 v2, v3  }
0xa7: {  	v2 =	vperm.xlane v2, v0;
	_ =	sdelay $0x1  }
0xa8: {  	v2 =	vadd.s32 v1, v2;
	_ =	sdelay $0x3  }
0xa9: {  	s20 =	simm.s32 $0x15000  }
0xaa: {  	[tilespmem:s20], [sflag:$0x6] =	stream.indirect_vreg.gather [hbm4b:s30+s3], $0x80, v2, vm0, $0xb8;
	[tilespmem:$0x1D000] =	vst v63  }
0xab: {  	s28 =	simm.s32 $0x15800  }
0xac: {  	[tilespmem:s28], [sflag:$0x6] =	stream.indirect_vreg.gather [hbm4b:s5+s3], $0x80, v2, vm0, $0xb8;
	[tilespmem:$0x1D000] =	vst v63  }
0xad: {  	s20 =	simm.s32 $0x16000  }
0xae: {  	[tilespmem:s20], [sflag:$0x6] =	stream.indirect_vreg.gather [hbm4b:s6+s3], $0x80, v2, vm0, $0xb8;
	[tilespmem:$0x1D000] =	vst v63  }
0xaf: {  	s28 =	simm.s32 $0x16800  }
0xb0: {  	[tilespmem:s28], [sflag:$0x6] =	stream.indirect_vreg.gather [hbm4b:s7+s3], $0x80, v2, vm0, $0xb8;
	[tilespmem:$0x1D000] =	vst v63  }
0xb1: {  	s20 =	simm.s32 $0x17000  }
0xb2: {  	[tilespmem:s20], [sflag:$0x6] =	stream.indirect_vreg.gather [hbm4b:s8+s3], $0x80, v2, vm0, $0xb8;
	[tilespmem:$0x1D000] =	vst v63  }
0xb3: {  	s28 =	simm.s32 $0x17800  }
0xb4: {  	[tilespmem:s28], [sflag:$0x6] =	stream.indirect_vreg.gather [hbm4b:s9+s3], $0x80, v2, vm0, $0xb8;
	[tilespmem:$0x1D000] =	vst v63  }
0xb5: {  	s20 =	simm.s32 $0x18000  }
0xb6: {  	[tilespmem:s20], [sflag:$0x6] =	stream.indirect_vreg.gather [hbm4b:s10+s3], $0x80, v2, vm0, $0xb8;
	[tilespmem:$0x1D000] =	vst v63  }
0xb7: {  	s28 =	simm.s32 $0x18800  }
0xb8: {  	[tilespmem:s28], [sflag:$0x6] =	stream.indirect_vreg.gather [hbm4b:s11+s3], $0x80, v2, vm0, $0xb8;
	[tilespmem:$0x1D000] =	vst v63  }
0xb9: {  	_ =	swait.ge [sflag:s22], $0x4000  }
0xba: {  	[sflag:s22] =	ssyncset.done $0x0  }
0xbb: {  	s20 =	simm.s32 $0x5000;
	s0 =	rddreg [dreg:$0x5];
	[sflag:s22] =	ssyncadd.s32 $0xFFFFC000  }
0xbc: {  	[hbm4b:s0+s3] =	stream.linear.scatter [tilespmem:s20], [sflag:$0x9], $0x4000, $0x38;
	[tilespmem:$0x1D000] =	vst v63  }
0xbd: {  	v2 =	vld.msk [tilespmem:$0x300], $0xff;
	_ =	sdelay $0x4  }
0xbe: {  	v3 =	vshll.u32 v2, $0x4  }
0xbf: {  	v2 =	vand.u32 $0x7, v2;
	v3 =	vand.u32 $0xFFFFFF80, v3  }
0xc0: {  	v2 =	vor.u32 v2, v3  }
0xc1: {  	v2 =	vperm.xlane v2, v0;
	_ =	sdelay $0x1  }
0xc2: {  	v2 =	vadd.s32 v1, v2;
	_ =	sdelay $0x3  }
0xc3: {  	s28 =	simm.s32 $0x19000  }
0xc4: {  	[tilespmem:s28], [sflag:$0x7] =	stream.indirect_vreg.gather [hbm4b:s30+s3], $0x80, v2, vm0, $0xb8;
	[tilespmem:$0x1D000] =	vst v63  }
0xc5: {  	s28 =	simm.s32 $0x19800  }
0xc6: {  	[tilespmem:s28], [sflag:$0x7] =	stream.indirect_vreg.gather [hbm4b:s5+s3], $0x80, v2, vm0, $0xb8;
	[tilespmem:$0x1D000] =	vst v63  }
0xc7: {  	s28 =	simm.s32 $0x1A000  }
0xc8: {  	[tilespmem:s28], [sflag:$0x7] =	stream.indirect_vreg.gather [hbm4b:s6+s3], $0x80, v2, vm0, $0xb8;
	[tilespmem:$0x1D000] =	vst v63  }
0xc9: {  	s28 =	simm.s32 $0x1A800  }
0xca: {  	[tilespmem:s28], [sflag:$0x7] =	stream.indirect_vreg.gather [hbm4b:s7+s3], $0x80, v2, vm0, $0xb8;
	[tilespmem:$0x1D000] =	vst v63  }
0xcb: {  	s28 =	simm.s32 $0x1B000  }
0xcc: {  	[tilespmem:s28], [sflag:$0x7] =	stream.indirect_vreg.gather [hbm4b:s8+s3], $0x80, v2, vm0, $0xb8;
	[tilespmem:$0x1D000] =	vst v63  }
0xcd: {  	s28 =	simm.s32 $0x1B800  }
0xce: {  	[tilespmem:s28], [sflag:$0x7] =	stream.indirect_vreg.gather [hbm4b:s9+s3], $0x80, v2, vm0, $0xb8;
	[tilespmem:$0x1D000] =	vst v63  }
0xcf: {  	s28 =	simm.s32 $0x1C000  }
0xd0: {  	[tilespmem:s28], [sflag:$0x7] =	stream.indirect_vreg.gather [hbm4b:s10+s3], $0x80, v2, vm0, $0xb8;
	[tilespmem:$0x1D000] =	vst v63  }
0xd1: {  	s28 =	simm.s32 $0x1C800  }
0xd2: {  	[tilespmem:s28], [sflag:$0x7] =	stream.indirect_vreg.gather [hbm4b:s11+s3], $0x80, v2, vm0, $0xb8;
	[tilespmem:$0x1D000] =	vst v63  }
0xd3: {  	_ =	swait.ge [sflag:s13], $0x4000  }
0xd4: {  	[sflag:s13] =	ssyncset.done $0x0  }
0xd5: {  	s0 =	simm.s32 $0x9000;
	s28 =	rddreg [dreg:$0x6];
	[sflag:s13] =	ssyncadd.s32 $0xFFFFC000  }
0xd6: {  	[hbm4b:s28+s3] =	stream.linear.scatter [tilespmem:s0], [sflag:$0xA], $0x4000, $0x38;
	[tilespmem:$0x1D000] =	vst v63  }
0xd7: {  	_ =	swait.ge [sflag:s15], $0x4000  }
0xd8: {  	[sflag:s15] =	ssyncset.done $0x0  }
0xd9: {  	[sflag:s15] =	ssyncadd.s32 $0xFFFFC000  }
0xda: {  	v2 =	vld.msk [tilespmem:$0x380], $0xff;
	_ =	sdelay $0x4  }
0xdb: {  	v3 =	vshll.u32 v2, $0x4  }
0xdc: {  	v2 =	vand.u32 $0x7, v2;
	v3 =	vand.u32 $0xFFFFFF80, v3  }
0xdd: {  	v2 =	vor.u32 v2, v3  }
0xde: {  	v2 =	vperm.xlane v2, v0;
	_ =	sdelay $0x1  }
0xdf: {  	v2 =	vadd.s32 v1, v2;
	_ =	sdelay $0x4  }
0xe0: {  	[tilespmem:s17], [sflag:$0x1] =	stream.indirect_vreg.gather [hbm4b:s30+s3], $0x80, v2, vm0, $0xb8;
	[tilespmem:$0x1D000] =	vst v63  }
0xe1: {  	s1 =	simm.s32 $0x1800  }
0xe2: {  	[tilespmem:s1], [sflag:$0x1] =	stream.indirect_vreg.gather [hbm4b:s5+s3], $0x80, v2, vm0, $0xb8;
	[tilespmem:$0x1D000] =	vst v63  }
0xe3: {  	s12 =	simm.s32 $0x2000  }
0xe4: {  	[tilespmem:s12], [sflag:$0x1] =	stream.indirect_vreg.gather [hbm4b:s6+s3], $0x80, v2, vm0, $0xb8;
	[tilespmem:$0x1D000] =	vst v63  }
0xe5: {  	s23 =	simm.s32 $0x2800  }
0xe6: {  	[tilespmem:s23], [sflag:$0x1] =	stream.indirect_vreg.gather [hbm4b:s7+s3], $0x80, v2, vm0, $0xb8;
	[tilespmem:$0x1D000] =	vst v63  }
0xe7: {  	s24 =	simm.s32 $0x3000  }
0xe8: {  	[tilespmem:s24], [sflag:$0x1] =	stream.indirect_vreg.gather [hbm4b:s8+s3], $0x80, v2, vm0, $0xb8;
	[tilespmem:$0x1D000] =	vst v63  }
0xe9: {  	s4 =	simm.s32 $0x3800  }
0xea: {  	[tilespmem:s4], [sflag:$0x1] =	stream.indirect_vreg.gather [hbm4b:s9+s3], $0x80, v2, vm0, $0xb8;
	[tilespmem:$0x1D000] =	vst v63  }
0xeb: {  	s26 =	simm.s32 $0x4000  }
0xec: {  	[tilespmem:s26], [sflag:$0x1] =	stream.indirect_vreg.gather [hbm4b:s10+s3], $0x80, v2, vm0, $0xb8;
	[tilespmem:$0x1D000] =	vst v63  }
0xed: {  	s2 =	simm.s32 $0x4800  }
0xee: {  	[tilespmem:s2], [sflag:$0x1] =	stream.indirect_vreg.gather [hbm4b:s11+s3], $0x80, v2, vm0, $0xb8;
	[tilespmem:$0x1D000] =	vst v63  }
0xef: {  	_ =	swait.ge [sflag:s16], $0x4000  }
0xf0: {  	[sflag:s16] =	ssyncset.done $0x0  }
0xf1: {  	s17 =	simm.s32 $0xD000;
	s23 =	rddreg [dreg:$0x7];
	[sflag:s16] =	ssyncadd.s32 $0xFFFFC000  }
0xf2: {  	[hbm4b:s23+s3] =	stream.linear.scatter [tilespmem:s17], [sflag:$0xB], $0x4000, $0x38;
	[tilespmem:$0x1D000] =	vst v63  }
0xf3: {  	_ =	swait.ge [sflag:s19], $0x4000  }
0xf4: {  	[sflag:s19] =	ssyncset.done $0x0  }
0xf5: {  	[sflag:s19] =	ssyncadd.s32 $0xFFFFC000  }
0xf6: {  	v2 =	vld.msk [tilespmem:$0x400], $0xff;
	_ =	sdelay $0x4  }
0xf7: {  	v3 =	vshll.u32 v2, $0x4  }
0xf8: {  	v2 =	vand.u32 $0x7, v2;
	v3 =	vand.u32 $0xFFFFFF80, v3  }
0xf9: {  	v2 =	vor.u32 v2, v3  }
0xfa: {  	v2 =	vperm.xlane v2, v0;
	_ =	sdelay $0x1  }
0xfb: {  	v2 =	vadd.s32 v1, v2;
	_ =	sdelay $0x4  }
0xfc: {  	[tilespmem:s20], [sflag:$0x2] =	stream.indirect_vreg.gather [hbm4b:s30+s3], $0x80, v2, vm0, $0xb8;
	[tilespmem:$0x1D000] =	vst v63  }
0xfd: {  	s21 =	simm.s32 $0x5800  }
0xfe: {  	[tilespmem:s21], [sflag:$0x2] =	stream.indirect_vreg.gather [hbm4b:s5+s3], $0x80, v2, vm0, $0xb8;
	[tilespmem:$0x1D000] =	vst v63  }
0xff: {  	s24 =	simm.s32 $0x6000  }
0x100: {  	[tilespmem:s24], [sflag:$0x2] =	stream.indirect_vreg.gather [hbm4b:s6+s3], $0x80, v2, vm0, $0xb8;
	[tilespmem:$0x1D000] =	vst v63  }
0x101: {  	s26 =	simm.s32 $0x6800  }
0x102: {  	[tilespmem:s26], [sflag:$0x2] =	stream.indirect_vreg.gather [hbm4b:s7+s3], $0x80, v2, vm0, $0xb8;
	[tilespmem:$0x1D000] =	vst v63  }
0x103: {  	s28 =	simm.s32 $0x7000  }
0x104: {  	[tilespmem:s28], [sflag:$0x2] =	stream.indirect_vreg.gather [hbm4b:s8+s3], $0x80, v2, vm0, $0xb8;
	[tilespmem:$0x1D000] =	vst v63  }
0x105: {  	s2 =	simm.s32 $0x7800  }
0x106: {  	[tilespmem:s2], [sflag:$0x2] =	stream.indirect_vreg.gather [hbm4b:s9+s3], $0x80, v2, vm0, $0xb8;
	[tilespmem:$0x1D000] =	vst v63  }
0x107: {  	s4 =	simm.s32 $0x8000  }
0x108: {  	[tilespmem:s4], [sflag:$0x2] =	stream.indirect_vreg.gather [hbm4b:s10+s3], $0x80, v2, vm0, $0xb8;
	[tilespmem:$0x1D000] =	vst v63  }
0x109: {  	s18 =	simm.s32 $0x8800;
	s20 =	simm.s32 $0x5  }
0x10a: {  	[tilespmem:s18], [sflag:$0x2] =	stream.indirect_vreg.gather [hbm4b:s11+s3], $0x80, v2, vm0, $0xb8;
	[tilespmem:$0x1D000] =	vst v63  }
0x10b: {  	_ =	swait.ge [sflag:s20], $0x4000  }
0x10c: {  	s21 =	simm.s32 $0xA;
	[sflag:s20] =	ssyncset.done $0x0  }
0x10d: {  	s26 =	simm.s32 $0x11000;
	s12 =	rddreg [dreg:$0x8];
	[sflag:s20] =	ssyncadd.s32 $0xFFFFC000  }
0x10e: {  	[hbm4b:s12+s3] =	stream.linear.scatter [tilespmem:s26], [sflag:$0xC], $0x4000, $0x38;
	[tilespmem:$0x1D000] =	vst v63  }
0x10f: {  	_ =	swait.ge [sflag:s21], $0x4000  }
0x110: {  	[sflag:s21] =	ssyncset.done $0x0  }
0x111: {  	[sflag:s21] =	ssyncadd.s32 $0xFFFFC000  }
0x112: {  	v2 =	vld.msk [tilespmem:$0x480], $0xff;
	_ =	sdelay $0x4  }
0x113: {  	v3 =	vshll.u32 v2, $0x4  }
0x114: {  	v2 =	vand.u32 $0x7, v2;
	v3 =	vand.u32 $0xFFFFFF80, v3  }
0x115: {  	v2 =	vor.u32 v2, v3  }
0x116: {  	v2 =	vperm.xlane v2, v0;
	_ =	sdelay $0x1  }
0x117: {  	v2 =	vadd.s32 v1, v2;
	_ =	sdelay $0x4  }
0x118: {  	[tilespmem:s0], [sflag:$0x3] =	stream.indirect_vreg.gather [hbm4b:s30+s3], $0x80, v2, vm0, $0xb8;
	[tilespmem:$0x1D000] =	vst v63  }
0x119: {  	s18 =	simm.s32 $0x9800  }
0x11a: {  	[tilespmem:s18], [sflag:$0x3] =	stream.indirect_vreg.gather [hbm4b:s5+s3], $0x80, v2, vm0, $0xb8;
	[tilespmem:$0x1D000] =	vst v63  }
0x11b: {  	s23 =	simm.s32 $0xA000  }
0x11c: {  	[tilespmem:s23], [sflag:$0x3] =	stream.indirect_vreg.gather [hbm4b:s6+s3], $0x80, v2, vm0, $0xb8;
	[tilespmem:$0x1D000] =	vst v63  }
0x11d: {  	s24 =	simm.s32 $0xA800  }
0x11e: {  	[tilespmem:s24], [sflag:$0x3] =	stream.indirect_vreg.gather [hbm4b:s7+s3], $0x80, v2, vm0, $0xb8;
	[tilespmem:$0x1D000] =	vst v63  }
0x11f: {  	s28 =	simm.s32 $0xB000  }
0x120: {  	[tilespmem:s28], [sflag:$0x3] =	stream.indirect_vreg.gather [hbm4b:s8+s3], $0x80, v2, vm0, $0xb8;
	[tilespmem:$0x1D000] =	vst v63  }
0x121: {  	s1 =	simm.s32 $0xB800  }
0x122: {  	[tilespmem:s1], [sflag:$0x3] =	stream.indirect_vreg.gather [hbm4b:s9+s3], $0x80, v2, vm0, $0xb8;
	[tilespmem:$0x1D000] =	vst v63  }
0x123: {  	s2 =	simm.s32 $0xC000  }
0x124: {  	[tilespmem:s2], [sflag:$0x3] =	stream.indirect_vreg.gather [hbm4b:s10+s3], $0x80, v2, vm0, $0xb8;
	[tilespmem:$0x1D000] =	vst v63  }
0x125: {  	s4 =	simm.s32 $0xC800;
	s23 =	simm.s32 $0x6  }
0x126: {  	[tilespmem:s4], [sflag:$0x3] =	stream.indirect_vreg.gather [hbm4b:s11+s3], $0x80, v2, vm0, $0xb8;
	[tilespmem:$0x1D000] =	vst v63  }
0x127: {  	_ =	swait.ge [sflag:s23], $0x4000  }
0x128: {  	s0 =	simm.s32 $0x15000;
	[sflag:s23] =	ssyncset.done $0x0  }
0x129: {  	s4 =	simm.s32 $0xB;
	s12 =	rddreg [dreg:$0x9];
	[sflag:s23] =	ssyncadd.s32 $0xFFFFC000  }
0x12a: {  	[hbm4b:s12+s3] =	stream.linear.scatter [tilespmem:s0], [sflag:$0xD], $0x4000, $0x38;
	[tilespmem:$0x1D000] =	vst v63  }
0x12b: {  	_ =	swait.ge [sflag:s4], $0x4000  }
0x12c: {  	[sflag:s4] =	ssyncset.done $0x0  }
0x12d: {  	[sflag:s4] =	ssyncadd.s32 $0xFFFFC000  }
0x12e: {  	v2 =	vld.msk [tilespmem:$0x500], $0xff;
	_ =	sdelay $0x4  }
0x12f: {  	v3 =	vshll.u32 v2, $0x4  }
0x130: {  	v2 =	vand.u32 $0x7, v2;
	v3 =	vand.u32 $0xFFFFFF80, v3  }
0x131: {  	v2 =	vor.u32 v2, v3  }
0x132: {  	v2 =	vperm.xlane v2, v0;
	_ =	sdelay $0x1  }
0x133: {  	v2 =	vadd.s32 v1, v2;
	_ =	sdelay $0x4  }
0x134: {  	[tilespmem:s17], [sflag:$0x4] =	stream.indirect_vreg.gather [hbm4b:s30+s3], $0x80, v2, vm0, $0xb8;
	[tilespmem:$0x1D000] =	vst v63  }
0x135: {  	s18 =	simm.s32 $0xD800  }
0x136: {  	[tilespmem:s18], [sflag:$0x4] =	stream.indirect_vreg.gather [hbm4b:s5+s3], $0x80, v2, vm0, $0xb8;
	[tilespmem:$0x1D000] =	vst v63  }
0x137: {  	s24 =	simm.s32 $0xE000  }
0x138: {  	[tilespmem:s24], [sflag:$0x4] =	stream.indirect_vreg.gather [hbm4b:s6+s3], $0x80, v2, vm0, $0xb8;
	[tilespmem:$0x1D000] =	vst v63  }
0x139: {  	s28 =	simm.s32 $0xE800  }
0x13a: {  	[tilespmem:s28], [sflag:$0x4] =	stream.indirect_vreg.gather [hbm4b:s7+s3], $0x80, v2, vm0, $0xb8;
	[tilespmem:$0x1D000] =	vst v63  }
0x13b: {  	s29 =	simm.s32 $0xF000  }
0x13c: {  	[tilespmem:s29], [sflag:$0x4] =	stream.indirect_vreg.gather [hbm4b:s8+s3], $0x80, v2, vm0, $0xb8;
	[tilespmem:$0x1D000] =	vst v63  }
0x13d: {  	s31 =	simm.s32 $0xF800  }
0x13e: {  	[tilespmem:s31], [sflag:$0x4] =	stream.indirect_vreg.gather [hbm4b:s9+s3], $0x80, v2, vm0, $0xb8;
	[tilespmem:$0x1D000] =	vst v63  }
0x13f: {  	s12 =	simm.s32 $0x10000  }
0x140: {  	[tilespmem:s12], [sflag:$0x4] =	stream.indirect_vreg.gather [hbm4b:s10+s3], $0x80, v2, vm0, $0xb8;
	[tilespmem:$0x1D000] =	vst v63  }
0x141: {  	s17 =	simm.s32 $0x10800;
	s24 =	simm.s32 $0x7  }
0x142: {  	[tilespmem:s17], [sflag:$0x4] =	stream.indirect_vreg.gather [hbm4b:s11+s3], $0x80, v2, vm0, $0xb8;
	[tilespmem:$0x1D000] =	vst v63  }
0x143: {  	_ =	swait.ge [sflag:s24], $0x4000  }
0x144: {  	s29 =	simm.s32 $0x19000;
	[sflag:s24] =	ssyncset.done $0x0  }
0x145: {  	s31 =	simm.s32 $0xC;
	s18 =	rddreg [dreg:$0xa];
	[sflag:s24] =	ssyncadd.s32 $0xFFFFC000  }
0x146: {  	[hbm4b:s18+s3] =	stream.linear.scatter [tilespmem:s29], [sflag:$0xE], $0x4000, $0x38;
	[tilespmem:$0x1D000] =	vst v63  }
0x147: {  	_ =	swait.ge [sflag:s31], $0x4000  }
0x148: {  	[sflag:s31] =	ssyncset.done $0x0  }
0x149: {  	[sflag:s31] =	ssyncadd.s32 $0xFFFFC000  }
0x14a: {  	v2 =	vld.msk [tilespmem:$0x580], $0xff;
	_ =	sdelay $0x4  }
0x14b: {  	v3 =	vshll.u32 v2, $0x4  }
0x14c: {  	v2 =	vand.u32 $0x7, v2;
	v3 =	vand.u32 $0xFFFFFF80, v3  }
0x14d: {  	v2 =	vor.u32 v2, v3  }
0x14e: {  	v2 =	vperm.xlane v2, v0;
	_ =	sdelay $0x1  }
0x14f: {  	v2 =	vadd.s32 v1, v2;
	_ =	sdelay $0x4  }
0x150: {  	[tilespmem:s26], [sflag:$0x5] =	stream.indirect_vreg.gather [hbm4b:s30+s3], $0x80, v2, vm0, $0xb8;
	[tilespmem:$0x1D000] =	vst v63  }
0x151: {  	s14 =	simm.s32 $0x11800  }
0x152: {  	[tilespmem:s14], [sflag:$0x5] =	stream.indirect_vreg.gather [hbm4b:s5+s3], $0x80, v2, vm0, $0xb8;
	[tilespmem:$0x1D000] =	vst v63  }
0x153: {  	s1 =	simm.s32 $0x12000  }
0x154: {  	[tilespmem:s1], [sflag:$0x5] =	stream.indirect_vreg.gather [hbm4b:s6+s3], $0x80, v2, vm0, $0xb8;
	[tilespmem:$0x1D000] =	vst v63  }
0x155: {  	s17 =	simm.s32 $0x12800  }
0x156: {  	[tilespmem:s17], [sflag:$0x5] =	stream.indirect_vreg.gather [hbm4b:s7+s3], $0x80, v2, vm0, $0xb8;
	[tilespmem:$0x1D000] =	vst v63  }
0x157: {  	s18 =	simm.s32 $0x13000  }
0x158: {  	[tilespmem:s18], [sflag:$0x5] =	stream.indirect_vreg.gather [hbm4b:s8+s3], $0x80, v2, vm0, $0xb8;
	[tilespmem:$0x1D000] =	vst v63  }
0x159: {  	s26 =	simm.s32 $0x13800  }
0x15a: {  	[tilespmem:s26], [sflag:$0x5] =	stream.indirect_vreg.gather [hbm4b:s9+s3], $0x80, v2, vm0, $0xb8;
	[tilespmem:$0x1D000] =	vst v63  }
0x15b: {  	s28 =	simm.s32 $0x14000  }
0x15c: {  	[tilespmem:s28], [sflag:$0x5] =	stream.indirect_vreg.gather [hbm4b:s10+s3], $0x80, v2, vm0, $0xb8;
	[tilespmem:$0x1D000] =	vst v63  }
0x15d: {  	s31 =	simm.s32 $0x14800  }
0x15e: {  	[tilespmem:s31], [sflag:$0x5] =	stream.indirect_vreg.gather [hbm4b:s11+s3], $0x80, v2, vm0, $0xb8;
	[tilespmem:$0x1D000] =	vst v63  }
0x15f: {  	_ =	swait.ge [sflag:s25], $0x4000  }
0x160: {  	s26 =	simm.s32 $0xD;
	[sflag:s25] =	ssyncset.done $0x0  }
0x161: {  	s31 =	simm.s32 $0x1000;
	s1 =	rddreg [dreg:$0xb];
	[sflag:s25] =	ssyncadd.s32 $0xFFFFC000  }
0x162: {  	[hbm4b:s1+s3] =	stream.linear.scatter [tilespmem:s31], [sflag:$0x8], $0x4000, $0x38;
	[tilespmem:$0x1D000] =	vst v63  }
0x163: {  	_ =	swait.ge [sflag:s26], $0x4000  }
0x164: {  	[sflag:s26] =	ssyncset.done $0x0  }
0x165: {  	[sflag:s26] =	ssyncadd.s32 $0xFFFFC000  }
0x166: {  	v2 =	vld.msk [tilespmem:$0x600], $0xff;
	_ =	sdelay $0x4  }
0x167: {  	v3 =	vshll.u32 v2, $0x4  }
0x168: {  	v2 =	vand.u32 $0x7, v2;
	v3 =	vand.u32 $0xFFFFFF80, v3  }
0x169: {  	v2 =	vor.u32 v2, v3  }
0x16a: {  	v2 =	vperm.xlane v2, v0;
	_ =	sdelay $0x1  }
0x16b: {  	v2 =	vadd.s32 v1, v2;
	_ =	sdelay $0x4  }
0x16c: {  	[tilespmem:s0], [sflag:$0x6] =	stream.indirect_vreg.gather [hbm4b:s30+s3], $0x80, v2, vm0, $0xb8;
	[tilespmem:$0x1D000] =	vst v63  }
0x16d: {  	s14 =	simm.s32 $0x15800  }
0x16e: {  	[tilespmem:s14], [sflag:$0x6] =	stream.indirect_vreg.gather [hbm4b:s5+s3], $0x80, v2, vm0, $0xb8;
	[tilespmem:$0x1D000] =	vst v63  }
0x16f: {  	s17 =	simm.s32 $0x16000  }
0x170: {  	[tilespmem:s17], [sflag:$0x6] =	stream.indirect_vreg.gather [hbm4b:s6+s3], $0x80, v2, vm0, $0xb8;
	[tilespmem:$0x1D000] =	vst v63  }
0x171: {  	s18 =	simm.s32 $0x16800  }
0x172: {  	[tilespmem:s18], [sflag:$0x6] =	stream.indirect_vreg.gather [hbm4b:s7+s3], $0x80, v2, vm0, $0xb8;
	[tilespmem:$0x1D000] =	vst v63  }
0x173: {  	s28 =	simm.s32 $0x17000  }
0x174: {  	[tilespmem:s28], [sflag:$0x6] =	stream.indirect_vreg.gather [hbm4b:s8+s3], $0x80, v2, vm0, $0xb8;
	[tilespmem:$0x1D000] =	vst v63  }
0x175: {  	s1 =	simm.s32 $0x17800  }
0x176: {  	[tilespmem:s1], [sflag:$0x6] =	stream.indirect_vreg.gather [hbm4b:s9+s3], $0x80, v2, vm0, $0xb8;
	[tilespmem:$0x1D000] =	vst v63  }
0x177: {  	s14 =	simm.s32 $0x18000  }
0x178: {  	[tilespmem:s14], [sflag:$0x6] =	stream.indirect_vreg.gather [hbm4b:s10+s3], $0x80, v2, vm0, $0xb8;
	[tilespmem:$0x1D000] =	vst v63  }
0x179: {  	s17 =	simm.s32 $0x18800  }
0x17a: {  	[tilespmem:s17], [sflag:$0x6] =	stream.indirect_vreg.gather [hbm4b:s11+s3], $0x80, v2, vm0, $0xb8;
	[tilespmem:$0x1D000] =	vst v63  }
0x17b: {  	_ =	swait.ge [sflag:s22], $0x4000  }
0x17c: {  	s14 =	simm.s32 $0xE;
	[sflag:s22] =	ssyncset.done $0x0  }
0x17d: {  	s17 =	simm.s32 $0x5000;
	s18 =	rddreg [dreg:$0xc];
	[sflag:s22] =	ssyncadd.s32 $0xFFFFC000  }
0x17e: {  	[hbm4b:s18+s3] =	stream.linear.scatter [tilespmem:s17], [sflag:$0x9], $0x4000, $0x38;
	[tilespmem:$0x1D000] =	vst v63  }
0x17f: {  	_ =	swait.ge [sflag:s14], $0x4000  }
0x180: {  	[sflag:s14] =	ssyncset.done $0x0  }
0x181: {  	[sflag:s14] =	ssyncadd.s32 $0xFFFFC000  }
0x182: {  	v2 =	vld.msk [tilespmem:$0x680], $0xff;
	_ =	sdelay $0x4  }
0x183: {  	v3 =	vshll.u32 v2, $0x4  }
0x184: {  	v2 =	vand.u32 $0x7, v2;
	v3 =	vand.u32 $0xFFFFFF80, v3  }
0x185: {  	v2 =	vor.u32 v2, v3  }
0x186: {  	v2 =	vperm.xlane v2, v0;
	_ =	sdelay $0x1  }
0x187: {  	v2 =	vadd.s32 v1, v2;
	_ =	sdelay $0x4  }
0x188: {  	[tilespmem:s29], [sflag:$0x7] =	stream.indirect_vreg.gather [hbm4b:s30+s3], $0x80, v2, vm0, $0xb8;
	[tilespmem:$0x1D000] =	vst v63  }
0x189: {  	s28 =	simm.s32 $0x19800  }
0x18a: {  	[tilespmem:s28], [sflag:$0x7] =	stream.indirect_vreg.gather [hbm4b:s5+s3], $0x80, v2, vm0, $0xb8;
	[tilespmem:$0x1D000] =	vst v63  }
0x18b: {  	s0 =	simm.s32 $0x1A000  }
0x18c: {  	[tilespmem:s0], [sflag:$0x7] =	stream.indirect_vreg.gather [hbm4b:s6+s3], $0x80, v2, vm0, $0xb8;
	[tilespmem:$0x1D000] =	vst v63  }
0x18d: {  	s1 =	simm.s32 $0x1A800  }
0x18e: {  	[tilespmem:s1], [sflag:$0x7] =	stream.indirect_vreg.gather [hbm4b:s7+s3], $0x80, v2, vm0, $0xb8;
	[tilespmem:$0x1D000] =	vst v63  }
0x18f: {  	s28 =	simm.s32 $0x1B000  }
0x190: {  	[tilespmem:s28], [sflag:$0x7] =	stream.indirect_vreg.gather [hbm4b:s8+s3], $0x80, v2, vm0, $0xb8;
	[tilespmem:$0x1D000] =	vst v63  }
0x191: {  	s0 =	simm.s32 $0x1B800  }
0x192: {  	[tilespmem:s0], [sflag:$0x7] =	stream.indirect_vreg.gather [hbm4b:s9+s3], $0x80, v2, vm0, $0xb8;
	[tilespmem:$0x1D000] =	vst v63  }
0x193: {  	s1 =	simm.s32 $0x1C000  }
0x194: {  	[tilespmem:s1], [sflag:$0x7] =	stream.indirect_vreg.gather [hbm4b:s10+s3], $0x80, v2, vm0, $0xb8;
	[tilespmem:$0x1D000] =	vst v63  }
0x195: {  	s28 =	simm.s32 $0x1C800  }
0x196: {  	[tilespmem:s28], [sflag:$0x7] =	stream.indirect_vreg.gather [hbm4b:s11+s3], $0x80, v2, vm0, $0xb8;
	[tilespmem:$0x1D000] =	vst v63  }
0x197: {  	_ =	swait.ge [sflag:s13], $0x4000  }
0x198: {  	[sflag:s13] =	ssyncset.done $0x0  }
0x199: {  	s18 =	simm.s32 $0x9000;
	s0 =	rddreg [dreg:$0xd];
	[sflag:s13] =	ssyncadd.s32 $0xFFFFC000  }
0x19a: {  	[hbm4b:s0+s3] =	stream.linear.scatter [tilespmem:s18], [sflag:$0xA], $0x4000, $0x38;
	[tilespmem:$0x1D000] =	vst v63  }
0x19b: {  	_ =	swait.ge [sflag:s15], $0x4000  }
0x19c: {  	[sflag:s15] =	ssyncset.done $0x0  }
0x19d: {  	[sflag:s15] =	ssyncadd.s32 $0xFFFFC000  }
0x19e: {  	v2 =	vld.msk [tilespmem:$0x700], $0xff;
	_ =	sdelay $0x4  }
0x19f: {  	v3 =	vshll.u32 v2, $0x4  }
0x1a0: {  	v2 =	vand.u32 $0x7, v2;
	v3 =	vand.u32 $0xFFFFFF80, v3  }
0x1a1: {  	v2 =	vor.u32 v2, v3  }
0x1a2: {  	v2 =	vperm.xlane v2, v0;
	_ =	sdelay $0x1  }
0x1a3: {  	v2 =	vadd.s32 v1, v2;
	_ =	sdelay $0x4  }
0x1a4: {  	[tilespmem:s31], [sflag:$0x1] =	stream.indirect_vreg.gather [hbm4b:s30+s3], $0x80, v2, vm0, $0xb8;
	[tilespmem:$0x1D000] =	vst v63  }
0x1a5: {  	s1 =	simm.s32 $0x1800  }
0x1a6: {  	[tilespmem:s1], [sflag:$0x1] =	stream.indirect_vreg.gather [hbm4b:s5+s3], $0x80, v2, vm0, $0xb8;
	[tilespmem:$0x1D000] =	vst v63  }
0x1a7: {  	s0 =	simm.s32 $0x2000  }
0x1a8: {  	[tilespmem:s0], [sflag:$0x1] =	stream.indirect_vreg.gather [hbm4b:s6+s3], $0x80, v2, vm0, $0xb8;
	[tilespmem:$0x1D000] =	vst v63  }
0x1a9: {  	s1 =	simm.s32 $0x2800  }
0x1aa: {  	[tilespmem:s1], [sflag:$0x1] =	stream.indirect_vreg.gather [hbm4b:s7+s3], $0x80, v2, vm0, $0xb8;
	[tilespmem:$0x1D000] =	vst v63  }
0x1ab: {  	s0 =	simm.s32 $0x3000  }
0x1ac: {  	[tilespmem:s0], [sflag:$0x1] =	stream.indirect_vreg.gather [hbm4b:s8+s3], $0x80, v2, vm0, $0xb8;
	[tilespmem:$0x1D000] =	vst v63  }
0x1ad: {  	s1 =	simm.s32 $0x3800  }
0x1ae: {  	[tilespmem:s1], [sflag:$0x1] =	stream.indirect_vreg.gather [hbm4b:s9+s3], $0x80, v2, vm0, $0xb8;
	[tilespmem:$0x1D000] =	vst v63  }
0x1af: {  	s0 =	simm.s32 $0x4000  }
0x1b0: {  	[tilespmem:s0], [sflag:$0x1] =	stream.indirect_vreg.gather [hbm4b:s10+s3], $0x80, v2, vm0, $0xb8;
	[tilespmem:$0x1D000] =	vst v63  }
0x1b1: {  	s1 =	simm.s32 $0x4800  }
0x1b2: {  	[tilespmem:s1], [sflag:$0x1] =	stream.indirect_vreg.gather [hbm4b:s11+s3], $0x80, v2, vm0, $0xb8;
	[tilespmem:$0x1D000] =	vst v63  }
0x1b3: {  	_ =	swait.ge [sflag:s16], $0x4000  }
0x1b4: {  	[sflag:s16] =	ssyncset.done $0x0  }
0x1b5: {  	s2 =	simm.s32 $0xD000;
	s0 =	rddreg [dreg:$0xe];
	[sflag:s16] =	ssyncadd.s32 $0xFFFFC000  }
0x1b6: {  	[hbm4b:s0+s3] =	stream.linear.scatter [tilespmem:s2], [sflag:$0xB], $0x4000, $0x38;
	[tilespmem:$0x1D000] =	vst v63  }
0x1b7: {  	_ =	swait.ge [sflag:s19], $0x4000  }
0x1b8: {  	[sflag:s19] =	ssyncset.done $0x0  }
0x1b9: {  	[sflag:s19] =	ssyncadd.s32 $0xFFFFC000  }
0x1ba: {  	v2 =	vld.msk [tilespmem:$0x780], $0xff;
	_ =	sdelay $0x4  }
0x1bb: {  	v3 =	vshll.u32 v2, $0x4  }
0x1bc: {  	v2 =	vand.u32 $0x7, v2;
	v3 =	vand.u32 $0xFFFFFF80, v3  }
0x1bd: {  	v2 =	vor.u32 v2, v3  }
0x1be: {  	v2 =	vperm.xlane v2, v0;
	_ =	sdelay $0x1  }
0x1bf: {  	v2 =	vadd.s32 v1, v2;
	_ =	sdelay $0x4  }
0x1c0: {  	[tilespmem:s17], [sflag:$0x2] =	stream.indirect_vreg.gather [hbm4b:s30+s3], $0x80, v2, vm0, $0xb8;
	[tilespmem:$0x1D000] =	vst v63  }
0x1c1: {  	s1 =	simm.s32 $0x5800  }
0x1c2: {  	[tilespmem:s1], [sflag:$0x2] =	stream.indirect_vreg.gather [hbm4b:s5+s3], $0x80, v2, vm0, $0xb8;
	[tilespmem:$0x1D000] =	vst v63  }
0x1c3: {  	s0 =	simm.s32 $0x6000  }
0x1c4: {  	[tilespmem:s0], [sflag:$0x2] =	stream.indirect_vreg.gather [hbm4b:s6+s3], $0x80, v2, vm0, $0xb8;
	[tilespmem:$0x1D000] =	vst v63  }
0x1c5: {  	s1 =	simm.s32 $0x6800  }
0x1c6: {  	[tilespmem:s1], [sflag:$0x2] =	stream.indirect_vreg.gather [hbm4b:s7+s3], $0x80, v2, vm0, $0xb8;
	[tilespmem:$0x1D000] =	vst v63  }
0x1c7: {  	s0 =	simm.s32 $0x7000  }
0x1c8: {  	[tilespmem:s0], [sflag:$0x2] =	stream.indirect_vreg.gather [hbm4b:s8+s3], $0x80, v2, vm0, $0xb8;
	[tilespmem:$0x1D000] =	vst v63  }
0x1c9: {  	s1 =	simm.s32 $0x7800  }
0x1ca: {  	[tilespmem:s1], [sflag:$0x2] =	stream.indirect_vreg.gather [hbm4b:s9+s3], $0x80, v2, vm0, $0xb8;
	[tilespmem:$0x1D000] =	vst v63  }
0x1cb: {  	s0 =	simm.s32 $0x8000  }
0x1cc: {  	[tilespmem:s0], [sflag:$0x2] =	stream.indirect_vreg.gather [hbm4b:s10+s3], $0x80, v2, vm0, $0xb8;
	[tilespmem:$0x1D000] =	vst v63  }
0x1cd: {  	s1 =	simm.s32 $0x8800  }
0x1ce: {  	[tilespmem:s1], [sflag:$0x2] =	stream.indirect_vreg.gather [hbm4b:s11+s3], $0x80, v2, vm0, $0xb8;
	[tilespmem:$0x1D000] =	vst v63  }
0x1cf: {  	_ =	swait.ge [sflag:s20], $0x4000  }
0x1d0: {  	[sflag:s20] =	ssyncset.done $0x0  }
0x1d1: {  	s1 =	simm.s32 $0x11000;
	s0 =	rddreg [dreg:$0xf];
	[sflag:s20] =	ssyncadd.s32 $0xFFFFC000  }
0x1d2: {  	[hbm4b:s0+s3] =	stream.linear.scatter [tilespmem:s1], [sflag:$0xC], $0x4000, $0x38;
	[tilespmem:$0x1D000] =	vst v63  }
0x1d3: {  	_ =	swait.ge [sflag:s21], $0x4000  }
0x1d4: {  	[sflag:s21] =	ssyncset.done $0x0  }
0x1d5: {  	[sflag:s21] =	ssyncadd.s32 $0xFFFFC000  }
0x1d6: {  	v2 =	vld.msk [tilespmem:$0x800], $0xff;
	_ =	sdelay $0x4  }
0x1d7: {  	v3 =	vshll.u32 v2, $0x4  }
0x1d8: {  	v2 =	vand.u32 $0x7, v2;
	v3 =	vand.u32 $0xFFFFFF80, v3  }
0x1d9: {  	v2 =	vor.u32 v2, v3  }
0x1da: {  	v2 =	vperm.xlane v2, v0;
	_ =	sdelay $0x1  }
0x1db: {  	v2 =	vadd.s32 v1, v2;
	_ =	sdelay $0x4  }
0x1dc: {  	[tilespmem:s18], [sflag:$0x3] =	stream.indirect_vreg.gather [hbm4b:s30+s3], $0x80, v2, vm0, $0xb8;
	[tilespmem:$0x1D000] =	vst v63  }
0x1dd: {  	s0 =	simm.s32 $0x9800  }
0x1de: {  	[tilespmem:s0], [sflag:$0x3] =	stream.indirect_vreg.gather [hbm4b:s5+s3], $0x80, v2, vm0, $0xb8;
	[tilespmem:$0x1D000] =	vst v63  }
0x1df: {  	s0 =	simm.s32 $0xA000  }
0x1e0: {  	[tilespmem:s0], [sflag:$0x3] =	stream.indirect_vreg.gather [hbm4b:s6+s3], $0x80, v2, vm0, $0xb8;
	[tilespmem:$0x1D000] =	vst v63  }
0x1e1: {  	s0 =	simm.s32 $0xA800  }
0x1e2: {  	[tilespmem:s0], [sflag:$0x3] =	stream.indirect_vreg.gather [hbm4b:s7+s3], $0x80, v2, vm0, $0xb8;
	[tilespmem:$0x1D000] =	vst v63  }
0x1e3: {  	s0 =	simm.s32 $0xB000  }
0x1e4: {  	[tilespmem:s0], [sflag:$0x3] =	stream.indirect_vreg.gather [hbm4b:s8+s3], $0x80, v2, vm0, $0xb8;
	[tilespmem:$0x1D000] =	vst v63  }
0x1e5: {  	s0 =	simm.s32 $0xB800  }
0x1e6: {  	[tilespmem:s0], [sflag:$0x3] =	stream.indirect_vreg.gather [hbm4b:s9+s3], $0x80, v2, vm0, $0xb8;
	[tilespmem:$0x1D000] =	vst v63  }
0x1e7: {  	s28 =	simm.s32 $0xC000  }
0x1e8: {  	[tilespmem:s28], [sflag:$0x3] =	stream.indirect_vreg.gather [hbm4b:s10+s3], $0x80, v2, vm0, $0xb8;
	[tilespmem:$0x1D000] =	vst v63  }
0x1e9: {  	s0 =	simm.s32 $0xC800  }
0x1ea: {  	[tilespmem:s0], [sflag:$0x3] =	stream.indirect_vreg.gather [hbm4b:s11+s3], $0x80, v2, vm0, $0xb8;
	[tilespmem:$0x1D000] =	vst v63  }
0x1eb: {  	_ =	swait.ge [sflag:s23], $0x4000  }
0x1ec: {  	[sflag:s23] =	ssyncset.done $0x0  }
0x1ed: {  	s0 =	simm.s32 $0x15000;
	s28 =	rddreg [dreg:$0x10];
	[sflag:s23] =	ssyncadd.s32 $0xFFFFC000  }
0x1ee: {  	[hbm4b:s28+s3] =	stream.linear.scatter [tilespmem:s0], [sflag:$0xD], $0x4000, $0x38;
	[tilespmem:$0x1D000] =	vst v63  }
0x1ef: {  	_ =	swait.ge [sflag:s4], $0x4000  }
0x1f0: {  	[sflag:s4] =	ssyncset.done $0x0  }
0x1f1: {  	[sflag:s4] =	ssyncadd.s32 $0xFFFFC000  }
0x1f2: {  	v2 =	vld.msk [tilespmem:$0x880], $0xff;
	_ =	sdelay $0x4  }
0x1f3: {  	v3 =	vshll.u32 v2, $0x4  }
0x1f4: {  	v2 =	vand.u32 $0x7, v2;
	v3 =	vand.u32 $0xFFFFFF80, v3  }
0x1f5: {  	v2 =	vor.u32 v2, v3  }
0x1f6: {  	v2 =	vperm.xlane v2, v0;
	_ =	sdelay $0x1  }
0x1f7: {  	v2 =	vadd.s32 v1, v2;
	_ =	sdelay $0x3  }
0x1f8: {  	s2 =	simm.s32 $0xD000  }
0x1f9: {  	[tilespmem:s2], [sflag:$0x4] =	stream.indirect_vreg.gather [hbm4b:s30+s3], $0x80, v2, vm0, $0xb8;
	[tilespmem:$0x1D000] =	vst v63  }
0x1fa: {  	s28 =	simm.s32 $0xD800  }
0x1fb: {  	[tilespmem:s28], [sflag:$0x4] =	stream.indirect_vreg.gather [hbm4b:s5+s3], $0x80, v2, vm0, $0xb8;
	[tilespmem:$0x1D000] =	vst v63  }
0x1fc: {  	s2 =	simm.s32 $0xE000  }
0x1fd: {  	[tilespmem:s2], [sflag:$0x4] =	stream.indirect_vreg.gather [hbm4b:s6+s3], $0x80, v2, vm0, $0xb8;
	[tilespmem:$0x1D000] =	vst v63  }
0x1fe: {  	s28 =	simm.s32 $0xE800  }
0x1ff: {  	[tilespmem:s28], [sflag:$0x4] =	stream.indirect_vreg.gather [hbm4b:s7+s3], $0x80, v2, vm0, $0xb8;
	[tilespmem:$0x1D000] =	vst v63  }
0x200: {  	s2 =	simm.s32 $0xF000  }
0x201: {  	[tilespmem:s2], [sflag:$0x4] =	stream.indirect_vreg.gather [hbm4b:s8+s3], $0x80, v2, vm0, $0xb8;
	[tilespmem:$0x1D000] =	vst v63  }
0x202: {  	s2 =	simm.s32 $0xF800  }
0x203: {  	[tilespmem:s2], [sflag:$0x4] =	stream.indirect_vreg.gather [hbm4b:s9+s3], $0x80, v2, vm0, $0xb8;
	[tilespmem:$0x1D000] =	vst v63  }
0x204: {  	s28 =	simm.s32 $0x10000  }
0x205: {  	[tilespmem:s28], [sflag:$0x4] =	stream.indirect_vreg.gather [hbm4b:s10+s3], $0x80, v2, vm0, $0xb8;
	[tilespmem:$0x1D000] =	vst v63  }
0x206: {  	s2 =	simm.s32 $0x10800  }
0x207: {  	[tilespmem:s2], [sflag:$0x4] =	stream.indirect_vreg.gather [hbm4b:s11+s3], $0x80, v2, vm0, $0xb8;
	[tilespmem:$0x1D000] =	vst v63  }
0x208: {  	_ =	swait.ge [sflag:s24], $0x4000  }
0x209: {  	[sflag:s24] =	ssyncset.done $0x0  }
0x20a: {  	s12 =	simm.s32 $0xC;
	s2 =	rddreg [dreg:$0x11];
	[sflag:s24] =	ssyncadd.s32 $0xFFFFC000  }
0x20b: {  	[hbm4b:s2+s3] =	stream.linear.scatter [tilespmem:s29], [sflag:$0xE], $0x4000, $0x38;
	[tilespmem:$0x1D000] =	vst v63  }
0x20c: {  	_ =	swait.ge [sflag:s12], $0x4000  }
0x20d: {  	[sflag:s12] =	ssyncset.done $0x0  }
0x20e: {  	[sflag:s12] =	ssyncadd.s32 $0xFFFFC000  }
0x20f: {  	v2 =	vld.msk [tilespmem:$0x900], $0xff;
	_ =	sdelay $0x4  }
0x210: {  	v3 =	vshll.u32 v2, $0x4  }
0x211: {  	v2 =	vand.u32 $0x7, v2;
	v3 =	vand.u32 $0xFFFFFF80, v3  }
0x212: {  	v2 =	vor.u32 v2, v3  }
0x213: {  	v2 =	vperm.xlane v2, v0;
	_ =	sdelay $0x1  }
0x214: {  	v2 =	vadd.s32 v1, v2;
	_ =	sdelay $0x4  }
0x215: {  	[tilespmem:s1], [sflag:$0x5] =	stream.indirect_vreg.gather [hbm4b:s30+s3], $0x80, v2, vm0, $0xb8;
	[tilespmem:$0x1D000] =	vst v63  }
0x216: {  	s2 =	simm.s32 $0x11800  }
0x217: {  	[tilespmem:s2], [sflag:$0x5] =	stream.indirect_vreg.gather [hbm4b:s5+s3], $0x80, v2, vm0, $0xb8;
	[tilespmem:$0x1D000] =	vst v63  }
0x218: {  	s28 =	simm.s32 $0x12000  }
0x219: {  	[tilespmem:s28], [sflag:$0x5] =	stream.indirect_vreg.gather [hbm4b:s6+s3], $0x80, v2, vm0, $0xb8;
	[tilespmem:$0x1D000] =	vst v63  }
0x21a: {  	s1 =	simm.s32 $0x12800  }
0x21b: {  	[tilespmem:s1], [sflag:$0x5] =	stream.indirect_vreg.gather [hbm4b:s7+s3], $0x80, v2, vm0, $0xb8;
	[tilespmem:$0x1D000] =	vst v63  }
0x21c: {  	s28 =	simm.s32 $0x13000  }
0x21d: {  	[tilespmem:s28], [sflag:$0x5] =	stream.indirect_vreg.gather [hbm4b:s8+s3], $0x80, v2, vm0, $0xb8;
	[tilespmem:$0x1D000] =	vst v63  }
0x21e: {  	s1 =	simm.s32 $0x13800  }
0x21f: {  	[tilespmem:s1], [sflag:$0x5] =	stream.indirect_vreg.gather [hbm4b:s9+s3], $0x80, v2, vm0, $0xb8;
	[tilespmem:$0x1D000] =	vst v63  }
0x220: {  	s28 =	simm.s32 $0x14000  }
0x221: {  	[tilespmem:s28], [sflag:$0x5] =	stream.indirect_vreg.gather [hbm4b:s10+s3], $0x80, v2, vm0, $0xb8;
	[tilespmem:$0x1D000] =	vst v63  }
0x222: {  	s1 =	simm.s32 $0x14800  }
0x223: {  	[tilespmem:s1], [sflag:$0x5] =	stream.indirect_vreg.gather [hbm4b:s11+s3], $0x80, v2, vm0, $0xb8;
	[tilespmem:$0x1D000] =	vst v63  }
0x224: {  	_ =	swait.ge [sflag:s25], $0x4000  }
0x225: {  	[sflag:s25] =	ssyncset.done $0x0  }
0x226: {  	s12 =	rddreg [dreg:$0x12];
	[sflag:s25] =	ssyncadd.s32 $0xFFFFC000  }
0x227: {  	[hbm4b:s12+s3] =	stream.linear.scatter [tilespmem:s31], [sflag:$0x8], $0x4000, $0x38;
	[tilespmem:$0x1D000] =	vst v63  }
0x228: {  	_ =	swait.ge [sflag:s26], $0x4000  }
0x229: {  	[sflag:s26] =	ssyncset.done $0x0  }
0x22a: {  	[sflag:s26] =	ssyncadd.s32 $0xFFFFC000  }
0x22b: {  	v2 =	vld.msk [tilespmem:$0x980], $0xff;
	_ =	sdelay $0x4  }
0x22c: {  	v3 =	vshll.u32 v2, $0x4  }
0x22d: {  	v2 =	vand.u32 $0x7, v2;
	v3 =	vand.u32 $0xFFFFFF80, v3  }
0x22e: {  	v2 =	vor.u32 v2, v3  }
0x22f: {  	v2 =	vperm.xlane v2, v0;
	_ =	sdelay $0x1  }
0x230: {  	v2 =	vadd.s32 v1, v2;
	_ =	sdelay $0x4  }
0x231: {  	[tilespmem:s0], [sflag:$0x6] =	stream.indirect_vreg.gather [hbm4b:s30+s3], $0x80, v2, vm0, $0xb8;
	[tilespmem:$0x1D000] =	vst v63  }
0x232: {  	s0 =	simm.s32 $0x15800  }
0x233: {  	[tilespmem:s0], [sflag:$0x6] =	stream.indirect_vreg.gather [hbm4b:s5+s3], $0x80, v2, vm0, $0xb8;
	[tilespmem:$0x1D000] =	vst v63  }
0x234: {  	s28 =	simm.s32 $0x16000  }
0x235: {  	[tilespmem:s28], [sflag:$0x6] =	stream.indirect_vreg.gather [hbm4b:s6+s3], $0x80, v2, vm0, $0xb8;
	[tilespmem:$0x1D000] =	vst v63  }
0x236: {  	s31 =	simm.s32 $0x16800  }
0x237: {  	[tilespmem:s31], [sflag:$0x6] =	stream.indirect_vreg.gather [hbm4b:s7+s3], $0x80, v2, vm0, $0xb8;
	[tilespmem:$0x1D000] =	vst v63  }
0x238: {  	s0 =	simm.s32 $0x17000  }
0x239: {  	[tilespmem:s0], [sflag:$0x6] =	stream.indirect_vreg.gather [hbm4b:s8+s3], $0x80, v2, vm0, $0xb8;
	[tilespmem:$0x1D000] =	vst v63  }
0x23a: {  	s28 =	simm.s32 $0x17800  }
0x23b: {  	[tilespmem:s28], [sflag:$0x6] =	stream.indirect_vreg.gather [hbm4b:s9+s3], $0x80, v2, vm0, $0xb8;
	[tilespmem:$0x1D000] =	vst v63  }
0x23c: {  	s31 =	simm.s32 $0x18000  }
0x23d: {  	[tilespmem:s31], [sflag:$0x6] =	stream.indirect_vreg.gather [hbm4b:s10+s3], $0x80, v2, vm0, $0xb8;
	[tilespmem:$0x1D000] =	vst v63  }
0x23e: {  	s0 =	simm.s32 $0x18800  }
0x23f: {  	[tilespmem:s0], [sflag:$0x6] =	stream.indirect_vreg.gather [hbm4b:s11+s3], $0x80, v2, vm0, $0xb8;
	[tilespmem:$0x1D000] =	vst v63  }
0x240: {  	_ =	swait.ge [sflag:s22], $0x4000  }
0x241: {  	[sflag:s22] =	ssyncset.done $0x0  }
0x242: {  	s12 =	rddreg [dreg:$0x13];
	[sflag:s22] =	ssyncadd.s32 $0xFFFFC000  }
0x243: {  	[hbm4b:s12+s3] =	stream.linear.scatter [tilespmem:s17], [sflag:$0x9], $0x4000, $0x38;
	[tilespmem:$0x1D000] =	vst v63  }
0x244: {  	_ =	swait.ge [sflag:s14], $0x4000  }
0x245: {  	[sflag:s14] =	ssyncset.done $0x0  }
0x246: {  	[sflag:s14] =	ssyncadd.s32 $0xFFFFC000  }
0x247: {  	v2 =	vld.msk [tilespmem:$0xA00], $0xff;
	_ =	sdelay $0x4  }
0x248: {  	v3 =	vshll.u32 v2, $0x4  }
0x249: {  	v2 =	vand.u32 $0x7, v2;
	v3 =	vand.u32 $0xFFFFFF80, v3  }
0x24a: {  	v2 =	vor.u32 v2, v3  }
0x24b: {  	v2 =	vperm.xlane v2, v0;
	_ =	sdelay $0x1  }
0x24c: {  	v2 =	vadd.s32 v1, v2;
	_ =	sdelay $0x3  }
0x24d: {  	s29 =	simm.s32 $0x19000  }
0x24e: {  	[tilespmem:s29], [sflag:$0x7] =	stream.indirect_vreg.gather [hbm4b:s30+s3], $0x80, v2, vm0, $0xb8;
	[tilespmem:$0x1D000] =	vst v63  }
0x24f: {  	s17 =	simm.s32 $0x19800  }
0x250: {  	[tilespmem:s17], [sflag:$0x7] =	stream.indirect_vreg.gather [hbm4b:s5+s3], $0x80, v2, vm0, $0xb8;
	[tilespmem:$0x1D000] =	vst v63  }
0x251: {  	s29 =	simm.s32 $0x1A000  }
0x252: {  	[tilespmem:s29], [sflag:$0x7] =	stream.indirect_vreg.gather [hbm4b:s6+s3], $0x80, v2, vm0, $0xb8;
	[tilespmem:$0x1D000] =	vst v63  }
0x253: {  	s31 =	simm.s32 $0x1A800  }
0x254: {  	[tilespmem:s31], [sflag:$0x7] =	stream.indirect_vreg.gather [hbm4b:s7+s3], $0x80, v2, vm0, $0xb8;
	[tilespmem:$0x1D000] =	vst v63  }
0x255: {  	s12 =	simm.s32 $0x1B000  }
0x256: {  	[tilespmem:s12], [sflag:$0x7] =	stream.indirect_vreg.gather [hbm4b:s8+s3], $0x80, v2, vm0, $0xb8;
	[tilespmem:$0x1D000] =	vst v63  }
0x257: {  	s17 =	simm.s32 $0x1B800  }
0x258: {  	[tilespmem:s17], [sflag:$0x7] =	stream.indirect_vreg.gather [hbm4b:s9+s3], $0x80, v2, vm0, $0xb8;
	[tilespmem:$0x1D000] =	vst v63  }
0x259: {  	s29 =	simm.s32 $0x1C000  }
0x25a: {  	[tilespmem:s29], [sflag:$0x7] =	stream.indirect_vreg.gather [hbm4b:s10+s3], $0x80, v2, vm0, $0xb8;
	[tilespmem:$0x1D000] =	vst v63  }
0x25b: {  	s31 =	simm.s32 $0x1C800  }
0x25c: {  	[tilespmem:s31], [sflag:$0x7] =	stream.indirect_vreg.gather [hbm4b:s11+s3], $0x80, v2, vm0, $0xb8;
	[tilespmem:$0x1D000] =	vst v63  }
0x25d: {  	_ =	swait.ge [sflag:s13], $0x4000  }
0x25e: {  	[sflag:s13] =	ssyncset.done $0x0  }
0x25f: {  	s17 =	rddreg [dreg:$0x14];
	[sflag:s13] =	ssyncadd.s32 $0xFFFFC000  }
0x260: {  	[hbm4b:s17+s3] =	stream.linear.scatter [tilespmem:s18], [sflag:$0xA], $0x4000, $0x38;
	[tilespmem:$0x1D000] =	vst v63  }
0x261: {  	_ =	swait.ge [sflag:s15], $0x4000  }
0x262: {  	[sflag:s15] =	ssyncset.done $0x0  }
0x263: {  	[sflag:s15] =	ssyncadd.s32 $0xFFFFC000  }
0x264: {  	v2 =	vld.msk [tilespmem:$0xA80], $0xff;
	_ =	sdelay $0x4  }
0x265: {  	v3 =	vshll.u32 v2, $0x4  }
0x266: {  	v2 =	vand.u32 $0x7, v2;
	v3 =	vand.u32 $0xFFFFFF80, v3  }
0x267: {  	v2 =	vor.u32 v2, v3  }
0x268: {  	v2 =	vperm.xlane v2, v0;
	_ =	sdelay $0x1  }
0x269: {  	v2 =	vadd.s32 v1, v2;
	_ =	sdelay $0x3  }
0x26a: {  	s1 =	simm.s32 $0x1000  }
0x26b: {  	[tilespmem:s1], [sflag:$0x1] =	stream.indirect_vreg.gather [hbm4b:s30+s3], $0x80, v2, vm0, $0xb8;
	[tilespmem:$0x1D000] =	vst v63  }
0x26c: {  	s18 =	simm.s32 $0x1800  }
0x26d: {  	[tilespmem:s18], [sflag:$0x1] =	stream.indirect_vreg.gather [hbm4b:s5+s3], $0x80, v2, vm0, $0xb8;
	[tilespmem:$0x1D000] =	vst v63  }
0x26e: {  	s28 =	simm.s32 $0x2000  }
0x26f: {  	[tilespmem:s28], [sflag:$0x1] =	stream.indirect_vreg.gather [hbm4b:s6+s3], $0x80, v2, vm0, $0xb8;
	[tilespmem:$0x1D000] =	vst v63  }
0x270: {  	s31 =	simm.s32 $0x2800  }
0x271: {  	[tilespmem:s31], [sflag:$0x1] =	stream.indirect_vreg.gather [hbm4b:s7+s3], $0x80, v2, vm0, $0xb8;
	[tilespmem:$0x1D000] =	vst v63  }
0x272: {  	s1 =	simm.s32 $0x3000  }
0x273: {  	[tilespmem:s1], [sflag:$0x1] =	stream.indirect_vreg.gather [hbm4b:s8+s3], $0x80, v2, vm0, $0xb8;
	[tilespmem:$0x1D000] =	vst v63  }
0x274: {  	s17 =	simm.s32 $0x3800  }
0x275: {  	[tilespmem:s17], [sflag:$0x1] =	stream.indirect_vreg.gather [hbm4b:s9+s3], $0x80, v2, vm0, $0xb8;
	[tilespmem:$0x1D000] =	vst v63  }
0x276: {  	s18 =	simm.s32 $0x4000  }
0x277: {  	[tilespmem:s18], [sflag:$0x1] =	stream.indirect_vreg.gather [hbm4b:s10+s3], $0x80, v2, vm0, $0xb8;
	[tilespmem:$0x1D000] =	vst v63  }
0x278: {  	s28 =	simm.s32 $0x4800  }
0x279: {  	[tilespmem:s28], [sflag:$0x1] =	stream.indirect_vreg.gather [hbm4b:s11+s3], $0x80, v2, vm0, $0xb8;
	[tilespmem:$0x1D000] =	vst v63  }
0x27a: {  	_ =	swait.ge [sflag:s16], $0x4000  }
0x27b: {  	[sflag:s16] =	ssyncset.done $0x0  }
0x27c: {  	s1 =	simm.s32 $0xD000;
	s31 =	rddreg [dreg:$0x15];
	[sflag:s16] =	ssyncadd.s32 $0xFFFFC000  }
0x27d: {  	[hbm4b:s31+s3] =	stream.linear.scatter [tilespmem:s1], [sflag:$0xB], $0x4000, $0x38;
	[tilespmem:$0x1D000] =	vst v63  }
0x27e: {  	_ =	swait.ge [sflag:s19], $0x4000  }
0x27f: {  	[sflag:s19] =	ssyncset.done $0x0  }
0x280: {  	[sflag:s19] =	ssyncadd.s32 $0xFFFFC000  }
0x281: {  	v2 =	vld.msk [tilespmem:$0xB00], $0xff;
	_ =	sdelay $0x4  }
0x282: {  	v3 =	vshll.u32 v2, $0x4  }
0x283: {  	v2 =	vand.u32 $0x7, v2;
	v3 =	vand.u32 $0xFFFFFF80, v3  }
0x284: {  	v2 =	vor.u32 v2, v3  }
0x285: {  	v2 =	vperm.xlane v2, v0;
	_ =	sdelay $0x1  }
0x286: {  	v2 =	vadd.s32 v1, v2;
	_ =	sdelay $0x3  }
0x287: {  	s0 =	simm.s32 $0x5000  }
0x288: {  	[tilespmem:s0], [sflag:$0x2] =	stream.indirect_vreg.gather [hbm4b:s30+s3], $0x80, v2, vm0, $0xb8;
	[tilespmem:$0x1D000] =	vst v63  }
0x289: {  	s0 =	simm.s32 $0x5800  }
0x28a: {  	[tilespmem:s0], [sflag:$0x2] =	stream.indirect_vreg.gather [hbm4b:s5+s3], $0x80, v2, vm0, $0xb8;
	[tilespmem:$0x1D000] =	vst v63  }
0x28b: {  	s17 =	simm.s32 $0x6000  }
0x28c: {  	[tilespmem:s17], [sflag:$0x2] =	stream.indirect_vreg.gather [hbm4b:s6+s3], $0x80, v2, vm0, $0xb8;
	[tilespmem:$0x1D000] =	vst v63  }
0x28d: {  	s18 =	simm.s32 $0x6800  }
0x28e: {  	[tilespmem:s18], [sflag:$0x2] =	stream.indirect_vreg.gather [hbm4b:s7+s3], $0x80, v2, vm0, $0xb8;
	[tilespmem:$0x1D000] =	vst v63  }
0x28f: {  	s28 =	simm.s32 $0x7000  }
0x290: {  	[tilespmem:s28], [sflag:$0x2] =	stream.indirect_vreg.gather [hbm4b:s8+s3], $0x80, v2, vm0, $0xb8;
	[tilespmem:$0x1D000] =	vst v63  }
0x291: {  	s31 =	simm.s32 $0x7800  }
0x292: {  	[tilespmem:s31], [sflag:$0x2] =	stream.indirect_vreg.gather [hbm4b:s9+s3], $0x80, v2, vm0, $0xb8;
	[tilespmem:$0x1D000] =	vst v63  }
0x293: {  	s0 =	simm.s32 $0x8000  }
0x294: {  	[tilespmem:s0], [sflag:$0x2] =	stream.indirect_vreg.gather [hbm4b:s10+s3], $0x80, v2, vm0, $0xb8;
	[tilespmem:$0x1D000] =	vst v63  }
0x295: {  	s12 =	simm.s32 $0x8800  }
0x296: {  	[tilespmem:s12], [sflag:$0x2] =	stream.indirect_vreg.gather [hbm4b:s11+s3], $0x80, v2, vm0, $0xb8;
	[tilespmem:$0x1D000] =	vst v63  }
0x297: {  	_ =	swait.ge [sflag:s20], $0x4000  }
0x298: {  	[sflag:s20] =	ssyncset.done $0x0  }
0x299: {  	s18 =	simm.s32 $0x11000;
	s17 =	rddreg [dreg:$0x16];
	[sflag:s20] =	ssyncadd.s32 $0xFFFFC000  }
0x29a: {  	[hbm4b:s17+s3] =	stream.linear.scatter [tilespmem:s18], [sflag:$0xC], $0x4000, $0x38;
	[tilespmem:$0x1D000] =	vst v63  }
0x29b: {  	_ =	swait.ge [sflag:s21], $0x4000  }
0x29c: {  	[sflag:s21] =	ssyncset.done $0x0  }
0x29d: {  	[sflag:s21] =	ssyncadd.s32 $0xFFFFC000  }
0x29e: {  	v2 =	vld.msk [tilespmem:$0xB80], $0xff;
	_ =	sdelay $0x4  }
0x29f: {  	v3 =	vshll.u32 v2, $0x4  }
0x2a0: {  	v2 =	vand.u32 $0x7, v2;
	v3 =	vand.u32 $0xFFFFFF80, v3  }
0x2a1: {  	v2 =	vor.u32 v2, v3  }
0x2a2: {  	v2 =	vperm.xlane v2, v0;
	_ =	sdelay $0x1  }
0x2a3: {  	v2 =	vadd.s32 v1, v2;
	_ =	sdelay $0x3  }
0x2a4: {  	s29 =	simm.s32 $0x9000  }
0x2a5: {  	[tilespmem:s29], [sflag:$0x3] =	stream.indirect_vreg.gather [hbm4b:s30+s3], $0x80, v2, vm0, $0xb8;
	[tilespmem:$0x1D000] =	vst v63  }
0x2a6: {  	s29 =	simm.s32 $0x9800  }
0x2a7: {  	[tilespmem:s29], [sflag:$0x3] =	stream.indirect_vreg.gather [hbm4b:s5+s3], $0x80, v2, vm0, $0xb8;
	[tilespmem:$0x1D000] =	vst v63  }
0x2a8: {  	s31 =	simm.s32 $0xA000  }
0x2a9: {  	[tilespmem:s31], [sflag:$0x3] =	stream.indirect_vreg.gather [hbm4b:s6+s3], $0x80, v2, vm0, $0xb8;
	[tilespmem:$0x1D000] =	vst v63  }
0x2aa: {  	s0 =	simm.s32 $0xA800  }
0x2ab: {  	[tilespmem:s0], [sflag:$0x3] =	stream.indirect_vreg.gather [hbm4b:s7+s3], $0x80, v2, vm0, $0xb8;
	[tilespmem:$0x1D000] =	vst v63  }
0x2ac: {  	s17 =	simm.s32 $0xB000  }
0x2ad: {  	[tilespmem:s17], [sflag:$0x3] =	stream.indirect_vreg.gather [hbm4b:s8+s3], $0x80, v2, vm0, $0xb8;
	[tilespmem:$0x1D000] =	vst v63  }
0x2ae: {  	s28 =	simm.s32 $0xB800  }
0x2af: {  	[tilespmem:s28], [sflag:$0x3] =	stream.indirect_vreg.gather [hbm4b:s9+s3], $0x80, v2, vm0, $0xb8;
	[tilespmem:$0x1D000] =	vst v63  }
0x2b0: {  	s29 =	simm.s32 $0xC000  }
0x2b1: {  	[tilespmem:s29], [sflag:$0x3] =	stream.indirect_vreg.gather [hbm4b:s10+s3], $0x80, v2, vm0, $0xb8;
	[tilespmem:$0x1D000] =	vst v63  }
0x2b2: {  	s31 =	simm.s32 $0xC800  }
0x2b3: {  	[tilespmem:s31], [sflag:$0x3] =	stream.indirect_vreg.gather [hbm4b:s11+s3], $0x80, v2, vm0, $0xb8;
	[tilespmem:$0x1D000] =	vst v63  }
0x2b4: {  	_ =	swait.ge [sflag:s23], $0x4000  }
0x2b5: {  	[sflag:s23] =	ssyncset.done $0x0  }
0x2b6: {  	s31 =	simm.s32 $0x15000;
	s0 =	rddreg [dreg:$0x17];
	[sflag:s23] =	ssyncadd.s32 $0xFFFFC000  }
0x2b7: {  	[hbm4b:s0+s3] =	stream.linear.scatter [tilespmem:s31], [sflag:$0xD], $0x4000, $0x38;
	[tilespmem:$0x1D000] =	vst v63  }
0x2b8: {  	_ =	swait.ge [sflag:s4], $0x4000  }
0x2b9: {  	[sflag:s4] =	ssyncset.done $0x0  }
0x2ba: {  	[sflag:s4] =	ssyncadd.s32 $0xFFFFC000  }
0x2bb: {  	v2 =	vld.msk [tilespmem:$0xC00], $0xff;
	_ =	sdelay $0x4  }
0x2bc: {  	v3 =	vshll.u32 v2, $0x4  }
0x2bd: {  	v2 =	vand.u32 $0x7, v2;
	v3 =	vand.u32 $0xFFFFFF80, v3  }
0x2be: {  	v2 =	vor.u32 v2, v3  }
0x2bf: {  	v2 =	vperm.xlane v2, v0;
	_ =	sdelay $0x1  }
0x2c0: {  	v2 =	vadd.s32 v1, v2;
	_ =	sdelay $0x4  }
0x2c1: {  	[tilespmem:s1], [sflag:$0x4] =	stream.indirect_vreg.gather [hbm4b:s30+s3], $0x80, v2, vm0, $0xb8;
	[tilespmem:$0x1D000] =	vst v63  }
0x2c2: {  	s1 =	simm.s32 $0xD800  }
0x2c3: {  	[tilespmem:s1], [sflag:$0x4] =	stream.indirect_vreg.gather [hbm4b:s5+s3], $0x80, v2, vm0, $0xb8;
	[tilespmem:$0x1D000] =	vst v63  }
0x2c4: {  	s17 =	simm.s32 $0xE000  }
0x2c5: {  	[tilespmem:s17], [sflag:$0x4] =	stream.indirect_vreg.gather [hbm4b:s6+s3], $0x80, v2, vm0, $0xb8;
	[tilespmem:$0x1D000] =	vst v63  }
0x2c6: {  	s28 =	simm.s32 $0xE800  }
0x2c7: {  	[tilespmem:s28], [sflag:$0x4] =	stream.indirect_vreg.gather [hbm4b:s7+s3], $0x80, v2, vm0, $0xb8;
	[tilespmem:$0x1D000] =	vst v63  }
0x2c8: {  	s12 =	simm.s32 $0xF000  }
0x2c9: {  	[tilespmem:s12], [sflag:$0x4] =	stream.indirect_vreg.gather [hbm4b:s8+s3], $0x80, v2, vm0, $0xb8;
	[tilespmem:$0x1D000] =	vst v63  }
0x2ca: {  	s29 =	simm.s32 $0xF800  }
0x2cb: {  	[tilespmem:s29], [sflag:$0x4] =	stream.indirect_vreg.gather [hbm4b:s9+s3], $0x80, v2, vm0, $0xb8;
	[tilespmem:$0x1D000] =	vst v63  }
0x2cc: {  	s0 =	simm.s32 $0x10000  }
0x2cd: {  	[tilespmem:s0], [sflag:$0x4] =	stream.indirect_vreg.gather [hbm4b:s10+s3], $0x80, v2, vm0, $0xb8;
	[tilespmem:$0x1D000] =	vst v63  }
0x2ce: {  	s1 =	simm.s32 $0x10800  }
0x2cf: {  	[tilespmem:s1], [sflag:$0x4] =	stream.indirect_vreg.gather [hbm4b:s11+s3], $0x80, v2, vm0, $0xb8;
	[tilespmem:$0x1D000] =	vst v63  }
0x2d0: {  	_ =	swait.ge [sflag:s24], $0x4000  }
0x2d1: {  	s28 =	simm.s32 $0xC;
	[sflag:s24] =	ssyncset.done $0x0  }
0x2d2: {  	s29 =	simm.s32 $0x19000;
	s17 =	rddreg [dreg:$0x18];
	[sflag:s24] =	ssyncadd.s32 $0xFFFFC000  }
0x2d3: {  	[hbm4b:s17+s3] =	stream.linear.scatter [tilespmem:s29], [sflag:$0xE], $0x4000, $0x38;
	[tilespmem:$0x1D000] =	vst v63  }
0x2d4: {  	_ =	swait.ge [sflag:s28], $0x4000  }
0x2d5: {  	[sflag:s28] =	ssyncset.done $0x0  }
0x2d6: {  	[sflag:s28] =	ssyncadd.s32 $0xFFFFC000  }
0x2d7: {  	v2 =	vld.msk [tilespmem:$0xC80], $0xff;
	_ =	sdelay $0x4  }
0x2d8: {  	v3 =	vshll.u32 v2, $0x4  }
0x2d9: {  	v2 =	vand.u32 $0x7, v2;
	v3 =	vand.u32 $0xFFFFFF80, v3  }
0x2da: {  	v2 =	vor.u32 v2, v3  }
0x2db: {  	v2 =	vperm.xlane v2, v0;
	_ =	sdelay $0x1  }
0x2dc: {  	v2 =	vadd.s32 v1, v2;
	_ =	sdelay $0x4  }
0x2dd: {  	[tilespmem:s18], [sflag:$0x5] =	stream.indirect_vreg.gather [hbm4b:s30+s3], $0x80, v2, vm0, $0xb8;
	[tilespmem:$0x1D000] =	vst v63  }
0x2de: {  	s2 =	simm.s32 $0x11800  }
0x2df: {  	[tilespmem:s2], [sflag:$0x5] =	stream.indirect_vreg.gather [hbm4b:s5+s3], $0x80, v2, vm0, $0xb8;
	[tilespmem:$0x1D000] =	vst v63  }
0x2e0: {  	s1 =	simm.s32 $0x12000  }
0x2e1: {  	[tilespmem:s1], [sflag:$0x5] =	stream.indirect_vreg.gather [hbm4b:s6+s3], $0x80, v2, vm0, $0xb8;
	[tilespmem:$0x1D000] =	vst v63  }
0x2e2: {  	s2 =	simm.s32 $0x12800  }
0x2e3: {  	[tilespmem:s2], [sflag:$0x5] =	stream.indirect_vreg.gather [hbm4b:s7+s3], $0x80, v2, vm0, $0xb8;
	[tilespmem:$0x1D000] =	vst v63  }
0x2e4: {  	s17 =	simm.s32 $0x13000  }
0x2e5: {  	[tilespmem:s17], [sflag:$0x5] =	stream.indirect_vreg.gather [hbm4b:s8+s3], $0x80, v2, vm0, $0xb8;
	[tilespmem:$0x1D000] =	vst v63  }
0x2e6: {  	s28 =	simm.s32 $0x13800  }
0x2e7: {  	[tilespmem:s28], [sflag:$0x5] =	stream.indirect_vreg.gather [hbm4b:s9+s3], $0x80, v2, vm0, $0xb8;
	[tilespmem:$0x1D000] =	vst v63  }
0x2e8: {  	s1 =	simm.s32 $0x14000  }
0x2e9: {  	[tilespmem:s1], [sflag:$0x5] =	stream.indirect_vreg.gather [hbm4b:s10+s3], $0x80, v2, vm0, $0xb8;
	[tilespmem:$0x1D000] =	vst v63  }
0x2ea: {  	s2 =	simm.s32 $0x14800  }
0x2eb: {  	[tilespmem:s2], [sflag:$0x5] =	stream.indirect_vreg.gather [hbm4b:s11+s3], $0x80, v2, vm0, $0xb8;
	[tilespmem:$0x1D000] =	vst v63  }
0x2ec: {  	_ =	swait.ge [sflag:s25], $0x4000  }
0x2ed: {  	[sflag:s25] =	ssyncset.done $0x0  }
0x2ee: {  	s0 =	simm.s32 $0x1000;
	s17 =	rddreg [dreg:$0x19];
	[sflag:s25] =	ssyncadd.s32 $0xFFFFC000  }
0x2ef: {  	[hbm4b:s17+s3] =	stream.linear.scatter [tilespmem:s0], [sflag:$0x8], $0x4000, $0x38;
	[tilespmem:$0x1D000] =	vst v63  }
0x2f0: {  	_ =	swait.ge [sflag:s26], $0x4000  }
0x2f1: {  	[sflag:s26] =	ssyncset.done $0x0  }
0x2f2: {  	[sflag:s26] =	ssyncadd.s32 $0xFFFFC000  }
0x2f3: {  	v2 =	vld.msk [tilespmem:$0xD00], $0xff;
	_ =	sdelay $0x4  }
0x2f4: {  	v3 =	vshll.u32 v2, $0x4  }
0x2f5: {  	v2 =	vand.u32 $0x7, v2;
	v3 =	vand.u32 $0xFFFFFF80, v3  }
0x2f6: {  	v2 =	vor.u32 v2, v3  }
0x2f7: {  	v2 =	vperm.xlane v2, v0;
	_ =	sdelay $0x1  }
0x2f8: {  	v2 =	vadd.s32 v1, v2;
	_ =	sdelay $0x4  }
0x2f9: {  	[tilespmem:s31], [sflag:$0x6] =	stream.indirect_vreg.gather [hbm4b:s30+s3], $0x80, v2, vm0, $0xb8;
	[tilespmem:$0x1D000] =	vst v63  }
0x2fa: {  	s31 =	simm.s32 $0x15800  }
0x2fb: {  	[tilespmem:s31], [sflag:$0x6] =	stream.indirect_vreg.gather [hbm4b:s5+s3], $0x80, v2, vm0, $0xb8;
	[tilespmem:$0x1D000] =	vst v63  }
0x2fc: {  	s2 =	simm.s32 $0x16000  }
0x2fd: {  	[tilespmem:s2], [sflag:$0x6] =	stream.indirect_vreg.gather [hbm4b:s6+s3], $0x80, v2, vm0, $0xb8;
	[tilespmem:$0x1D000] =	vst v63  }
0x2fe: {  	s28 =	simm.s32 $0x16800  }
0x2ff: {  	[tilespmem:s28], [sflag:$0x6] =	stream.indirect_vreg.gather [hbm4b:s7+s3], $0x80, v2, vm0, $0xb8;
	[tilespmem:$0x1D000] =	vst v63  }
0x300: {  	s31 =	simm.s32 $0x17000  }
0x301: {  	[tilespmem:s31], [sflag:$0x6] =	stream.indirect_vreg.gather [hbm4b:s8+s3], $0x80, v2, vm0, $0xb8;
	[tilespmem:$0x1D000] =	vst v63  }
0x302: {  	s2 =	simm.s32 $0x17800  }
0x303: {  	[tilespmem:s2], [sflag:$0x6] =	stream.indirect_vreg.gather [hbm4b:s9+s3], $0x80, v2, vm0, $0xb8;
	[tilespmem:$0x1D000] =	vst v63  }
0x304: {  	s28 =	simm.s32 $0x18000  }
0x305: {  	[tilespmem:s28], [sflag:$0x6] =	stream.indirect_vreg.gather [hbm4b:s10+s3], $0x80, v2, vm0, $0xb8;
	[tilespmem:$0x1D000] =	vst v63  }
0x306: {  	s31 =	simm.s32 $0x18800  }
0x307: {  	[tilespmem:s31], [sflag:$0x6] =	stream.indirect_vreg.gather [hbm4b:s11+s3], $0x80, v2, vm0, $0xb8;
	[tilespmem:$0x1D000] =	vst v63  }
0x308: {  	_ =	swait.ge [sflag:s22], $0x4000  }
0x309: {  	[sflag:s22] =	ssyncset.done $0x0  }
0x30a: {  	s1 =	simm.s32 $0x5000;
	s2 =	rddreg [dreg:$0x1a];
	[sflag:s22] =	ssyncadd.s32 $0xFFFFC000  }
0x30b: {  	[hbm4b:s2+s3] =	stream.linear.scatter [tilespmem:s1], [sflag:$0x9], $0x4000, $0x38;
	[tilespmem:$0x1D000] =	vst v63  }
0x30c: {  	_ =	swait.ge [sflag:s14], $0x4000  }
0x30d: {  	[sflag:s14] =	ssyncset.done $0x0  }
0x30e: {  	[sflag:s14] =	ssyncadd.s32 $0xFFFFC000  }
0x30f: {  	v2 =	vld.msk [tilespmem:$0xD80], $0xff;
	_ =	sdelay $0x4  }
0x310: {  	v3 =	vshll.u32 v2, $0x4  }
0x311: {  	v2 =	vand.u32 $0x7, v2;
	v3 =	vand.u32 $0xFFFFFF80, v3  }
0x312: {  	v2 =	vor.u32 v2, v3  }
0x313: {  	v2 =	vperm.xlane v2, v0;
	_ =	sdelay $0x1  }
0x314: {  	v2 =	vadd.s32 v1, v2;
	_ =	sdelay $0x4  }
0x315: {  	[tilespmem:s29], [sflag:$0x7] =	stream.indirect_vreg.gather [hbm4b:s30+s3], $0x80, v2, vm0, $0xb8;
	[tilespmem:$0x1D000] =	vst v63  }
0x316: {  	s28 =	simm.s32 $0x19800  }
0x317: {  	[tilespmem:s28], [sflag:$0x7] =	stream.indirect_vreg.gather [hbm4b:s5+s3], $0x80, v2, vm0, $0xb8;
	[tilespmem:$0x1D000] =	vst v63  }
0x318: {  	s29 =	simm.s32 $0x1A000  }
0x319: {  	[tilespmem:s29], [sflag:$0x7] =	stream.indirect_vreg.gather [hbm4b:s6+s3], $0x80, v2, vm0, $0xb8;
	[tilespmem:$0x1D000] =	vst v63  }
0x31a: {  	s31 =	simm.s32 $0x1A800  }
0x31b: {  	[tilespmem:s31], [sflag:$0x7] =	stream.indirect_vreg.gather [hbm4b:s7+s3], $0x80, v2, vm0, $0xb8;
	[tilespmem:$0x1D000] =	vst v63  }
0x31c: {  	s28 =	simm.s32 $0x1B000  }
0x31d: {  	[tilespmem:s28], [sflag:$0x7] =	stream.indirect_vreg.gather [hbm4b:s8+s3], $0x80, v2, vm0, $0xb8;
	[tilespmem:$0x1D000] =	vst v63  }
0x31e: {  	s29 =	simm.s32 $0x1B800  }
0x31f: {  	[tilespmem:s29], [sflag:$0x7] =	stream.indirect_vreg.gather [hbm4b:s9+s3], $0x80, v2, vm0, $0xb8;
	[tilespmem:$0x1D000] =	vst v63  }
0x320: {  	s31 =	simm.s32 $0x1C000  }
0x321: {  	[tilespmem:s31], [sflag:$0x7] =	stream.indirect_vreg.gather [hbm4b:s10+s3], $0x80, v2, vm0, $0xb8;
	[tilespmem:$0x1D000] =	vst v63  }
0x322: {  	s28 =	simm.s32 $0x1C800  }
0x323: {  	[tilespmem:s28], [sflag:$0x7] =	stream.indirect_vreg.gather [hbm4b:s11+s3], $0x80, v2, vm0, $0xb8;
	[tilespmem:$0x1D000] =	vst v63  }
0x324: {  	_ =	swait.ge [sflag:s13], $0x4000  }
0x325: {  	[sflag:s13] =	ssyncset.done $0x0  }
0x326: {  	s2 =	simm.s32 $0x9000;
	s29 =	rddreg [dreg:$0x1b];
	[sflag:s13] =	ssyncadd.s32 $0xFFFFC000  }
0x327: {  	[hbm4b:s29+s3] =	stream.linear.scatter [tilespmem:s2], [sflag:$0xA], $0x4000, $0x38;
	[tilespmem:$0x1D000] =	vst v63  }
0x328: {  	_ =	swait.ge [sflag:s15], $0x4000  }
0x329: {  	[sflag:s15] =	ssyncset.done $0x0  }
0x32a: {  	[sflag:s15] =	ssyncadd.s32 $0xFFFFC000  }
0x32b: {  	v2 =	vld.msk [tilespmem:$0xE00], $0xff;
	_ =	sdelay $0x4  }
0x32c: {  	v3 =	vshll.u32 v2, $0x4  }
0x32d: {  	v2 =	vand.u32 $0x7, v2;
	v3 =	vand.u32 $0xFFFFFF80, v3  }
0x32e: {  	v2 =	vor.u32 v2, v3  }
0x32f: {  	v2 =	vperm.xlane v2, v0;
	_ =	sdelay $0x1  }
0x330: {  	v2 =	vadd.s32 v1, v2;
	_ =	sdelay $0x4  }
0x331: {  	[tilespmem:s0], [sflag:$0x1] =	stream.indirect_vreg.gather [hbm4b:s30+s3], $0x80, v2, vm0, $0xb8;
	[tilespmem:$0x1D000] =	vst v63  }
0x332: {  	s31 =	simm.s32 $0x1800  }
0x333: {  	[tilespmem:s31], [sflag:$0x1] =	stream.indirect_vreg.gather [hbm4b:s5+s3], $0x80, v2, vm0, $0xb8;
	[tilespmem:$0x1D000] =	vst v63  }
0x334: {  	s28 =	simm.s32 $0x2000  }
0x335: {  	[tilespmem:s28], [sflag:$0x1] =	stream.indirect_vreg.gather [hbm4b:s6+s3], $0x80, v2, vm0, $0xb8;
	[tilespmem:$0x1D000] =	vst v63  }
0x336: {  	s31 =	simm.s32 $0x2800  }
0x337: {  	[tilespmem:s31], [sflag:$0x1] =	stream.indirect_vreg.gather [hbm4b:s7+s3], $0x80, v2, vm0, $0xb8;
	[tilespmem:$0x1D000] =	vst v63  }
0x338: {  	s28 =	simm.s32 $0x3000  }
0x339: {  	[tilespmem:s28], [sflag:$0x1] =	stream.indirect_vreg.gather [hbm4b:s8+s3], $0x80, v2, vm0, $0xb8;
	[tilespmem:$0x1D000] =	vst v63  }
0x33a: {  	s31 =	simm.s32 $0x3800  }
0x33b: {  	[tilespmem:s31], [sflag:$0x1] =	stream.indirect_vreg.gather [hbm4b:s9+s3], $0x80, v2, vm0, $0xb8;
	[tilespmem:$0x1D000] =	vst v63  }
0x33c: {  	s28 =	simm.s32 $0x4000  }
0x33d: {  	[tilespmem:s28], [sflag:$0x1] =	stream.indirect_vreg.gather [hbm4b:s10+s3], $0x80, v2, vm0, $0xb8;
	[tilespmem:$0x1D000] =	vst v63  }
0x33e: {  	s31 =	simm.s32 $0x4800  }
0x33f: {  	[tilespmem:s31], [sflag:$0x1] =	stream.indirect_vreg.gather [hbm4b:s11+s3], $0x80, v2, vm0, $0xb8;
	[tilespmem:$0x1D000] =	vst v63  }
0x340: {  	_ =	swait.ge [sflag:s16], $0x4000  }
0x341: {  	[sflag:s16] =	ssyncset.done $0x0  }
0x342: {  	s31 =	simm.s32 $0xD000;
	s0 =	rddreg [dreg:$0x1c];
	[sflag:s16] =	ssyncadd.s32 $0xFFFFC000  }
0x343: {  	[hbm4b:s0+s3] =	stream.linear.scatter [tilespmem:s31], [sflag:$0xB], $0x4000, $0x38;
	[tilespmem:$0x1D000] =	vst v63  }
0x344: {  	_ =	swait.ge [sflag:s19], $0x4000  }
0x345: {  	[sflag:s19] =	ssyncset.done $0x0  }
0x346: {  	[sflag:s19] =	ssyncadd.s32 $0xFFFFC000  }
0x347: {  	v2 =	vld.msk [tilespmem:$0xE80], $0xff;
	_ =	sdelay $0x4  }
0x348: {  	v3 =	vshll.u32 v2, $0x4  }
0x349: {  	v2 =	vand.u32 $0x7, v2;
	v3 =	vand.u32 $0xFFFFFF80, v3  }
0x34a: {  	v2 =	vor.u32 v2, v3  }
0x34b: {  	v2 =	vperm.xlane v2, v0;
	_ =	sdelay $0x1  }
0x34c: {  	v2 =	vadd.s32 v1, v2;
	_ =	sdelay $0x4  }
0x34d: {  	[tilespmem:s1], [sflag:$0x2] =	stream.indirect_vreg.gather [hbm4b:s30+s3], $0x80, v2, vm0, $0xb8;
	[tilespmem:$0x1D000] =	vst v63  }
0x34e: {  	s28 =	simm.s32 $0x5800  }
0x34f: {  	[tilespmem:s28], [sflag:$0x2] =	stream.indirect_vreg.gather [hbm4b:s5+s3], $0x80, v2, vm0, $0xb8;
	[tilespmem:$0x1D000] =	vst v63  }
0x350: {  	s28 =	simm.s32 $0x6000  }
0x351: {  	[tilespmem:s28], [sflag:$0x2] =	stream.indirect_vreg.gather [hbm4b:s6+s3], $0x80, v2, vm0, $0xb8;
	[tilespmem:$0x1D000] =	vst v63  }
0x352: {  	s28 =	simm.s32 $0x6800  }
0x353: {  	[tilespmem:s28], [sflag:$0x2] =	stream.indirect_vreg.gather [hbm4b:s7+s3], $0x80, v2, vm0, $0xb8;
	[tilespmem:$0x1D000] =	vst v63  }
0x354: {  	s28 =	simm.s32 $0x7000  }
0x355: {  	[tilespmem:s28], [sflag:$0x2] =	stream.indirect_vreg.gather [hbm4b:s8+s3], $0x80, v2, vm0, $0xb8;
	[tilespmem:$0x1D000] =	vst v63  }
0x356: {  	s28 =	simm.s32 $0x7800  }
0x357: {  	[tilespmem:s28], [sflag:$0x2] =	stream.indirect_vreg.gather [hbm4b:s9+s3], $0x80, v2, vm0, $0xb8;
	[tilespmem:$0x1D000] =	vst v63  }
0x358: {  	s28 =	simm.s32 $0x8000  }
0x359: {  	[tilespmem:s28], [sflag:$0x2] =	stream.indirect_vreg.gather [hbm4b:s10+s3], $0x80, v2, vm0, $0xb8;
	[tilespmem:$0x1D000] =	vst v63  }
0x35a: {  	s28 =	simm.s32 $0x8800  }
0x35b: {  	[tilespmem:s28], [sflag:$0x2] =	stream.indirect_vreg.gather [hbm4b:s11+s3], $0x80, v2, vm0, $0xb8;
	[tilespmem:$0x1D000] =	vst v63  }
0x35c: {  	_ =	swait.ge [sflag:s20], $0x4000  }
0x35d: {  	[sflag:s20] =	ssyncset.done $0x0  }
0x35e: {  	s18 =	simm.s32 $0x11000;
	s1 =	rddreg [dreg:$0x1d];
	[sflag:s20] =	ssyncadd.s32 $0xFFFFC000  }
0x35f: {  	[hbm4b:s1+s3] =	stream.linear.scatter [tilespmem:s18], [sflag:$0xC], $0x4000, $0x38;
	[tilespmem:$0x1D000] =	vst v63  }
0x360: {  	_ =	swait.ge [sflag:s21], $0x4000  }
0x361: {  	[sflag:s21] =	ssyncset.done $0x0  }
0x362: {  	[sflag:s21] =	ssyncadd.s32 $0xFFFFC000  }
0x363: {  	v2 =	vld.msk [tilespmem:$0xF00], $0xff;
	_ =	sdelay $0x4  }
0x364: {  	v3 =	vshll.u32 v2, $0x4  }
0x365: {  	v2 =	vand.u32 $0x7, v2;
	v3 =	vand.u32 $0xFFFFFF80, v3  }
0x366: {  	v2 =	vor.u32 v2, v3  }
0x367: {  	v2 =	vperm.xlane v2, v0;
	_ =	sdelay $0x1  }
0x368: {  	v2 =	vadd.s32 v1, v2;
	_ =	sdelay $0x4  }
0x369: {  	[tilespmem:s2], [sflag:$0x3] =	stream.indirect_vreg.gather [hbm4b:s30+s3], $0x80, v2, vm0, $0xb8;
	[tilespmem:$0x1D000] =	vst v63  }
0x36a: {  	s18 =	simm.s32 $0x9800  }
0x36b: {  	[tilespmem:s18], [sflag:$0x3] =	stream.indirect_vreg.gather [hbm4b:s5+s3], $0x80, v2, vm0, $0xb8;
	[tilespmem:$0x1D000] =	vst v63  }
0x36c: {  	s20 =	simm.s32 $0xA000  }
0x36d: {  	[tilespmem:s20], [sflag:$0x3] =	stream.indirect_vreg.gather [hbm4b:s6+s3], $0x80, v2, vm0, $0xb8;
	[tilespmem:$0x1D000] =	vst v63  }
0x36e: {  	s28 =	simm.s32 $0xA800  }
0x36f: {  	[tilespmem:s28], [sflag:$0x3] =	stream.indirect_vreg.gather [hbm4b:s7+s3], $0x80, v2, vm0, $0xb8;
	[tilespmem:$0x1D000] =	vst v63  }
0x370: {  	s18 =	simm.s32 $0xB000  }
0x371: {  	[tilespmem:s18], [sflag:$0x3] =	stream.indirect_vreg.gather [hbm4b:s8+s3], $0x80, v2, vm0, $0xb8;
	[tilespmem:$0x1D000] =	vst v63  }
0x372: {  	s20 =	simm.s32 $0xB800  }
0x373: {  	[tilespmem:s20], [sflag:$0x3] =	stream.indirect_vreg.gather [hbm4b:s9+s3], $0x80, v2, vm0, $0xb8;
	[tilespmem:$0x1D000] =	vst v63  }
0x374: {  	s28 =	simm.s32 $0xC000  }
0x375: {  	[tilespmem:s28], [sflag:$0x3] =	stream.indirect_vreg.gather [hbm4b:s10+s3], $0x80, v2, vm0, $0xb8;
	[tilespmem:$0x1D000] =	vst v63  }
0x376: {  	s18 =	simm.s32 $0xC800  }
0x377: {  	[tilespmem:s18], [sflag:$0x3] =	stream.indirect_vreg.gather [hbm4b:s11+s3], $0x80, v2, vm0, $0xb8;
	[tilespmem:$0x1D000] =	vst v63  }
0x378: {  	_ =	swait.ge [sflag:s23], $0x4000  }
0x379: {  	[sflag:s23] =	ssyncset.done $0x0  }
0x37a: {  	s17 =	simm.s32 $0x15000;
	s20 =	rddreg [dreg:$0x1e];
	[sflag:s23] =	ssyncadd.s32 $0xFFFFC000  }
0x37b: {  	[hbm4b:s20+s3] =	stream.linear.scatter [tilespmem:s17], [sflag:$0xD], $0x4000, $0x38;
	[tilespmem:$0x1D000] =	vst v63  }
0x37c: {  	_ =	swait.ge [sflag:s4], $0x4000  }
0x37d: {  	[sflag:s4] =	ssyncset.done $0x0  }
0x37e: {  	[sflag:s4] =	ssyncadd.s32 $0xFFFFC000  }
0x37f: {  	v2 =	vld.msk [tilespmem:$0xF80], $0xff;
	_ =	sdelay $0x4  }
0x380: {  	v3 =	vshll.u32 v2, $0x4  }
0x381: {  	v2 =	vand.u32 $0x7, v2;
	v3 =	vand.u32 $0xFFFFFF80, v3  }
0x382: {  	v2 =	vor.u32 v2, v3  }
0x383: {  	v2 =	vperm.xlane v2, v0;
	_ =	sdelay $0x1  }
0x384: {  	v2 =	vadd.s32 v1, v2;
	_ =	sdelay $0x4  }
0x385: {  	[tilespmem:s31], [sflag:$0x4] =	stream.indirect_vreg.gather [hbm4b:s30+s3], $0x80, v2, vm0, $0xb8;
	[tilespmem:$0x1D000] =	vst v63  }
0x386: {  	s31 =	simm.s32 $0xD800  }
0x387: {  	[tilespmem:s31], [sflag:$0x4] =	stream.indirect_vreg.gather [hbm4b:s5+s3], $0x80, v2, vm0, $0xb8;
	[tilespmem:$0x1D000] =	vst v63  }
0x388: {  	s18 =	simm.s32 $0xE000  }
0x389: {  	[tilespmem:s18], [sflag:$0x4] =	stream.indirect_vreg.gather [hbm4b:s6+s3], $0x80, v2, vm0, $0xb8;
	[tilespmem:$0x1D000] =	vst v63  }
0x38a: {  	s20 =	simm.s32 $0xE800  }
0x38b: {  	[tilespmem:s20], [sflag:$0x4] =	stream.indirect_vreg.gather [hbm4b:s7+s3], $0x80, v2, vm0, $0xb8;
	[tilespmem:$0x1D000] =	vst v63  }
0x38c: {  	_ = 	snop  }
0x38d: {  	[tilespmem:s12], [sflag:$0x4] =	stream.indirect_vreg.gather [hbm4b:s8+s3], $0x80, v2, vm0, $0xb8;
	[tilespmem:$0x1D000] =	vst v63  }
0x38e: {  	s23 =	simm.s32 $0xF800  }
0x38f: {  	[tilespmem:s23], [sflag:$0x4] =	stream.indirect_vreg.gather [hbm4b:s9+s3], $0x80, v2, vm0, $0xb8;
	[tilespmem:$0x1D000] =	vst v63  }
0x390: {  	s28 =	simm.s32 $0x10000  }
0x391: {  	[tilespmem:s28], [sflag:$0x4] =	stream.indirect_vreg.gather [hbm4b:s10+s3], $0x80, v2, vm0, $0xb8;
	[tilespmem:$0x1D000] =	vst v63  }
0x392: {  	s31 =	simm.s32 $0x10800  }
0x393: {  	[tilespmem:s31], [sflag:$0x4] =	stream.indirect_vreg.gather [hbm4b:s11+s3], $0x80, v2, vm0, $0xb8;
	[tilespmem:$0x1D000] =	vst v63  }
0x394: {  	s12 =	sld [smem:$0x7F8];
	_ =	swait.ge [sflag:s24], $0x4000  }
0x395: {  	[sflag:s24] =	ssyncset.done $0x0  }
0x396: {  	s18 =	simm.s32 $0x19000;
	s2 =	rddreg [dreg:$0x1f];
	[sflag:s24] =	ssyncadd.s32 $0xFFFFC000  }
0x397: {  	[hbm4b:s2+s3] =	stream.linear.scatter [tilespmem:s18], [sflag:$0xE], $0x4000, $0x38;
	[tilespmem:$0x1D000] =	vst v63  }
0x398: {  	_ =	swait.ge [sflag:s25], $0x4000  }
0x399: {  	s20 =	sld [smem:$0x7F9]  }
0x39a: {  	[sflag:s25] =	ssyncset.done $0x0  }
0x39b: {  	s29 =	simm.s32 $0x1000;
	[sflag:s25] =	ssyncadd.s32 $0xFFFFC000  }
0x39c: {  	[hbm4b:s20+s3] =	stream.linear.scatter [tilespmem:s29], [sflag:$0x8], $0x4000, $0x38;
	[tilespmem:$0x1D000] =	vst v63  }
0x39d: {  	_ =	swait.ge [sflag:s22], $0x4000  }
0x39e: {  	s23 =	sld [smem:$0x7FA]  }
0x39f: {  	[sflag:s22] =	ssyncset.done $0x0  }
0x3a0: {  	s0 =	simm.s32 $0x5000;
	[sflag:s22] =	ssyncadd.s32 $0xFFFFC000  }
0x3a1: {  	[hbm4b:s23+s3] =	stream.linear.scatter [tilespmem:s0], [sflag:$0x9], $0x4000, $0x38;
	[tilespmem:$0x1D000] =	vst v63  }
0x3a2: {  	_ =	swait.ge [sflag:s13], $0x4000  }
0x3a3: {  	s24 =	sld [smem:$0x7FB]  }
0x3a4: {  	[sflag:s13] =	ssyncset.done $0x0  }
0x3a5: {  	s1 =	simm.s32 $0x9000;
	[sflag:s13] =	ssyncadd.s32 $0xFFFFC000  }
0x3a6: {  	[hbm4b:s24+s3] =	stream.linear.scatter [tilespmem:s1], [sflag:$0xA], $0x4000, $0x38;
	[tilespmem:$0x1D000] =	vst v63  }
0x3a7: {  	_ =	swait.ge [sflag:s16], $0x4000  }
0x3a8: {  	s29 =	sld [smem:$0x7FD]  }
0x3a9: {  	[sflag:s16] =	ssyncset.done $0x0  }
0x3aa: {  	s17 =	simm.s32 $0xD000;
	[sflag:s16] =	ssyncadd.s32 $0xFFFFC000  }
0x3ab: {  	[hbm4b:s29+s3] =	stream.linear.scatter [tilespmem:s17], [sflag:$0xB], $0x4000, $0x38;
	[tilespmem:$0x1D000] =	vst v63  }
0x3ac: {  	_ =	swait.ge [sflag:s15], $0x4000  }
0x3ad: {  	[sflag:s15] =	ssyncset.done $0x0  }
0x3ae: {  	[sflag:s15] =	ssyncadd.s32 $0xFFFFC000  }
0x3af: {  	_ =	swait.ge [sflag:s19], $0x4000  }
0x3b0: {  	[sflag:s19] =	ssyncset.done $0x0  }
0x3b1: {  	[sflag:s19] =	ssyncadd.s32 $0xFFFFC000  }
0x3b2: {  	_ =	swait.ge [sflag:s21], $0x4000  }
0x3b3: {  	[sflag:s21] =	ssyncset.done $0x0  }
0x3b4: {  	[sflag:s21] =	ssyncadd.s32 $0xFFFFC000  }
0x3b5: {  	_ =	swait.ge [sflag:s4], $0x4000  }
0x3b6: {  	[sflag:s4] =	ssyncset.done $0x0  }
0x3b7: {  	s31 =	simm.s32 $0xC;
	[sflag:s4] =	ssyncadd.s32 $0xFFFFC000  }
0x3b8: {  	_ =	swait.ge [sflag:s31], $0x4000  }
0x3b9: {  	[sflag:s31] =	ssyncset.done $0x0  }
0x3ba: {  	[sflag:s31] =	ssyncadd.s32 $0xFFFFC000  }
0x3bb: {  	p0 =	sne.s32 s12, $0x1;
	_ =	swait.ge [sflag:s26], $0x4000  }
.Ltmp0:
0x3bc: {  	[sflag:s26] =	ssyncset.done $0x0;
	(pc) =	sbr.rel @p0 .LBB2_1-.Ltmp0, $4  }
0x3bd: {  	[sflag:s26] =	ssyncadd.s32 $0xFFFFC000  }
0x3be: {  	_ =	swait.ge [sflag:s14], $0x4000  }
0x3bf: {  	[sflag:s14] =	ssyncset.done $0x0  }
0x3c0: {  	s12 =	sadd.s32 $0xFFFFFFFF, s12;
	[sflag:s14] =	ssyncadd.s32 $0xFFFFC000  }
0x3c1: {  	_ =	sfence.sel $0x180000  }
0x3c2: {  	[bflag:$0x0] =	sbarrier.arrive $0xFFFF  }
0x3c3: {  	_ =	strace $0x90000047  }
0x3c4: {  	s0 =	stileid.u32;
	[bflag:$0x2] =	sbarrier.arrive $0xFFFF  }
0x3c5: {  	p0 =	sne.s32 s0, $0x0;
	s0 =	rddreg [dreg:$0x3]  }
0x3c6: {  	s0 =	sadd.s32 @!p0 $0x100000, s0  }
0x3c7: {  	[sflag:s0] =	ssyncadd.tile.s32 @!p0 $0x1;
	_ =	shalt  }
.Lfunc_end2:
_tile_overlayer_lowered:
.L_overlay_start_2:
0x3c8: {  	(tag) =	ssettag $0x2  }
0x3c9: {  	s0 =	rddreg [dreg:$0x0];
	s2 =	stileid.u32  }
0x3ca: {  	s1 =	rddreg [dreg:$0x1];
	p0 =	sne.s32 s2, $0x0  }
0x3cb: {  	s3 =	rddreg [dreg:$0x2];
	[bflag:$0x3] =	sbarrier.arrive $0xFFFF;
	s2 =	simm.s32 @!p0 $0x1C0F  }
0x3cc: {  	[timem:s3], [sflag:s2] =	dma.local @!p0 [hbm:s0], s1  }
0x3cd: {  	s0 =	simm.s32 @!p0 $0xF  }
0x3ce: {  	_ =	swait.ge @!p0 [sflag:s0], s1  }
0x3cf: {  	s1 =	ssub.s32 @!p0 $0x0, s1;
	[sflag:s0] =	ssyncset.done @!p0 $0x0  }
0x3d0: {  	[sflag:s0] =	ssyncadd.s32 @!p0 s1  }
0x3d1: {  	[bflag:$0x3] =	sbarrier.arrive $0xFFFF  }
0x3d2: {  	_ =	shalt  }

</sc_bundles>
